<compile_context>
chip_gen: v7x
topology: tpu7x:2x2x1
jax: 0.10.2.dev20260603
libtpu: 0.0.44.dev20260713+nightly
codegen_flags: <defaults>
</compile_context>

<pallas_src>
import jax
import jax.numpy as jnp
from jax import lax
from jax.experimental import pallas as pl
from jax.experimental.pallas import tpu as pltpu
from jax.experimental.pallas import tpu_sc as plsc

_NC = 2
_NS = 16
_L = 16
_K = 64
_TR = 512
_G = 64
_BN = 1000


def _half(N):
  return -(-N // 16) * 8


def _arows(N):
  return -(-(_half(N) + _TR) // (_NS * 8)) * (_NS * 8)


def _seg_common(N, E):
  epw = E // _NS
  cap = epw + _K
  half = _half(N)
  arows = _arows(N)
  rps = arows // _NS
  return epw, cap, half, arows, rps


def _stream_loop(table_hbm, agg, src_v, dst_v, buf0, buf1, sem0, sem1,
                 ssem0, ssem1, ncc, nloop):

  def gstart(i, buf, sem):
    pltpu.async_copy(table_hbm.at[src_v.at[pl.ds(i * _K, _K)]], buf, sem)

  def gwait(i, buf, sem):
    pltpu.make_async_copy(table_hbm.at[src_v.at[pl.ds(i * _K, _K)]],
                          buf, sem).wait()

  def sstart(i, buf, sem):
    pltpu.async_copy(buf, agg.at[dst_v.at[pl.ds(i * _K, _K)]], sem,
                     add=True)

  def swait(i, buf, sem):
    pltpu.make_async_copy(buf, agg.at[dst_v.at[pl.ds(i * _K, _K)]],
                          sem).wait()

  def step(i, buf, sem, ssem, nbuf, nsem, nssem):
    @pl.when(i >= 1)
    def _():
      swait(i - 1, nbuf, nssem)

    @pl.when(i + 1 < ncc)
    def _():
      gstart(i + 1, nbuf, nsem)
    gwait(i, buf, sem)
    sstart(i, buf, ssem)

  @pl.when(ncc > 0)
  def _():
    gstart(0, buf0, sem0)

  def loop_body(i, carry):
    @pl.when(jnp.logical_and(i < ncc, i % 2 == 0))
    def _():
      step(i, buf0, sem0, ssem0, buf1, sem1, ssem1)

    @pl.when(jnp.logical_and(i < ncc, i % 2 == 1))
    def _():
      step(i, buf1, sem1, ssem1, buf0, sem0, ssem0)
    return carry

  lax.fori_loop(0, nloop, loop_body, 0)

  @pl.when(jnp.logical_and(ncc > 0, (ncc - 1) % 2 == 0))
  def _():
    swait(ncc - 1, buf0, ssem0)

  @pl.when(jnp.logical_and(ncc > 0, (ncc - 1) % 2 == 1))
  def _():
    swait(ncc - 1, buf1, ssem1)


def _make_seg_compact(N, D, E):
  epw, cap, half, arows, rps = _seg_common(N, E)
  assert epw % _L == 0 and _K % _L == 0

  mesh = plsc.VectorSubcoreMesh(core_axis_name="c", subcore_axis_name="s",
                                num_cores=_NC, num_subcores=_NS)

  def body(src_hbm, dst_hbm, table_hbm, zeros_hbm,
           out_hbm, srcc_hbm, dstc_hbm, cntc_hbm,
           src_v, dst_v, cnt_v, buf0, buf1, agg, sem0, sem1, ssem0,
           ssem1):
    c = lax.axis_index("c")
    s = lax.axis_index("s")
    lane = lax.iota(jnp.int32, _L)
    pltpu.sync_copy(zeros_hbm.at[pl.ds(s * rps, rps), :],
                    agg.at[pl.ds(s * rps, rps), :])
    pltpu.sync_copy(src_hbm.at[pl.ds(c * E + s * epw, epw)],
                    src_v.at[pl.ds(0, epw)])
    pltpu.sync_copy(dst_hbm.at[pl.ds(s * epw, epw)],
                    dst_v.at[pl.ds(0, epw)])

    lo = c * half
    def compact(g, cnt):
      d = dst_v[pl.ds(g * _L, _L)] - lo
      ok = jnp.logical_and(d >= 0, d < half)
      oki = jnp.where(ok, 1, 0)
      srcs = src_v[pl.ds(g * _L, _L)]
      packed = (srcs << 13) | jnp.where(ok, d, 0)
      sv = plsc.sort_key_val(oki, packed, descending=True)[1]
      src_v[pl.ds(cnt, _L)] = sv >> 13
      dst_v[pl.ds(cnt, _L)] = sv & ((1 << 13) - 1)
      return cnt + jnp.sum(oki)
    cnt = lax.fori_loop(0, epw // _L, compact, 0)
    ncc = (cnt + _K - 1) // _K

    def tailfix(t, carry):
      src_v[pl.ds(cnt + t * _L, _L)] = jnp.zeros((_L,), jnp.int32)
      dst_v[pl.ds(cnt + t * _L, _L)] = half + t * _L + lane
      return carry
    lax.fori_loop(0, _K // _L, tailfix, 0)

    pltpu.sync_copy(src_v, srcc_hbm.at[c, s])
    pltpu.sync_copy(dst_v, dstc_hbm.at[c, s])
    cnt_v[...] = jnp.full((_L,), cnt, jnp.int32)
    pltpu.sync_copy(cnt_v, cntc_hbm.at[c, s])
    plsc.subcore_barrier()

    _stream_loop(table_hbm, agg, src_v, dst_v, buf0, buf1, sem0, sem1,
                 ssem0, ssem1, ncc, cap // _K)

    plsc.subcore_barrier()
    pltpu.sync_copy(agg.at[pl.ds(s * rps, rps), :],
                    out_hbm.at[c, pl.ds(s * rps, rps), :])

  return pl.kernel(
      body,
      out_type=(
          jax.ShapeDtypeStruct((_NC, arows, D), jnp.float32),
          jax.ShapeDtypeStruct((_NC, _NS, cap), jnp.int32),
          jax.ShapeDtypeStruct((_NC, _NS, cap), jnp.int32),
          jax.ShapeDtypeStruct((_NC, _NS, _L), jnp.int32),
      ),
      mesh=mesh,
      compiler_params=pltpu.CompilerParams(needs_layout_passes=False),
      scratch_types=[
          pltpu.VMEM((cap,), jnp.int32),
          pltpu.VMEM((cap,), jnp.int32),
          pltpu.VMEM((_L,), jnp.int32),
          pltpu.VMEM((_K, D), jnp.float32),
          pltpu.VMEM((_K, D), jnp.float32),
          pltpu.VMEM_SHARED((arows, D), jnp.float32),
          pltpu.SemaphoreType.DMA,
          pltpu.SemaphoreType.DMA,
          pltpu.SemaphoreType.DMA,
          pltpu.SemaphoreType.DMA,
      ],
  )


def _make_seg_reuse(N, D, E, row_offset):
  epw, cap, half, arows, rps = _seg_common(N, E)

  mesh = plsc.VectorSubcoreMesh(core_axis_name="c", subcore_axis_name="s",
                                num_cores=_NC, num_subcores=_NS)

  def body(srcc_hbm, dstc_hbm, cntc_hbm, table_hbm, zeros_hbm, out_hbm,
           src_v, dst_v, cnt_v, buf0, buf1, agg, sem0, sem1, ssem0,
           ssem1):
    c = lax.axis_index("c")
    s = lax.axis_index("s")
    pltpu.sync_copy(zeros_hbm.at[pl.ds(s * rps, rps), :],
                    agg.at[pl.ds(s * rps, rps), :])
    pltpu.sync_copy(srcc_hbm.at[c, s], src_v)
    pltpu.sync_copy(dstc_hbm.at[c, s], dst_v)
    pltpu.sync_copy(cntc_hbm.at[c, s], cnt_v)
    cnt = lax.reduce_max(cnt_v[...], (0,))
    ncc = (cnt + _K - 1) // _K
    if row_offset:
      def addoff(g, carry):
        src_v[pl.ds(g * _L, _L)] = src_v[pl.ds(g * _L, _L)] + row_offset
        return carry
      lax.fori_loop(0, cap // _L, addoff, 0)
    plsc.subcore_barrier()

    _stream_loop(table_hbm, agg, src_v, dst_v, buf0, buf1, sem0, sem1,
                 ssem0, ssem1, ncc, cap // _K)

    plsc.subcore_barrier()
    pltpu.sync_copy(agg.at[pl.ds(s * rps, rps), :],
                    out_hbm.at[c, pl.ds(s * rps, rps), :])

  return pl.kernel(
      body,
      out_type=jax.ShapeDtypeStruct((_NC, arows, D), jnp.float32),
      mesh=mesh,
      compiler_params=pltpu.CompilerParams(needs_layout_passes=False),
      scratch_types=[
          pltpu.VMEM((cap,), jnp.int32),
          pltpu.VMEM((cap,), jnp.int32),
          pltpu.VMEM((_L,), jnp.int32),
          pltpu.VMEM((_K, D), jnp.float32),
          pltpu.VMEM((_K, D), jnp.float32),
          pltpu.VMEM_SHARED((arows, D), jnp.float32),
          pltpu.SemaphoreType.DMA,
          pltpu.SemaphoreType.DMA,
          pltpu.SemaphoreType.DMA,
          pltpu.SemaphoreType.DMA,
      ],
  )


def _mlp1(x, agg, W1, b1, W2, b2, eps):
  N, d_in = x.shape
  d_h = W1.shape[1]
  nb = N // _BN

  def body(eps_ref, x_ref, a_ref, w1_ref, b1_ref, w2_ref, b2_ref, out_ref):
    t = (1.0 + eps_ref[0, 0]) * x_ref[...] + a_ref[...]
    u = jnp.dot(t, w1_ref[...], preferred_element_type=jnp.float32)
    u = jnp.maximum(u + b1_ref[...], 0.0)
    h = jnp.dot(u, w2_ref[...], preferred_element_type=jnp.float32)
    h = jnp.maximum(h + b2_ref[...], 0.0)
    out_ref[0] = h[:, :d_in]
    out_ref[1] = h[:, d_in:]

  return pl.pallas_call(
      body,
      grid=(nb,),
      in_specs=[
          pl.BlockSpec(memory_space=pltpu.SMEM),
          pl.BlockSpec((_BN, d_in), lambda i: (i, 0)),
          pl.BlockSpec((_BN, d_in), lambda i: (i, 0)),
          pl.BlockSpec((d_in, d_h), lambda i: (0, 0)),
          pl.BlockSpec((1, d_h), lambda i: (0, 0)),
          pl.BlockSpec((d_h, d_h), lambda i: (0, 0)),
          pl.BlockSpec((1, d_h), lambda i: (0, 0)),
      ],
      out_specs=pl.BlockSpec((2, _BN, d_in), lambda i: (0, i, 0)),
      out_shape=jax.ShapeDtypeStruct((2, N, d_in), jnp.float32),
      compiler_params=pltpu.CompilerParams(
          dimension_semantics=("arbitrary",)),
  )(eps, x, agg, W1, b1, W2, b2)


def _mlp2_pool(h_a, h_b, agg_a, agg_b, batch3d, W3, b3, W4, b4, eps,
               W5, b5):
  N, d_in = h_a.shape
  d_h = W3.shape[1]
  d_out = W5.shape[1]
  nb = N // _BN

  def body(eps_ref, ha_ref, hb_ref, aa_ref, ab_ref, batch_ref, w3_ref,
           b3_ref, w4_ref, b4_ref, w5_ref, b5_ref, out_ref, acc, cnt):
    i = pl.program_id(0)

    @pl.when(i == 0)
    def _():
      acc[...] = jnp.zeros_like(acc)
      cnt[...] = jnp.zeros_like(cnt)

    e = 1.0 + eps_ref[0, 0]
    ta = e * ha_ref[...] + aa_ref[...]
    tb = e * hb_ref[...] + ab_ref[...]
    t = jnp.concatenate([ta, tb], axis=1)
    u = jnp.dot(t, w3_ref[...], preferred_element_type=jnp.float32)
    u = jnp.maximum(u + b3_ref[...], 0.0)
    v = jnp.dot(u, w4_ref[...], preferred_element_type=jnp.float32)
    v = jnp.maximum(v + b4_ref[...], 0.0)
    bb = batch_ref[0, 0, :].reshape(_BN, 1)
    oh = (bb == lax.broadcasted_iota(jnp.int32, (_BN, _G), 1)
          ).astype(jnp.float32)
    acc[...] += lax.dot_general(oh, v, (((0,), (0,)), ((), ())),
                                preferred_element_type=jnp.float32)
    cnt[...] += jnp.sum(oh, axis=0, keepdims=True)

    @pl.when(i == nb - 1)
    def _():
      denom = jnp.maximum(cnt[...], 1.0).reshape(_G, 1)
      pooled = acc[...] / denom
      out_ref[...] = jnp.dot(pooled, w5_ref[...],
                             preferred_element_type=jnp.float32) + b5_ref[...]

  return pl.pallas_call(
      body,
      grid=(nb,),
      in_specs=[
          pl.BlockSpec(memory_space=pltpu.SMEM),
          pl.BlockSpec((_BN, d_in), lambda i: (i, 0)),
          pl.BlockSpec((_BN, d_in), lambda i: (i, 0)),
          pl.BlockSpec((_BN, d_in), lambda i: (i, 0)),
          pl.BlockSpec((_BN, d_in), lambda i: (i, 0)),
          pl.BlockSpec((1, 1, _BN), lambda i: (i, 0, 0)),
          pl.BlockSpec((2 * d_in, d_h), lambda i: (0, 0)),
          pl.BlockSpec((1, d_h), lambda i: (0, 0)),
          pl.BlockSpec((d_h, d_h), lambda i: (0, 0)),
          pl.BlockSpec((1, d_h), lambda i: (0, 0)),
          pl.BlockSpec((d_h, d_out), lambda i: (0, 0)),
          pl.BlockSpec((1, d_out), lambda i: (0, 0)),
      ],
      out_specs=pl.BlockSpec((_G, d_out), lambda i: (0, 0)),
      out_shape=jax.ShapeDtypeStruct((_G, d_out), jnp.float32),
      scratch_shapes=[
          pltpu.VMEM((_G, d_h), jnp.float32),
          pltpu.VMEM((1, _G), jnp.float32),
      ],
      compiler_params=pltpu.CompilerParams(
          dimension_semantics=("arbitrary",)),
  )(eps, h_a, h_b, agg_a, agg_b, batch3d, W3, b3, W4, b4, W5, b5)


def kernel(x, edge_index, batch, W1, b1, W2, b2, eps1, W3, b3, W4, b4,
           eps2, W5, b5):
  N, d_in = x.shape
  E = edge_index.shape[1]
  half = _half(N)

  src = edge_index[0]
  dst = edge_index[1]
  zeros = jnp.zeros((_arows(N), d_in), jnp.float32)
  src_dup = jnp.concatenate([src, src])

  def glue(o):
    return jnp.concatenate([o[0, :half], o[1, :N - half]], axis=0)

  o1, srcc, dstc, cntc = _make_seg_compact(N, d_in, E)(
      src_dup, dst, x, zeros)
  h1 = _mlp1(x, glue(o1), W1, b1.reshape(1, -1), W2, b2.reshape(1, -1),
             eps1.reshape(1, 1))

  table2 = h1.reshape(2 * N, d_in)
  o2a = _make_seg_reuse(N, d_in, E, 0)(srcc, dstc, cntc, table2, zeros)
  o2b = _make_seg_reuse(N, d_in, E, N)(srcc, dstc, cntc, table2, zeros)

  batch3d = batch.reshape(N // _BN, 1, _BN)
  out = _mlp2_pool(h1[0], h1[1], glue(o2a), glue(o2b), batch3d, W3,
                   b3.reshape(1, -1), W4, b4.reshape(1, -1),
                   eps2.reshape(1, 1), W5, b5.reshape(1, -1))
  return out

# --- scband reference (transcript-rebuilt; emitter-appended) ---
"""Pipeline reference for scband-graph-encoder-30434138259642 (READ-ONLY COPY).

The authoritative reference and input builder live on the scoring server;
editing this copy changes nothing except your own understanding.
"""

import jax, jax.numpy as jnp
import numpy as np

N = 10000
E = 320000
D_IN = 128
D_H = 256
D_OUT = 128
G = 64


def setup_inputs(seed: int = 0) -> dict:
    key = jax.random.key(seed)
    ks = jax.random.split(key, 16)
    x = jax.random.normal(ks[0], (N, D_IN), dtype=jnp.float32)
    edge_index = jax.random.randint(ks[1], (2, E), 0, N, dtype=jnp.int32)
    batch = jnp.sort(jax.random.randint(ks[2], (N,), 0, G, dtype=jnp.int32))
    s = 0.05
    W1 = jax.random.normal(ks[3], (D_IN, D_H), dtype=jnp.float32) * s
    b1 = jnp.zeros((D_H,), dtype=jnp.float32)
    W2 = jax.random.normal(ks[4], (D_H, D_H), dtype=jnp.float32) * s
    b2 = jnp.zeros((D_H,), dtype=jnp.float32)
    eps1 = jnp.array(0.0, dtype=jnp.float32)
    W3 = jax.random.normal(ks[5], (D_H, D_H), dtype=jnp.float32) * s
    b3 = jnp.zeros((D_H,), dtype=jnp.float32)
    W4 = jax.random.normal(ks[6], (D_H, D_H), dtype=jnp.float32) * s
    b4 = jnp.zeros((D_H,), dtype=jnp.float32)
    eps2 = jnp.array(0.0, dtype=jnp.float32)
    W5 = jax.random.normal(ks[7], (D_H, D_OUT), dtype=jnp.float32) * s
    b5 = jnp.zeros((D_OUT,), dtype=jnp.float32)
    return {
        "x": x, "edge_index": edge_index, "batch": batch,
        "W1": W1, "b1": b1, "W2": W2, "b2": b2, "eps1": eps1,
        "W3": W3, "b3": b3, "W4": W4, "b4": b4, "eps2": eps2,
        "W5": W5, "b5": b5,
    }


def _gin_conv(h, edge_index, eps, Wa, ba, Wb, bb):
    src = edge_index[0]
    dst = edge_index[1]
    # message = x_j (source features), sum-aggregated at destination nodes
    agg = jax.ops.segment_sum(h[src], dst, num_segments=h.shape[0])
    out = (1.0 + eps) * h + agg
    out = jax.nn.relu(out @ Wa + ba)
    out = out @ Wb + bb
    return out


def reference(x, edge_index, batch, W1, b1, W2, b2, eps1, W3, b3, W4, b4, eps2, W5, b5):
    h = _gin_conv(x, edge_index, eps1, W1, b1, W2, b2)
    h = jax.nn.relu(h)
    h = _gin_conv(h, edge_index, eps2, W3, b3, W4, b4)
    h = jax.nn.relu(h)
    # global mean pool per graph id in `batch`
    sums = jax.ops.segment_sum(h, batch, num_segments=G)
    counts = jax.ops.segment_sum(jnp.ones((h.shape[0],), dtype=h.dtype), batch, num_segments=G)
    pooled = sums / jnp.clip(counts, 1.0)[:, None]
    out = pooled @ W5 + b5
    return out

if __name__ == "__main__":
    import jax
    _d = setup_inputs()
    print(jax.jit(kernel)(*tuple(_d.values())))

</pallas_src>

<mosaic_0001>
#map = affine_map<(d0, d1) -> (0)>
#map1 = affine_map<(d0, d1) -> (0, 0)>
#map2 = affine_map<(d0, d1) -> (0, 0, 0)>
module attributes {stable_mosaic.version = 14 : i64} {
  func.func @body(%arg0: i32, %arg1: i32, %arg2: memref<640000xi32, #tpu.memory_space<hbm>>, %arg3: memref<320000xi32, #tpu.memory_space<hbm>>, %arg4: memref<10000x128xf32, #tpu.memory_space<hbm>>, %arg5: memref<5632x128xf32, #tpu.memory_space<hbm>>, %arg6: memref<2x5632x128xf32, #tpu.memory_space<hbm>>, %arg7: memref<2x16x20064xi32, #tpu.memory_space<hbm>>, %arg8: memref<2x16x20064xi32, #tpu.memory_space<hbm>>, %arg9: memref<2x16x16xi32, #tpu.memory_space<hbm>>, %arg10: memref<20064xi32, #tpu.memory_space<vmem>>, %arg11: memref<20064xi32, #tpu.memory_space<vmem>>, %arg12: memref<16xi32, #tpu.memory_space<vmem>>, %arg13: memref<64x128xf32, #tpu.memory_space<vmem>>, %arg14: memref<64x128xf32, #tpu.memory_space<vmem>>, %arg15: memref<5632x128xf32, #tpu.memory_space<vmem_shared>>, %arg16: memref<!tpu.dma_semaphore, #tpu.memory_space<semaphore_mem>>, %arg17: memref<!tpu.dma_semaphore, #tpu.memory_space<semaphore_mem>>, %arg18: memref<!tpu.dma_semaphore, #tpu.memory_space<semaphore_mem>>, %arg19: memref<!tpu.dma_semaphore, #tpu.memory_space<semaphore_mem>>) attributes {dimension_semantics = [#tpu.dimension_semantics<core_parallel>, #tpu.dimension_semantics<subcore_parallel>], iteration_bounds = array<i64: 2, 16>, scalar_prefetch = 0 : i64, scratch_operands = 10 : i64, tpu.core_type = #tpu.core_type<sc_vector_subcore>, window_params = [{transform_indices = #map}, {transform_indices = #map}, {transform_indices = #map1}, {transform_indices = #map1}, {transform_indices = #map2}, {transform_indices = #map2}, {transform_indices = #map2}, {transform_indices = #map2}]} {
    %iota3A = tpu.iota {dimensions = array<i32: 0>} : vector<16xi32>
    %mul3A = arith.constant 352 : i32
    %mul3A_0 = arith.muli %arg1, %mul3A : i32
    %mul3A_1 = arith.constant 352 : i32
    %mul3A_2 = arith.muli %arg1, %mul3A_1 : i32
    "tpu.region"() ({
      %run_scoped3A = tpu.sem_alloc : memref<!tpu.dma_semaphore, #tpu.memory_space<semaphore_mem>>
      %dma_start3A = arith.constant 0 : i32
      %dma_start3A_107 = tpu.memref_slice %arg15[%mul3A_2, %dma_start3A] : memref<5632x128xf32, #tpu.memory_space<vmem_shared>> -> memref<352x128xf32, #tpu.memory_space<vmem_shared>>
      %dma_start3A_108 = arith.constant 0 : i32
      %dma_start3A_109 = tpu.memref_slice %arg5[%mul3A_0, %dma_start3A_108] : memref<5632x128xf32, #tpu.memory_space<hbm>> -> memref<352x128xf32, #tpu.memory_space<hbm>>
      tpu.enqueue_dma source(%dma_start3A_109 : memref<352x128xf32, #tpu.memory_space<hbm>>) target(%dma_start3A_107 : memref<352x128xf32, #tpu.memory_space<vmem_shared>>) target_semaphore(%run_scoped3A : memref<!tpu.dma_semaphore, #tpu.memory_space<semaphore_mem>>)
      %dma_wait3A = arith.constant 0 : i32
      %dma_wait3A_110 = tpu.memref_slice %arg15[%mul3A_2, %dma_wait3A] : memref<5632x128xf32, #tpu.memory_space<vmem_shared>> -> memref<352x128xf32, #tpu.memory_space<vmem_shared>>
      %dma_wait3A_111 = arith.constant 0 : i32
      %dma_wait3A_112 = tpu.memref_slice %arg5[%mul3A_0, %dma_wait3A_111] : memref<5632x128xf32, #tpu.memory_space<hbm>> -> memref<352x128xf32, #tpu.memory_space<hbm>>
      tpu.wait_dma2 semaphore(%run_scoped3A : memref<!tpu.dma_semaphore, #tpu.memory_space<semaphore_mem>>) src(%dma_wait3A_112 : memref<352x128xf32, #tpu.memory_space<hbm>>) dst(%dma_wait3A_110 : memref<352x128xf32, #tpu.memory_space<vmem_shared>>)
      tpu.yield
    }) : () -> ()
    %mul3A_3 = arith.constant 320000 : i32
    %mul3A_4 = arith.muli %arg0, %mul3A_3 : i32
    %mul3A_5 = arith.constant 20000 : i32
    %mul3A_6 = arith.muli %arg1, %mul3A_5 : i32
    %add3A = arith.addi %mul3A_4, %mul3A_6 : i32
    "tpu.region"() ({
      %run_scoped3A = tpu.sem_alloc : memref<!tpu.dma_semaphore, #tpu.memory_space<semaphore_mem>>
      %dma_start3A = arith.constant 0 : i32
      %dma_start3A_107 = tpu.memref_slice %arg10[%dma_start3A] : memref<20064xi32, #tpu.memory_space<vmem>> -> memref<20000xi32, #tpu.memory_space<vmem>>
      %dma_start3A_108 = tpu.memref_slice %arg2[%add3A] : memref<640000xi32, #tpu.memory_space<hbm>> -> memref<20000xi32, #tpu.memory_space<hbm>>
      %dma_start3A_109 = arith.constant 0 : i32
      %dma_start3A_110 = tpu.memref_slice %arg10[%dma_start3A_109] : memref<20064xi32, #tpu.memory_space<vmem>> -> memref<20000xi32, #tpu.memory_space<vmem>>
      %dma_start3A_111 = tpu.memref_slice %arg2[%add3A] : memref<640000xi32, #tpu.memory_space<hbm>> -> memref<20000xi32, #tpu.memory_space<hbm>>
      tpu.enqueue_dma source(%dma_start3A_111 : memref<20000xi32, #tpu.memory_space<hbm>>) target(%dma_start3A_110 : memref<20000xi32, #tpu.memory_space<vmem>>) target_semaphore(%run_scoped3A : memref<!tpu.dma_semaphore, #tpu.memory_space<semaphore_mem>>)
      %dma_wait3A = arith.constant 0 : i32
      %dma_wait3A_112 = tpu.memref_slice %arg10[%dma_wait3A] : memref<20064xi32, #tpu.memory_space<vmem>> -> memref<20000xi32, #tpu.memory_space<vmem>>
      %dma_wait3A_113 = tpu.memref_slice %arg2[%add3A] : memref<640000xi32, #tpu.memory_space<hbm>> -> memref<20000xi32, #tpu.memory_space<hbm>>
      %dma_wait3A_114 = arith.constant 0 : i32
      %dma_wait3A_115 = tpu.memref_slice %arg10[%dma_wait3A_114] : memref<20064xi32, #tpu.memory_space<vmem>> -> memref<20000xi32, #tpu.memory_space<vmem>>
      %dma_wait3A_116 = tpu.memref_slice %arg2[%add3A] : memref<640000xi32, #tpu.memory_space<hbm>> -> memref<20000xi32, #tpu.memory_space<hbm>>
      tpu.wait_dma2 semaphore(%run_scoped3A : memref<!tpu.dma_semaphore, #tpu.memory_space<semaphore_mem>>) src(%dma_wait3A_116 : memref<20000xi32, #tpu.memory_space<hbm>>) dst(%dma_wait3A_115 : memref<20000xi32, #tpu.memory_space<vmem>>)
      tpu.yield
    }) : () -> ()
    %mul3A_7 = arith.constant 20000 : i32
    %mul3A_8 = arith.muli %arg1, %mul3A_7 : i32
    "tpu.region"() ({
      %run_scoped3A = tpu.sem_alloc : memref<!tpu.dma_semaphore, #tpu.memory_space<semaphore_mem>>
      %dma_start3A = arith.constant 0 : i32
      %dma_start3A_107 = tpu.memref_slice %arg11[%dma_start3A] : memref<20064xi32, #tpu.memory_space<vmem>> -> memref<20000xi32, #tpu.memory_space<vmem>>
      %dma_start3A_108 = tpu.memref_slice %arg3[%mul3A_8] : memref<320000xi32, #tpu.memory_space<hbm>> -> memref<20000xi32, #tpu.memory_space<hbm>>
      %dma_start3A_109 = arith.constant 0 : i32
      %dma_start3A_110 = tpu.memref_slice %arg11[%dma_start3A_109] : memref<20064xi32, #tpu.memory_space<vmem>> -> memref<20000xi32, #tpu.memory_space<vmem>>
      %dma_start3A_111 = tpu.memref_slice %arg3[%mul3A_8] : memref<320000xi32, #tpu.memory_space<hbm>> -> memref<20000xi32, #tpu.memory_space<hbm>>
      tpu.enqueue_dma source(%dma_start3A_111 : memref<20000xi32, #tpu.memory_space<hbm>>) target(%dma_start3A_110 : memref<20000xi32, #tpu.memory_space<vmem>>) target_semaphore(%run_scoped3A : memref<!tpu.dma_semaphore, #tpu.memory_space<semaphore_mem>>)
      %dma_wait3A = arith.constant 0 : i32
      %dma_wait3A_112 = tpu.memref_slice %arg11[%dma_wait3A] : memref<20064xi32, #tpu.memory_space<vmem>> -> memref<20000xi32, #tpu.memory_space<vmem>>
      %dma_wait3A_113 = tpu.memref_slice %arg3[%mul3A_8] : memref<320000xi32, #tpu.memory_space<hbm>> -> memref<20000xi32, #tpu.memory_space<hbm>>
      %dma_wait3A_114 = arith.constant 0 : i32
      %dma_wait3A_115 = tpu.memref_slice %arg11[%dma_wait3A_114] : memref<20064xi32, #tpu.memory_space<vmem>> -> memref<20000xi32, #tpu.memory_space<vmem>>
      %dma_wait3A_116 = tpu.memref_slice %arg3[%mul3A_8] : memref<320000xi32, #tpu.memory_space<hbm>> -> memref<20000xi32, #tpu.memory_space<hbm>>
      tpu.wait_dma2 semaphore(%run_scoped3A : memref<!tpu.dma_semaphore, #tpu.memory_space<semaphore_mem>>) src(%dma_wait3A_116 : memref<20000xi32, #tpu.memory_space<hbm>>) dst(%dma_wait3A_115 : memref<20000xi32, #tpu.memory_space<vmem>>)
      tpu.yield
    }) : () -> ()
    %mul3A_9 = arith.constant 5000 : i32
    %mul3A_10 = arith.muli %arg0, %mul3A_9 : i32
    %scan3A = arith.constant 0 : i32
    %scan3A_11 = arith.constant 0 : i32
    %scan3A_12 = arith.constant 1250 : i32
    %scan3A_13 = arith.addi %scan3A_11, %scan3A_12 : i32
    %scan3A_14 = arith.constant 1 : i32
    %scan3A_15 = scf.for %scan3A_107 = %scan3A_11 to %scan3A_13 step %scan3A_14 iter_args(%scan3A_108 = %scan3A) -> (i32)  : i32 {
      %mul3A_109 = arith.constant 16 : i32
      %mul3A_110 = arith.muli %scan3A_107, %mul3A_109 : i32
      %get3A = arith.index_cast %mul3A_110 : i32 to index
      %get3A_111 = tpu.vector_load %arg11[%get3A] {strides = array<i32>} : memref<20064xi32, #tpu.memory_space<vmem>>, vector<16xi32>,
      %sub3A_112 = vector.broadcast %mul3A_10 : i32 to vector<16xi32>
      %sub3A_113 = arith.subi %get3A_111, %sub3A_112 : vector<16xi32>
      %ge3A = arith.constant 0 : i32
      %ge3A_114 = vector.broadcast %ge3A : i32 to vector<16xi32>
      %ge3A_115 = arith.cmpi sge, %sub3A_113, %ge3A_114 : vector<16xi32>
      %lt3A_116 = arith.constant 5000 : i32
      %lt3A_117 = vector.broadcast %lt3A_116 : i32 to vector<16xi32>
      %lt3A_118 = arith.cmpi slt, %sub3A_113, %lt3A_117 : vector<16xi32>
      %and3A_119 = arith.andi %ge3A_115, %lt3A_118 : vector<16xi1>
      %jit3A_120 = arith.constant 1 : i32
      %jit3A_121 = arith.constant 0 : i32
      %broadcast_in_dim3A_122 = vector.broadcast %jit3A_120 : i32 to vector<16xi32>
      %broadcast_in_dim3A_123 = vector.broadcast %jit3A_121 : i32 to vector<16xi32>
      %select_n3A_124 = arith.select %and3A_119, %broadcast_in_dim3A_122, %broadcast_in_dim3A_123 : vector<16xi1>, vector<16xi32>
      %mul3A_125 = arith.constant 16 : i32
      %mul3A_126 = arith.muli %scan3A_107, %mul3A_125 : i32
      %get3A_127 = arith.index_cast %mul3A_126 : i32 to index
      %get3A_128 = tpu.vector_load %arg10[%get3A_127] {strides = array<i32>} : memref<20064xi32, #tpu.memory_space<vmem>>, vector<16xi32>,
      %shift_left3A = arith.constant 13 : i32
      %shift_left3A_129 = vector.broadcast %shift_left3A : i32 to vector<16xi32>
      %shift_left3A_130 = arith.shli %get3A_128, %shift_left3A_129 : vector<16xi32>
      %jit3A_131 = arith.constant 0 : i32
      %broadcast_in_dim3A_132 = vector.broadcast %jit3A_131 : i32 to vector<16xi32>
      %select_n3A_133 = arith.select %and3A_119, %sub3A_113, %broadcast_in_dim3A_132 : vector<16xi1>, vector<16xi32>
      %or3A = arith.ori %shift_left3A_130, %select_n3A_133 : vector<16xi32>
      %masked_sort3A = arith.constant dense<true> : vector<16xi1>
      %masked_sort3A_134 = arith.constant -2147483648 : i32
      %masked_sort3A_135 = vector.broadcast %masked_sort3A_134 : i32 to vector<16xi32>
      %masked_sort3A_136 = arith.xori %select_n3A_124, %masked_sort3A_135 : vector<16xi32>
      %masked_sort3A_137, %masked_sort3A_138, %masked_sort3A_139 = tpu.sort %masked_sort3A_136, %or3A masked %masked_sort3A {descending = true} : (vector<16xi32>, vector<16xi32>, vector<16xi1>) -> (vector<16xi1>, vector<16xi32>, vector<16xi32>)
      %masked_sort3A_140 = arith.xori %masked_sort3A_138, %masked_sort3A_135 : vector<16xi32>
      %shift_right_arithmetic3A = arith.constant 13 : i32
      %shift_right_arithmetic3A_141 = vector.broadcast %shift_right_arithmetic3A : i32 to vector<16xi32>
      %shift_right_arithmetic3A_142 = arith.shrsi %masked_sort3A_139, %shift_right_arithmetic3A_141 : vector<16xi32>
      %swap3A_143 = arith.index_cast %scan3A_108 : i32 to index
      %swap3A_144 = tpu.vector_load %arg10[%swap3A_143] {strides = array<i32>} : memref<20064xi32, #tpu.memory_space<vmem>>, vector<16xi32>,
      tpu.vector_store %arg10[%swap3A_143], %shift_right_arithmetic3A_142 {strides = array<i32>} : memref<20064xi32, #tpu.memory_space<vmem>>, vector<16xi32>,
      %and3A_145 = arith.constant 8191 : i32
      %and3A_146 = vector.broadcast %and3A_145 : i32 to vector<16xi32>
      %and3A_147 = arith.andi %masked_sort3A_139, %and3A_146 : vector<16xi32>
      %swap3A_148 = arith.index_cast %scan3A_108 : i32 to index
      %swap3A_149 = tpu.vector_load %arg11[%swap3A_148] {strides = array<i32>} : memref<20064xi32, #tpu.memory_space<vmem>>, vector<16xi32>,
      tpu.vector_store %arg11[%swap3A_148], %and3A_147 {strides = array<i32>} : memref<20064xi32, #tpu.memory_space<vmem>>, vector<16xi32>,
      %reduce_sum3A = arith.constant true
      %reduce_sum3A_150 = vector.broadcast %reduce_sum3A : i1 to vector<16xi1>
      %reduce_sum3A_151 = tpu.scan <sum>, %select_n3A_124 masked %reduce_sum3A_150 : vector<16xi32>, vector<16xi1> -> vector<16xi32>
      %reduce_sum3A_152 = vector.extract %reduce_sum3A_151[15] : i32 from vector<16xi32>
      %add3A_153 = arith.addi %scan3A_108, %reduce_sum3A_152 : i32
      scf.yield %add3A_153 : i32
    }
    %scan3A_16 = arith.constant 1250 : i32
    %add3A_17 = arith.constant 64 : i32
    %add3A_18 = arith.addi %scan3A_15, %add3A_17 : i32
    %sub3A = arith.constant 1 : i32
    %sub3A_19 = arith.subi %add3A_18, %sub3A : i32
    %jit3A = arith.constant 64 : i32
    %div3A = arith.divsi %sub3A_19, %jit3A : i32
    %sign3A = arith.constant 0 : i32
    %sign3A_20 = arith.cmpi sgt, %sub3A_19, %sign3A : i32
    %sign3A_21 = arith.extui %sign3A_20 : i1 to i32
    %sign3A_22 = arith.constant 0 : i32
    %sign3A_23 = arith.cmpi slt, %sub3A_19, %sign3A_22 : i32
    %sign3A_24 = arith.extui %sign3A_23 : i1 to i32
    %sign3A_25 = arith.subi %sign3A_21, %sign3A_24 : i32
    %sign3A_26 = arith.constant 0 : i32
    %sign3A_27 = arith.cmpi sgt, %jit3A, %sign3A_26 : i32
    %sign3A_28 = arith.extui %sign3A_27 : i1 to i32
    %sign3A_29 = arith.constant 0 : i32
    %sign3A_30 = arith.cmpi slt, %jit3A, %sign3A_29 : i32
    %sign3A_31 = arith.extui %sign3A_30 : i1 to i32
    %sign3A_32 = arith.subi %sign3A_28, %sign3A_31 : i32
    %ne3A = arith.cmpi ne, %sign3A_25, %sign3A_32 : i32
    %rem3A = arith.remsi %sub3A_19, %jit3A : i32
    %ne3A_33 = arith.constant 0 : i32
    %ne3A_34 = arith.cmpi ne, %rem3A, %ne3A_33 : i32
    %and3A = arith.andi %ne3A, %ne3A_34 : i1
    %sub3A_35 = arith.constant 1 : i32
    %sub3A_36 = arith.subi %div3A, %sub3A_35 : i32
    %select_n3A = arith.select %and3A, %sub3A_36, %div3A : i32
    %scan3A_37 = arith.constant 0 : i32
    %scan3A_38 = arith.constant 0 : i32
    %scan3A_39 = arith.constant 4 : i32
    %scan3A_40 = arith.addi %scan3A_38, %scan3A_39 : i32
    %scan3A_41 = arith.constant 1 : i32
    scf.for %scan3A_107 = %scan3A_38 to %scan3A_40 step %scan3A_41  : i32 {
      %broadcast_in_dim3A_108 = arith.constant 0 : i32
      %broadcast_in_dim3A_109 = vector.broadcast %broadcast_in_dim3A_108 : i32 to vector<16xi32>
      %mul3A_110 = arith.constant 16 : i32
      %mul3A_111 = arith.muli %scan3A_107, %mul3A_110 : i32
      %add3A_112 = arith.addi %scan3A_15, %mul3A_111 : i32
      %swap3A_113 = arith.index_cast %add3A_112 : i32 to index
      %swap3A_114 = tpu.vector_load %arg10[%swap3A_113] {strides = array<i32>} : memref<20064xi32, #tpu.memory_space<vmem>>, vector<16xi32>,
      tpu.vector_store %arg10[%swap3A_113], %broadcast_in_dim3A_109 {strides = array<i32>} : memref<20064xi32, #tpu.memory_space<vmem>>, vector<16xi32>,
      %mul3A_115 = arith.constant 16 : i32
      %mul3A_116 = arith.muli %scan3A_107, %mul3A_115 : i32
      %add3A_117 = arith.constant 5000 : i32
      %add3A_118 = arith.addi %add3A_117, %mul3A_116 : i32
      %add3A_119 = vector.broadcast %add3A_118 : i32 to vector<16xi32>
      %add3A_120 = arith.addi %add3A_119, %iota3A : vector<16xi32>
      %mul3A_121 = arith.constant 16 : i32
      %mul3A_122 = arith.muli %scan3A_107, %mul3A_121 : i32
      %add3A_123 = arith.addi %scan3A_15, %mul3A_122 : i32
      %swap3A_124 = arith.index_cast %add3A_123 : i32 to index
      %swap3A_125 = tpu.vector_load %arg11[%swap3A_124] {strides = array<i32>} : memref<20064xi32, #tpu.memory_space<vmem>>, vector<16xi32>,
      tpu.vector_store %arg11[%swap3A_124], %add3A_120 {strides = array<i32>} : memref<20064xi32, #tpu.memory_space<vmem>>, vector<16xi32>,
    }
    %scan3A_42 = arith.constant 4 : i32
    "tpu.region"() ({
      %run_scoped3A = tpu.sem_alloc : memref<!tpu.dma_semaphore, #tpu.memory_space<semaphore_mem>>
      %dma_start3A = arith.constant 0 : i32
      %dma_start3A_107 = tpu.memref_slice %arg7[%arg0, %arg1, %dma_start3A] : memref<2x16x20064xi32, #tpu.memory_space<hbm>> -> memref<1x1x20064xi32, #tpu.memory_space<hbm>>
      %dma_start3A_108 = tpu.memref_squeeze %dma_start3A_107 : memref<1x1x20064xi32, #tpu.memory_space<hbm>> -> memref<20064xi32, #tpu.memory_space<hbm>>
      %dma_start3A_109 = arith.constant 0 : i32
      %dma_start3A_110 = tpu.memref_slice %arg7[%arg0, %arg1, %dma_start3A_109] : memref<2x16x20064xi32, #tpu.memory_space<hbm>> -> memref<1x1x20064xi32, #tpu.memory_space<hbm>>
      %dma_start3A_111 = tpu.memref_squeeze %dma_start3A_110 : memref<1x1x20064xi32, #tpu.memory_space<hbm>> -> memref<20064xi32, #tpu.memory_space<hbm>>
      tpu.enqueue_dma source(%arg10 : memref<20064xi32, #tpu.memory_space<vmem>>) target(%dma_start3A_111 : memref<20064xi32, #tpu.memory_space<hbm>>) target_semaphore(%run_scoped3A : memref<!tpu.dma_semaphore, #tpu.memory_space<semaphore_mem>>)
      %dma_wait3A = arith.constant 0 : i32
      %dma_wait3A_112 = tpu.memref_slice %arg7[%arg0, %arg1, %dma_wait3A] : memref<2x16x20064xi32, #tpu.memory_space<hbm>> -> memref<1x1x20064xi32, #tpu.memory_space<hbm>>
      %dma_wait3A_113 = tpu.memref_squeeze %dma_wait3A_112 : memref<1x1x20064xi32, #tpu.memory_space<hbm>> -> memref<20064xi32, #tpu.memory_space<hbm>>
      %dma_wait3A_114 = arith.constant 0 : i32
      %dma_wait3A_115 = tpu.memref_slice %arg7[%arg0, %arg1, %dma_wait3A_114] : memref<2x16x20064xi32, #tpu.memory_space<hbm>> -> memref<1x1x20064xi32, #tpu.memory_space<hbm>>
      %dma_wait3A_116 = tpu.memref_squeeze %dma_wait3A_115 : memref<1x1x20064xi32, #tpu.memory_space<hbm>> -> memref<20064xi32, #tpu.memory_space<hbm>>
      tpu.wait_dma2 semaphore(%run_scoped3A : memref<!tpu.dma_semaphore, #tpu.memory_space<semaphore_mem>>) src(%arg10 : memref<20064xi32, #tpu.memory_space<vmem>>) dst(%dma_wait3A_116 : memref<20064xi32, #tpu.memory_space<hbm>>)
      tpu.yield
    }) : () -> ()
    "tpu.region"() ({
      %run_scoped3A = tpu.sem_alloc : memref<!tpu.dma_semaphore, #tpu.memory_space<semaphore_mem>>
      %dma_start3A = arith.constant 0 : i32
      %dma_start3A_107 = tpu.memref_slice %arg8[%arg0, %arg1, %dma_start3A] : memref<2x16x20064xi32, #tpu.memory_space<hbm>> -> memref<1x1x20064xi32, #tpu.memory_space<hbm>>
      %dma_start3A_108 = tpu.memref_squeeze %dma_start3A_107 : memref<1x1x20064xi32, #tpu.memory_space<hbm>> -> memref<20064xi32, #tpu.memory_space<hbm>>
      %dma_start3A_109 = arith.constant 0 : i32
      %dma_start3A_110 = tpu.memref_slice %arg8[%arg0, %arg1, %dma_start3A_109] : memref<2x16x20064xi32, #tpu.memory_space<hbm>> -> memref<1x1x20064xi32, #tpu.memory_space<hbm>>
      %dma_start3A_111 = tpu.memref_squeeze %dma_start3A_110 : memref<1x1x20064xi32, #tpu.memory_space<hbm>> -> memref<20064xi32, #tpu.memory_space<hbm>>
      tpu.enqueue_dma source(%arg11 : memref<20064xi32, #tpu.memory_space<vmem>>) target(%dma_start3A_111 : memref<20064xi32, #tpu.memory_space<hbm>>) target_semaphore(%run_scoped3A : memref<!tpu.dma_semaphore, #tpu.memory_space<semaphore_mem>>)
      %dma_wait3A = arith.constant 0 : i32
      %dma_wait3A_112 = tpu.memref_slice %arg8[%arg0, %arg1, %dma_wait3A] : memref<2x16x20064xi32, #tpu.memory_space<hbm>> -> memref<1x1x20064xi32, #tpu.memory_space<hbm>>
      %dma_wait3A_113 = tpu.memref_squeeze %dma_wait3A_112 : memref<1x1x20064xi32, #tpu.memory_space<hbm>> -> memref<20064xi32, #tpu.memory_space<hbm>>
      %dma_wait3A_114 = arith.constant 0 : i32
      %dma_wait3A_115 = tpu.memref_slice %arg8[%arg0, %arg1, %dma_wait3A_114] : memref<2x16x20064xi32, #tpu.memory_space<hbm>> -> memref<1x1x20064xi32, #tpu.memory_space<hbm>>
      %dma_wait3A_116 = tpu.memref_squeeze %dma_wait3A_115 : memref<1x1x20064xi32, #tpu.memory_space<hbm>> -> memref<20064xi32, #tpu.memory_space<hbm>>
      tpu.wait_dma2 semaphore(%run_scoped3A : memref<!tpu.dma_semaphore, #tpu.memory_space<semaphore_mem>>) src(%arg11 : memref<20064xi32, #tpu.memory_space<vmem>>) dst(%dma_wait3A_116 : memref<20064xi32, #tpu.memory_space<hbm>>)
      tpu.yield
    }) : () -> ()
    %broadcast_in_dim3A = vector.broadcast %scan3A_15 : i32 to vector<16xi32>
    %swap3A = arith.constant 0 : index
    %swap3A_43 = tpu.vector_load %arg12[%swap3A] {strides = array<i32>} : memref<16xi32, #tpu.memory_space<vmem>>, vector<16xi32>,
    tpu.vector_store %arg12[%swap3A], %broadcast_in_dim3A {strides = array<i32>} : memref<16xi32, #tpu.memory_space<vmem>>, vector<16xi32>,
    "tpu.region"() ({
      %run_scoped3A = tpu.sem_alloc : memref<!tpu.dma_semaphore, #tpu.memory_space<semaphore_mem>>
      %dma_start3A = arith.constant 0 : i32
      %dma_start3A_107 = tpu.memref_slice %arg9[%arg0, %arg1, %dma_start3A] : memref<2x16x16xi32, #tpu.memory_space<hbm>> -> memref<1x1x16xi32, #tpu.memory_space<hbm>>
      %dma_start3A_108 = tpu.memref_squeeze %dma_start3A_107 : memref<1x1x16xi32, #tpu.memory_space<hbm>> -> memref<16xi32, #tpu.memory_space<hbm>>
      %dma_start3A_109 = arith.constant 0 : i32
      %dma_start3A_110 = tpu.memref_slice %arg9[%arg0, %arg1, %dma_start3A_109] : memref<2x16x16xi32, #tpu.memory_space<hbm>> -> memref<1x1x16xi32, #tpu.memory_space<hbm>>
      %dma_start3A_111 = tpu.memref_squeeze %dma_start3A_110 : memref<1x1x16xi32, #tpu.memory_space<hbm>> -> memref<16xi32, #tpu.memory_space<hbm>>
      tpu.enqueue_dma source(%arg12 : memref<16xi32, #tpu.memory_space<vmem>>) target(%dma_start3A_111 : memref<16xi32, #tpu.memory_space<hbm>>) target_semaphore(%run_scoped3A : memref<!tpu.dma_semaphore, #tpu.memory_space<semaphore_mem>>)
      %dma_wait3A = arith.constant 0 : i32
      %dma_wait3A_112 = tpu.memref_slice %arg9[%arg0, %arg1, %dma_wait3A] : memref<2x16x16xi32, #tpu.memory_space<hbm>> -> memref<1x1x16xi32, #tpu.memory_space<hbm>>
      %dma_wait3A_113 = tpu.memref_squeeze %dma_wait3A_112 : memref<1x1x16xi32, #tpu.memory_space<hbm>> -> memref<16xi32, #tpu.memory_space<hbm>>
      %dma_wait3A_114 = arith.constant 0 : i32
      %dma_wait3A_115 = tpu.memref_slice %arg9[%arg0, %arg1, %dma_wait3A_114] : memref<2x16x16xi32, #tpu.memory_space<hbm>> -> memref<1x1x16xi32, #tpu.memory_space<hbm>>
      %dma_wait3A_116 = tpu.memref_squeeze %dma_wait3A_115 : memref<1x1x16xi32, #tpu.memory_space<hbm>> -> memref<16xi32, #tpu.memory_space<hbm>>
      tpu.wait_dma2 semaphore(%run_scoped3A : memref<!tpu.dma_semaphore, #tpu.memory_space<semaphore_mem>>) src(%arg12 : memref<16xi32, #tpu.memory_space<vmem>>) dst(%dma_wait3A_116 : memref<16xi32, #tpu.memory_space<hbm>>)
      tpu.yield
    }) : () -> ()
    %barrier3A = arith.constant 0 : index
    tpu.barrier barrier_id(%barrier3A)
    %gt3A = arith.constant 0 : i32
    %gt3A_44 = arith.cmpi sgt, %select_n3A, %gt3A : i32
    %convert_element_type3A = arith.extui %gt3A_44 : i1 to i32
    %cond3A = arith.constant 0 : i32
    %cond3A_45 = arith.cmpi ne, %convert_element_type3A, %cond3A : i32
    scf.if %cond3A_45 {
      %dma_start3A = arith.constant 0 : i32
      %dma_start3A_107 = tpu.memref_slice %arg10[%dma_start3A] : memref<20064xi32, #tpu.memory_space<vmem>> -> memref<64xi32, #tpu.memory_space<vmem>>
      %dma_start3A_108 = arith.constant 0 : i32
      %dma_start3A_109 = arith.constant 0 : i32
      %dma_start3A_110 = tpu.memref_slice %arg4[%dma_start3A_108, %dma_start3A_109] : memref<10000x128xf32, #tpu.memory_space<hbm>> -> memref<10000x128xf32, #tpu.memory_space<hbm>>
      tpu.enqueue_indirect_dma source(%dma_start3A_110 : memref<10000x128xf32, #tpu.memory_space<hbm>>) target(%arg13 : memref<64x128xf32, #tpu.memory_space<vmem>>) offsets(%dma_start3A_107 : memref<64xi32, #tpu.memory_space<vmem>>) semaphore(%arg16 : memref<!tpu.dma_semaphore, #tpu.memory_space<semaphore_mem>>)
    } else {
    }
    %scan3A_46 = arith.constant 0 : i32
    %scan3A_47 = arith.constant 0 : i32
    %scan3A_48 = arith.constant 313 : i32
    %scan3A_49 = arith.addi %scan3A_47, %scan3A_48 : i32
    %scan3A_50 = arith.constant 1 : i32
    scf.for %scan3A_107 = %scan3A_47 to %scan3A_49 step %scan3A_50  : i32 {
      %lt3A_108 = arith.cmpi slt, %scan3A_107, %select_n3A : i32
      %jit3A_109 = arith.constant 2 : i32
      %eq3A_110 = arith.constant 0 : i32
      %eq3A_111 = arith.cmpi eq, %jit3A_109, %eq3A_110 : i32
      %jit3A_112 = arith.constant 1 : i32
      %select_n3A_113 = arith.select %eq3A_111, %jit3A_112, %jit3A_109 : i32
      %rem3A_114 = arith.remsi %scan3A_107, %select_n3A_113 : i32
      %ne3A_115 = arith.constant 0 : i32
      %ne3A_116 = arith.cmpi ne, %rem3A_114, %ne3A_115 : i32
      %lt3A_117 = arith.constant 0 : i32
      %lt3A_118 = arith.cmpi slt, %rem3A_114, %lt3A_117 : i32
      %lt3A_119 = arith.constant 0 : i32
      %lt3A_120 = arith.cmpi slt, %select_n3A_113, %lt3A_119 : i32
      %ne3A_121 = arith.xori %lt3A_118, %lt3A_120 : i1
      %and3A_122 = arith.andi %ne3A_121, %ne3A_116 : i1
      %add3A_123 = arith.addi %rem3A_114, %select_n3A_113 : i32
      %select_n3A_124 = arith.select %and3A_122, %add3A_123, %rem3A_114 : i32
      %eq3A_125 = arith.constant 0 : i32
      %eq3A_126 = arith.cmpi eq, %select_n3A_124, %eq3A_125 : i32
      %and3A_127 = arith.andi %lt3A_108, %eq3A_126 : i1
      %convert_element_type3A_128 = arith.extui %and3A_127 : i1 to i32
      %cond3A_129 = arith.constant 0 : i32
      %cond3A_130 = arith.cmpi ne, %convert_element_type3A_128, %cond3A_129 : i32
      scf.if %cond3A_130 {
        %ge3A = arith.constant 1 : i32
        %ge3A_154 = arith.cmpi sge, %scan3A_107, %ge3A : i32
        %convert_element_type3A_155 = arith.extui %ge3A_154 : i1 to i32
        %cond3A_156 = arith.constant 0 : i32
        %cond3A_157 = arith.cmpi ne, %convert_element_type3A_155, %cond3A_156 : i32
        scf.if %cond3A_157 {
          %sub3A_174 = arith.constant 1 : i32
          %sub3A_175 = arith.subi %scan3A_107, %sub3A_174 : i32
          %mul3A_176 = arith.constant 64 : i32
          %mul3A_177 = arith.muli %sub3A_175, %mul3A_176 : i32
          %dma_wait3A_178 = tpu.memref_slice %arg11[%mul3A_177] : memref<20064xi32, #tpu.memory_space<vmem>> -> memref<64xi32, #tpu.memory_space<vmem>>
          %dma_wait3A_179 = arith.constant 0 : i32
          %dma_wait3A_180 = arith.constant 0 : i32
          %dma_wait3A_181 = tpu.memref_slice %arg15[%dma_wait3A_179, %dma_wait3A_180] : memref<5632x128xf32, #tpu.memory_space<vmem_shared>> -> memref<5632x128xf32, #tpu.memory_space<vmem_shared>>
          tpu.wait_indirect_dma semaphore(%arg19 : memref<!tpu.dma_semaphore, #tpu.memory_space<semaphore_mem>>) src(%arg14 : memref<64x128xf32, #tpu.memory_space<vmem>>) dst(%dma_wait3A_181 : memref<5632x128xf32, #tpu.memory_space<vmem_shared>>)
        } else {
        }
        %add3A_158 = arith.constant 1 : i32
        %add3A_159 = arith.addi %scan3A_107, %add3A_158 : i32
        %lt3A_160 = arith.cmpi slt, %add3A_159, %select_n3A : i32
        %convert_element_type3A_161 = arith.extui %lt3A_160 : i1 to i32
        %cond3A_162 = arith.constant 0 : i32
        %cond3A_163 = arith.cmpi ne, %convert_element_type3A_161, %cond3A_162 : i32
        scf.if %cond3A_163 {
          %add3A_174 = arith.constant 1 : i32
          %add3A_175 = arith.addi %scan3A_107, %add3A_174 : i32
          %mul3A_176 = arith.constant 64 : i32
          %mul3A_177 = arith.muli %add3A_175, %mul3A_176 : i32
          %dma_start3A_178 = tpu.memref_slice %arg10[%mul3A_177] : memref<20064xi32, #tpu.memory_space<vmem>> -> memref<64xi32, #tpu.memory_space<vmem>>
          %dma_start3A_179 = arith.constant 0 : i32
          %dma_start3A_180 = arith.constant 0 : i32
          %dma_start3A_181 = tpu.memref_slice %arg4[%dma_start3A_179, %dma_start3A_180] : memref<10000x128xf32, #tpu.memory_space<hbm>> -> memref<10000x128xf32, #tpu.memory_space<hbm>>
          tpu.enqueue_indirect_dma source(%dma_start3A_181 : memref<10000x128xf32, #tpu.memory_space<hbm>>) target(%arg14 : memref<64x128xf32, #tpu.memory_space<vmem>>) offsets(%dma_start3A_178 : memref<64xi32, #tpu.memory_space<vmem>>) semaphore(%arg17 : memref<!tpu.dma_semaphore, #tpu.memory_space<semaphore_mem>>)
        } else {
        }
        %mul3A_164 = arith.constant 64 : i32
        %mul3A_165 = arith.muli %scan3A_107, %mul3A_164 : i32
        %dma_wait3A = tpu.memref_slice %arg10[%mul3A_165] : memref<20064xi32, #tpu.memory_space<vmem>> -> memref<64xi32, #tpu.memory_space<vmem>>
        %dma_wait3A_166 = arith.constant 0 : i32
        %dma_wait3A_167 = arith.constant 0 : i32
        %dma_wait3A_168 = tpu.memref_slice %arg4[%dma_wait3A_166, %dma_wait3A_167] : memref<10000x128xf32, #tpu.memory_space<hbm>> -> memref<10000x128xf32, #tpu.memory_space<hbm>>
        tpu.wait_indirect_dma semaphore(%arg16 : memref<!tpu.dma_semaphore, #tpu.memory_space<semaphore_mem>>) src(%dma_wait3A_168 : memref<10000x128xf32, #tpu.memory_space<hbm>>) dst(%arg13 : memref<64x128xf32, #tpu.memory_space<vmem>>)
        %mul3A_169 = arith.constant 64 : i32
        %mul3A_170 = arith.muli %scan3A_107, %mul3A_169 : i32
        %dma_start3A = tpu.memref_slice %arg11[%mul3A_170] : memref<20064xi32, #tpu.memory_space<vmem>> -> memref<64xi32, #tpu.memory_space<vmem>>
        %dma_start3A_171 = arith.constant 0 : i32
        %dma_start3A_172 = arith.constant 0 : i32
        %dma_start3A_173 = tpu.memref_slice %arg15[%dma_start3A_171, %dma_start3A_172] : memref<5632x128xf32, #tpu.memory_space<vmem_shared>> -> memref<5632x128xf32, #tpu.memory_space<vmem_shared>>
        tpu.enqueue_indirect_dma source(%arg13 : memref<64x128xf32, #tpu.memory_space<vmem>>) target(%dma_start3A_173 : memref<5632x128xf32, #tpu.memory_space<vmem_shared>>) offsets(%dma_start3A : memref<64xi32, #tpu.memory_space<vmem>>) semaphore(%arg18 : memref<!tpu.dma_semaphore, #tpu.memory_space<semaphore_mem>>) {add = true}
      } else {
      }
      %lt3A_131 = arith.cmpi slt, %scan3A_107, %select_n3A : i32
      %jit3A_132 = arith.constant 2 : i32
      %eq3A_133 = arith.constant 0 : i32
      %eq3A_134 = arith.cmpi eq, %jit3A_132, %eq3A_133 : i32
      %jit3A_135 = arith.constant 1 : i32
      %select_n3A_136 = arith.select %eq3A_134, %jit3A_135, %jit3A_132 : i32
      %rem3A_137 = arith.remsi %scan3A_107, %select_n3A_136 : i32
      %ne3A_138 = arith.constant 0 : i32
      %ne3A_139 = arith.cmpi ne, %rem3A_137, %ne3A_138 : i32
      %lt3A_140 = arith.constant 0 : i32
      %lt3A_141 = arith.cmpi slt, %rem3A_137, %lt3A_140 : i32
      %lt3A_142 = arith.constant 0 : i32
      %lt3A_143 = arith.cmpi slt, %select_n3A_136, %lt3A_142 : i32
      %ne3A_144 = arith.xori %lt3A_141, %lt3A_143 : i1
      %and3A_145 = arith.andi %ne3A_144, %ne3A_139 : i1
      %add3A_146 = arith.addi %rem3A_137, %select_n3A_136 : i32
      %select_n3A_147 = arith.select %and3A_145, %add3A_146, %rem3A_137 : i32
      %eq3A_148 = arith.constant 1 : i32
      %eq3A_149 = arith.cmpi eq, %select_n3A_147, %eq3A_148 : i32
      %and3A_150 = arith.andi %lt3A_131, %eq3A_149 : i1
      %convert_element_type3A_151 = arith.extui %and3A_150 : i1 to i32
      %cond3A_152 = arith.constant 0 : i32
      %cond3A_153 = arith.cmpi ne, %convert_element_type3A_151, %cond3A_152 : i32
      scf.if %cond3A_153 {
        %ge3A = arith.constant 1 : i32
        %ge3A_154 = arith.cmpi sge, %scan3A_107, %ge3A : i32
        %convert_element_type3A_155 = arith.extui %ge3A_154 : i1 to i32
        %cond3A_156 = arith.constant 0 : i32
        %cond3A_157 = arith.cmpi ne, %convert_element_type3A_155, %cond3A_156 : i32
        scf.if %cond3A_157 {
          %sub3A_174 = arith.constant 1 : i32
          %sub3A_175 = arith.subi %scan3A_107, %sub3A_174 : i32
          %mul3A_176 = arith.constant 64 : i32
          %mul3A_177 = arith.muli %sub3A_175, %mul3A_176 : i32
          %dma_wait3A_178 = tpu.memref_slice %arg11[%mul3A_177] : memref<20064xi32, #tpu.memory_space<vmem>> -> memref<64xi32, #tpu.memory_space<vmem>>
          %dma_wait3A_179 = arith.constant 0 : i32
          %dma_wait3A_180 = arith.constant 0 : i32
          %dma_wait3A_181 = tpu.memref_slice %arg15[%dma_wait3A_179, %dma_wait3A_180] : memref<5632x128xf32, #tpu.memory_space<vmem_shared>> -> memref<5632x128xf32, #tpu.memory_space<vmem_shared>>
          tpu.wait_indirect_dma semaphore(%arg18 : memref<!tpu.dma_semaphore, #tpu.memory_space<semaphore_mem>>) src(%arg13 : memref<64x128xf32, #tpu.memory_space<vmem>>) dst(%dma_wait3A_181 : memref<5632x128xf32, #tpu.memory_space<vmem_shared>>)
        } else {
        }
        %add3A_158 = arith.constant 1 : i32
        %add3A_159 = arith.addi %scan3A_107, %add3A_158 : i32
        %lt3A_160 = arith.cmpi slt, %add3A_159, %select_n3A : i32
        %convert_element_type3A_161 = arith.extui %lt3A_160 : i1 to i32
        %cond3A_162 = arith.constant 0 : i32
        %cond3A_163 = arith.cmpi ne, %convert_element_type3A_161, %cond3A_162 : i32
        scf.if %cond3A_163 {
          %add3A_174 = arith.constant 1 : i32
          %add3A_175 = arith.addi %scan3A_107, %add3A_174 : i32
          %mul3A_176 = arith.constant 64 : i32
          %mul3A_177 = arith.muli %add3A_175, %mul3A_176 : i32
          %dma_start3A_178 = tpu.memref_slice %arg10[%mul3A_177] : memref<20064xi32, #tpu.memory_space<vmem>> -> memref<64xi32, #tpu.memory_space<vmem>>
          %dma_start3A_179 = arith.constant 0 : i32
          %dma_start3A_180 = arith.constant 0 : i32
          %dma_start3A_181 = tpu.memref_slice %arg4[%dma_start3A_179, %dma_start3A_180] : memref<10000x128xf32, #tpu.memory_space<hbm>> -> memref<10000x128xf32, #tpu.memory_space<hbm>>
          tpu.enqueue_indirect_dma source(%dma_start3A_181 : memref<10000x128xf32, #tpu.memory_space<hbm>>) target(%arg13 : memref<64x128xf32, #tpu.memory_space<vmem>>) offsets(%dma_start3A_178 : memref<64xi32, #tpu.memory_space<vmem>>) semaphore(%arg16 : memref<!tpu.dma_semaphore, #tpu.memory_space<semaphore_mem>>)
        } else {
        }
        %mul3A_164 = arith.constant 64 : i32
        %mul3A_165 = arith.muli %scan3A_107, %mul3A_164 : i32
        %dma_wait3A = tpu.memref_slice %arg10[%mul3A_165] : memref<20064xi32, #tpu.memory_space<vmem>> -> memref<64xi32, #tpu.memory_space<vmem>>
        %dma_wait3A_166 = arith.constant 0 : i32
        %dma_wait3A_167 = arith.constant 0 : i32
        %dma_wait3A_168 = tpu.memref_slice %arg4[%dma_wait3A_166, %dma_wait3A_167] : memref<10000x128xf32, #tpu.memory_space<hbm>> -> memref<10000x128xf32, #tpu.memory_space<hbm>>
        tpu.wait_indirect_dma semaphore(%arg17 : memref<!tpu.dma_semaphore, #tpu.memory_space<semaphore_mem>>) src(%dma_wait3A_168 : memref<10000x128xf32, #tpu.memory_space<hbm>>) dst(%arg14 : memref<64x128xf32, #tpu.memory_space<vmem>>)
        %mul3A_169 = arith.constant 64 : i32
        %mul3A_170 = arith.muli %scan3A_107, %mul3A_169 : i32
        %dma_start3A = tpu.memref_slice %arg11[%mul3A_170] : memref<20064xi32, #tpu.memory_space<vmem>> -> memref<64xi32, #tpu.memory_space<vmem>>
        %dma_start3A_171 = arith.constant 0 : i32
        %dma_start3A_172 = arith.constant 0 : i32
        %dma_start3A_173 = tpu.memref_slice %arg15[%dma_start3A_171, %dma_start3A_172] : memref<5632x128xf32, #tpu.memory_space<vmem_shared>> -> memref<5632x128xf32, #tpu.memory_space<vmem_shared>>
        tpu.enqueue_indirect_dma source(%arg14 : memref<64x128xf32, #tpu.memory_space<vmem>>) target(%dma_start3A_173 : memref<5632x128xf32, #tpu.memory_space<vmem_shared>>) offsets(%dma_start3A : memref<64xi32, #tpu.memory_space<vmem>>) semaphore(%arg19 : memref<!tpu.dma_semaphore, #tpu.memory_space<semaphore_mem>>) {add = true}
      } else {
      }
    }
    %scan3A_51 = arith.constant 313 : i32
    %gt3A_52 = arith.constant 0 : i32
    %gt3A_53 = arith.cmpi sgt, %select_n3A, %gt3A_52 : i32
    %sub3A_54 = arith.constant 1 : i32
    %sub3A_55 = arith.subi %select_n3A, %sub3A_54 : i32
    %jit3A_56 = arith.constant 2 : i32
    %eq3A = arith.constant 0 : i32
    %eq3A_57 = arith.cmpi eq, %jit3A_56, %eq3A : i32
    %jit3A_58 = arith.constant 1 : i32
    %select_n3A_59 = arith.select %eq3A_57, %jit3A_58, %jit3A_56 : i32
    %rem3A_60 = arith.remsi %sub3A_55, %select_n3A_59 : i32
    %ne3A_61 = arith.constant 0 : i32
    %ne3A_62 = arith.cmpi ne, %rem3A_60, %ne3A_61 : i32
    %lt3A = arith.constant 0 : i32
    %lt3A_63 = arith.cmpi slt, %rem3A_60, %lt3A : i32
    %lt3A_64 = arith.constant 0 : i32
    %lt3A_65 = arith.cmpi slt, %select_n3A_59, %lt3A_64 : i32
    %ne3A_66 = arith.xori %lt3A_63, %lt3A_65 : i1
    %and3A_67 = arith.andi %ne3A_66, %ne3A_62 : i1
    %add3A_68 = arith.addi %rem3A_60, %select_n3A_59 : i32
    %select_n3A_69 = arith.select %and3A_67, %add3A_68, %rem3A_60 : i32
    %eq3A_70 = arith.constant 0 : i32
    %eq3A_71 = arith.cmpi eq, %select_n3A_69, %eq3A_70 : i32
    %and3A_72 = arith.andi %gt3A_53, %eq3A_71 : i1
    %convert_element_type3A_73 = arith.extui %and3A_72 : i1 to i32
    %cond3A_74 = arith.constant 0 : i32
    %cond3A_75 = arith.cmpi ne, %convert_element_type3A_73, %cond3A_74 : i32
    scf.if %cond3A_75 {
      %sub3A_107 = arith.constant 1 : i32
      %sub3A_108 = arith.subi %select_n3A, %sub3A_107 : i32
      %mul3A_109 = arith.constant 64 : i32
      %mul3A_110 = arith.muli %sub3A_108, %mul3A_109 : i32
      %dma_wait3A = tpu.memref_slice %arg11[%mul3A_110] : memref<20064xi32, #tpu.memory_space<vmem>> -> memref<64xi32, #tpu.memory_space<vmem>>
      %dma_wait3A_111 = arith.constant 0 : i32
      %dma_wait3A_112 = arith.constant 0 : i32
      %dma_wait3A_113 = tpu.memref_slice %arg15[%dma_wait3A_111, %dma_wait3A_112] : memref<5632x128xf32, #tpu.memory_space<vmem_shared>> -> memref<5632x128xf32, #tpu.memory_space<vmem_shared>>
      tpu.wait_indirect_dma semaphore(%arg18 : memref<!tpu.dma_semaphore, #tpu.memory_space<semaphore_mem>>) src(%arg13 : memref<64x128xf32, #tpu.memory_space<vmem>>) dst(%dma_wait3A_113 : memref<5632x128xf32, #tpu.memory_space<vmem_shared>>)
    } else {
    }
    %gt3A_76 = arith.constant 0 : i32
    %gt3A_77 = arith.cmpi sgt, %select_n3A, %gt3A_76 : i32
    %sub3A_78 = arith.constant 1 : i32
    %sub3A_79 = arith.subi %select_n3A, %sub3A_78 : i32
    %jit3A_80 = arith.constant 2 : i32
    %eq3A_81 = arith.constant 0 : i32
    %eq3A_82 = arith.cmpi eq, %jit3A_80, %eq3A_81 : i32
    %jit3A_83 = arith.constant 1 : i32
    %select_n3A_84 = arith.select %eq3A_82, %jit3A_83, %jit3A_80 : i32
    %rem3A_85 = arith.remsi %sub3A_79, %select_n3A_84 : i32
    %ne3A_86 = arith.constant 0 : i32
    %ne3A_87 = arith.cmpi ne, %rem3A_85, %ne3A_86 : i32
    %lt3A_88 = arith.constant 0 : i32
    %lt3A_89 = arith.cmpi slt, %rem3A_85, %lt3A_88 : i32
    %lt3A_90 = arith.constant 0 : i32
    %lt3A_91 = arith.cmpi slt, %select_n3A_84, %lt3A_90 : i32
    %ne3A_92 = arith.xori %lt3A_89, %lt3A_91 : i1
    %and3A_93 = arith.andi %ne3A_92, %ne3A_87 : i1
    %add3A_94 = arith.addi %rem3A_85, %select_n3A_84 : i32
    %select_n3A_95 = arith.select %and3A_93, %add3A_94, %rem3A_85 : i32
    %eq3A_96 = arith.constant 1 : i32
    %eq3A_97 = arith.cmpi eq, %select_n3A_95, %eq3A_96 : i32
    %and3A_98 = arith.andi %gt3A_77, %eq3A_97 : i1
    %convert_element_type3A_99 = arith.extui %and3A_98 : i1 to i32
    %cond3A_100 = arith.constant 0 : i32
    %cond3A_101 = arith.cmpi ne, %convert_element_type3A_99, %cond3A_100 : i32
    scf.if %cond3A_101 {
      %sub3A_107 = arith.constant 1 : i32
      %sub3A_108 = arith.subi %select_n3A, %sub3A_107 : i32
      %mul3A_109 = arith.constant 64 : i32
      %mul3A_110 = arith.muli %sub3A_108, %mul3A_109 : i32
      %dma_wait3A = tpu.memref_slice %arg11[%mul3A_110] : memref<20064xi32, #tpu.memory_space<vmem>> -> memref<64xi32, #tpu.memory_space<vmem>>
      %dma_wait3A_111 = arith.constant 0 : i32
      %dma_wait3A_112 = arith.constant 0 : i32
      %dma_wait3A_113 = tpu.memref_slice %arg15[%dma_wait3A_111, %dma_wait3A_112] : memref<5632x128xf32, #tpu.memory_space<vmem_shared>> -> memref<5632x128xf32, #tpu.memory_space<vmem_shared>>
      tpu.wait_indirect_dma semaphore(%arg19 : memref<!tpu.dma_semaphore, #tpu.memory_space<semaphore_mem>>) src(%arg14 : memref<64x128xf32, #tpu.memory_space<vmem>>) dst(%dma_wait3A_113 : memref<5632x128xf32, #tpu.memory_space<vmem_shared>>)
    } else {
    }
    %barrier3A_102 = arith.constant 0 : index
    tpu.barrier barrier_id(%barrier3A_102)
    %mul3A_103 = arith.constant 352 : i32
    %mul3A_104 = arith.muli %arg1, %mul3A_103 : i32
    %mul3A_105 = arith.constant 352 : i32
    %mul3A_106 = arith.muli %arg1, %mul3A_105 : i32
    "tpu.region"() ({
      %run_scoped3A = tpu.sem_alloc : memref<!tpu.dma_semaphore, #tpu.memory_space<semaphore_mem>>
      %dma_start3A = arith.constant 0 : i32
      %dma_start3A_107 = tpu.memref_slice %arg6[%arg0, %mul3A_106, %dma_start3A] : memref<2x5632x128xf32, #tpu.memory_space<hbm>> -> memref<1x352x128xf32, #tpu.memory_space<hbm>>
      %dma_start3A_108 = tpu.memref_squeeze %dma_start3A_107 : memref<1x352x128xf32, #tpu.memory_space<hbm>> -> memref<352x128xf32, #tpu.memory_space<hbm>>
      %dma_start3A_109 = arith.constant 0 : i32
      %dma_start3A_110 = tpu.memref_slice %arg15[%mul3A_104, %dma_start3A_109] : memref<5632x128xf32, #tpu.memory_space<vmem_shared>> -> memref<352x128xf32, #tpu.memory_space<vmem_shared>>
      tpu.enqueue_dma source(%dma_start3A_110 : memref<352x128xf32, #tpu.memory_space<vmem_shared>>) target(%dma_start3A_108 : memref<352x128xf32, #tpu.memory_space<hbm>>) target_semaphore(%run_scoped3A : memref<!tpu.dma_semaphore, #tpu.memory_space<semaphore_mem>>)
      %dma_wait3A = arith.constant 0 : i32
      %dma_wait3A_111 = tpu.memref_slice %arg6[%arg0, %mul3A_106, %dma_wait3A] : memref<2x5632x128xf32, #tpu.memory_space<hbm>> -> memref<1x352x128xf32, #tpu.memory_space<hbm>>
      %dma_wait3A_112 = tpu.memref_squeeze %dma_wait3A_111 : memref<1x352x128xf32, #tpu.memory_space<hbm>> -> memref<352x128xf32, #tpu.memory_space<hbm>>
      %dma_wait3A_113 = arith.constant 0 : i32
      %dma_wait3A_114 = tpu.memref_slice %arg15[%mul3A_104, %dma_wait3A_113] : memref<5632x128xf32, #tpu.memory_space<vmem_shared>> -> memref<352x128xf32, #tpu.memory_space<vmem_shared>>
      tpu.wait_dma2 semaphore(%run_scoped3A : memref<!tpu.dma_semaphore, #tpu.memory_space<semaphore_mem>>) src(%dma_wait3A_114 : memref<352x128xf32, #tpu.memory_space<vmem_shared>>) dst(%dma_wait3A_112 : memref<352x128xf32, #tpu.memory_space<hbm>>)
      tpu.yield
    }) : () -> ()
    return
  }
}

#map = affine_map<(d0, d1) -> (0, 0, 0)>
#map1 = affine_map<(d0, d1) -> (0, 0)>
module attributes {stable_mosaic.version = 14 : i64} {
  func.func @body(%arg0: i32, %arg1: i32, %arg2: memref<2x16x20064xi32, #tpu.memory_space<hbm>>, %arg3: memref<2x16x20064xi32, #tpu.memory_space<hbm>>, %arg4: memref<2x16x16xi32, #tpu.memory_space<hbm>>, %arg5: memref<20000x128xf32, #tpu.memory_space<hbm>>, %arg6: memref<5632x128xf32, #tpu.memory_space<hbm>>, %arg7: memref<2x5632x128xf32, #tpu.memory_space<hbm>>, %arg8: memref<20064xi32, #tpu.memory_space<vmem>>, %arg9: memref<20064xi32, #tpu.memory_space<vmem>>, %arg10: memref<16xi32, #tpu.memory_space<vmem>>, %arg11: memref<64x128xf32, #tpu.memory_space<vmem>>, %arg12: memref<64x128xf32, #tpu.memory_space<vmem>>, %arg13: memref<5632x128xf32, #tpu.memory_space<vmem_shared>>, %arg14: memref<!tpu.dma_semaphore, #tpu.memory_space<semaphore_mem>>, %arg15: memref<!tpu.dma_semaphore, #tpu.memory_space<semaphore_mem>>, %arg16: memref<!tpu.dma_semaphore, #tpu.memory_space<semaphore_mem>>, %arg17: memref<!tpu.dma_semaphore, #tpu.memory_space<semaphore_mem>>) attributes {dimension_semantics = [#tpu.dimension_semantics<core_parallel>, #tpu.dimension_semantics<subcore_parallel>], iteration_bounds = array<i64: 2, 16>, scalar_prefetch = 0 : i64, scratch_operands = 10 : i64, tpu.core_type = #tpu.core_type<sc_vector_subcore>, window_params = [{transform_indices = #map}, {transform_indices = #map}, {transform_indices = #map}, {transform_indices = #map1}, {transform_indices = #map1}, {transform_indices = #map}]} {
    %mul3A = arith.constant 352 : i32
    %mul3A_0 = arith.muli %arg1, %mul3A : i32
    %mul3A_1 = arith.constant 352 : i32
    %mul3A_2 = arith.muli %arg1, %mul3A_1 : i32
    "tpu.region"() ({
      %run_scoped3A = tpu.sem_alloc : memref<!tpu.dma_semaphore, #tpu.memory_space<semaphore_mem>>
      %dma_start3A = arith.constant 0 : i32
      %dma_start3A_98 = tpu.memref_slice %arg13[%mul3A_2, %dma_start3A] : memref<5632x128xf32, #tpu.memory_space<vmem_shared>> -> memref<352x128xf32, #tpu.memory_space<vmem_shared>>
      %dma_start3A_99 = arith.constant 0 : i32
      %dma_start3A_100 = tpu.memref_slice %arg6[%mul3A_0, %dma_start3A_99] : memref<5632x128xf32, #tpu.memory_space<hbm>> -> memref<352x128xf32, #tpu.memory_space<hbm>>
      tpu.enqueue_dma source(%dma_start3A_100 : memref<352x128xf32, #tpu.memory_space<hbm>>) target(%dma_start3A_98 : memref<352x128xf32, #tpu.memory_space<vmem_shared>>) target_semaphore(%run_scoped3A : memref<!tpu.dma_semaphore, #tpu.memory_space<semaphore_mem>>)
      %dma_wait3A = arith.constant 0 : i32
      %dma_wait3A_101 = tpu.memref_slice %arg13[%mul3A_2, %dma_wait3A] : memref<5632x128xf32, #tpu.memory_space<vmem_shared>> -> memref<352x128xf32, #tpu.memory_space<vmem_shared>>
      %dma_wait3A_102 = arith.constant 0 : i32
      %dma_wait3A_103 = tpu.memref_slice %arg6[%mul3A_0, %dma_wait3A_102] : memref<5632x128xf32, #tpu.memory_space<hbm>> -> memref<352x128xf32, #tpu.memory_space<hbm>>
      tpu.wait_dma2 semaphore(%run_scoped3A : memref<!tpu.dma_semaphore, #tpu.memory_space<semaphore_mem>>) src(%dma_wait3A_103 : memref<352x128xf32, #tpu.memory_space<hbm>>) dst(%dma_wait3A_101 : memref<352x128xf32, #tpu.memory_space<vmem_shared>>)
      tpu.yield
    }) : () -> ()
    "tpu.region"() ({
      %run_scoped3A = tpu.sem_alloc : memref<!tpu.dma_semaphore, #tpu.memory_space<semaphore_mem>>
      %dma_start3A = arith.constant 0 : i32
      %dma_start3A_98 = tpu.memref_slice %arg2[%arg0, %arg1, %dma_start3A] : memref<2x16x20064xi32, #tpu.memory_space<hbm>> -> memref<1x1x20064xi32, #tpu.memory_space<hbm>>
      %dma_start3A_99 = tpu.memref_squeeze %dma_start3A_98 : memref<1x1x20064xi32, #tpu.memory_space<hbm>> -> memref<20064xi32, #tpu.memory_space<hbm>>
      %dma_start3A_100 = arith.constant 0 : i32
      %dma_start3A_101 = tpu.memref_slice %arg2[%arg0, %arg1, %dma_start3A_100] : memref<2x16x20064xi32, #tpu.memory_space<hbm>> -> memref<1x1x20064xi32, #tpu.memory_space<hbm>>
      %dma_start3A_102 = tpu.memref_squeeze %dma_start3A_101 : memref<1x1x20064xi32, #tpu.memory_space<hbm>> -> memref<20064xi32, #tpu.memory_space<hbm>>
      tpu.enqueue_dma source(%dma_start3A_102 : memref<20064xi32, #tpu.memory_space<hbm>>) target(%arg8 : memref<20064xi32, #tpu.memory_space<vmem>>) target_semaphore(%run_scoped3A : memref<!tpu.dma_semaphore, #tpu.memory_space<semaphore_mem>>)
      %dma_wait3A = arith.constant 0 : i32
      %dma_wait3A_103 = tpu.memref_slice %arg2[%arg0, %arg1, %dma_wait3A] : memref<2x16x20064xi32, #tpu.memory_space<hbm>> -> memref<1x1x20064xi32, #tpu.memory_space<hbm>>
      %dma_wait3A_104 = tpu.memref_squeeze %dma_wait3A_103 : memref<1x1x20064xi32, #tpu.memory_space<hbm>> -> memref<20064xi32, #tpu.memory_space<hbm>>
      %dma_wait3A_105 = arith.constant 0 : i32
      %dma_wait3A_106 = tpu.memref_slice %arg2[%arg0, %arg1, %dma_wait3A_105] : memref<2x16x20064xi32, #tpu.memory_space<hbm>> -> memref<1x1x20064xi32, #tpu.memory_space<hbm>>
      %dma_wait3A_107 = tpu.memref_squeeze %dma_wait3A_106 : memref<1x1x20064xi32, #tpu.memory_space<hbm>> -> memref<20064xi32, #tpu.memory_space<hbm>>
      tpu.wait_dma2 semaphore(%run_scoped3A : memref<!tpu.dma_semaphore, #tpu.memory_space<semaphore_mem>>) src(%dma_wait3A_107 : memref<20064xi32, #tpu.memory_space<hbm>>) dst(%arg8 : memref<20064xi32, #tpu.memory_space<vmem>>)
      tpu.yield
    }) : () -> ()
    "tpu.region"() ({
      %run_scoped3A = tpu.sem_alloc : memref<!tpu.dma_semaphore, #tpu.memory_space<semaphore_mem>>
      %dma_start3A = arith.constant 0 : i32
      %dma_start3A_98 = tpu.memref_slice %arg3[%arg0, %arg1, %dma_start3A] : memref<2x16x20064xi32, #tpu.memory_space<hbm>> -> memref<1x1x20064xi32, #tpu.memory_space<hbm>>
      %dma_start3A_99 = tpu.memref_squeeze %dma_start3A_98 : memref<1x1x20064xi32, #tpu.memory_space<hbm>> -> memref<20064xi32, #tpu.memory_space<hbm>>
      %dma_start3A_100 = arith.constant 0 : i32
      %dma_start3A_101 = tpu.memref_slice %arg3[%arg0, %arg1, %dma_start3A_100] : memref<2x16x20064xi32, #tpu.memory_space<hbm>> -> memref<1x1x20064xi32, #tpu.memory_space<hbm>>
      %dma_start3A_102 = tpu.memref_squeeze %dma_start3A_101 : memref<1x1x20064xi32, #tpu.memory_space<hbm>> -> memref<20064xi32, #tpu.memory_space<hbm>>
      tpu.enqueue_dma source(%dma_start3A_102 : memref<20064xi32, #tpu.memory_space<hbm>>) target(%arg9 : memref<20064xi32, #tpu.memory_space<vmem>>) target_semaphore(%run_scoped3A : memref<!tpu.dma_semaphore, #tpu.memory_space<semaphore_mem>>)
      %dma_wait3A = arith.constant 0 : i32
      %dma_wait3A_103 = tpu.memref_slice %arg3[%arg0, %arg1, %dma_wait3A] : memref<2x16x20064xi32, #tpu.memory_space<hbm>> -> memref<1x1x20064xi32, #tpu.memory_space<hbm>>
      %dma_wait3A_104 = tpu.memref_squeeze %dma_wait3A_103 : memref<1x1x20064xi32, #tpu.memory_space<hbm>> -> memref<20064xi32, #tpu.memory_space<hbm>>
      %dma_wait3A_105 = arith.constant 0 : i32
      %dma_wait3A_106 = tpu.memref_slice %arg3[%arg0, %arg1, %dma_wait3A_105] : memref<2x16x20064xi32, #tpu.memory_space<hbm>> -> memref<1x1x20064xi32, #tpu.memory_space<hbm>>
      %dma_wait3A_107 = tpu.memref_squeeze %dma_wait3A_106 : memref<1x1x20064xi32, #tpu.memory_space<hbm>> -> memref<20064xi32, #tpu.memory_space<hbm>>
      tpu.wait_dma2 semaphore(%run_scoped3A : memref<!tpu.dma_semaphore, #tpu.memory_space<semaphore_mem>>) src(%dma_wait3A_107 : memref<20064xi32, #tpu.memory_space<hbm>>) dst(%arg9 : memref<20064xi32, #tpu.memory_space<vmem>>)
      tpu.yield
    }) : () -> ()
    "tpu.region"() ({
      %run_scoped3A = tpu.sem_alloc : memref<!tpu.dma_semaphore, #tpu.memory_space<semaphore_mem>>
      %dma_start3A = arith.constant 0 : i32
      %dma_start3A_98 = tpu.memref_slice %arg4[%arg0, %arg1, %dma_start3A] : memref<2x16x16xi32, #tpu.memory_space<hbm>> -> memref<1x1x16xi32, #tpu.memory_space<hbm>>
      %dma_start3A_99 = tpu.memref_squeeze %dma_start3A_98 : memref<1x1x16xi32, #tpu.memory_space<hbm>> -> memref<16xi32, #tpu.memory_space<hbm>>
      %dma_start3A_100 = arith.constant 0 : i32
      %dma_start3A_101 = tpu.memref_slice %arg4[%arg0, %arg1, %dma_start3A_100] : memref<2x16x16xi32, #tpu.memory_space<hbm>> -> memref<1x1x16xi32, #tpu.memory_space<hbm>>
      %dma_start3A_102 = tpu.memref_squeeze %dma_start3A_101 : memref<1x1x16xi32, #tpu.memory_space<hbm>> -> memref<16xi32, #tpu.memory_space<hbm>>
      tpu.enqueue_dma source(%dma_start3A_102 : memref<16xi32, #tpu.memory_space<hbm>>) target(%arg10 : memref<16xi32, #tpu.memory_space<vmem>>) target_semaphore(%run_scoped3A : memref<!tpu.dma_semaphore, #tpu.memory_space<semaphore_mem>>)
      %dma_wait3A = arith.constant 0 : i32
      %dma_wait3A_103 = tpu.memref_slice %arg4[%arg0, %arg1, %dma_wait3A] : memref<2x16x16xi32, #tpu.memory_space<hbm>> -> memref<1x1x16xi32, #tpu.memory_space<hbm>>
      %dma_wait3A_104 = tpu.memref_squeeze %dma_wait3A_103 : memref<1x1x16xi32, #tpu.memory_space<hbm>> -> memref<16xi32, #tpu.memory_space<hbm>>
      %dma_wait3A_105 = arith.constant 0 : i32
      %dma_wait3A_106 = tpu.memref_slice %arg4[%arg0, %arg1, %dma_wait3A_105] : memref<2x16x16xi32, #tpu.memory_space<hbm>> -> memref<1x1x16xi32, #tpu.memory_space<hbm>>
      %dma_wait3A_107 = tpu.memref_squeeze %dma_wait3A_106 : memref<1x1x16xi32, #tpu.memory_space<hbm>> -> memref<16xi32, #tpu.memory_space<hbm>>
      tpu.wait_dma2 semaphore(%run_scoped3A : memref<!tpu.dma_semaphore, #tpu.memory_space<semaphore_mem>>) src(%dma_wait3A_107 : memref<16xi32, #tpu.memory_space<hbm>>) dst(%arg10 : memref<16xi32, #tpu.memory_space<vmem>>)
      tpu.yield
    }) : () -> ()
    %get3A = arith.constant 0 : index
    %get3A_3 = tpu.vector_load %arg10[%get3A] {strides = array<i32>} : memref<16xi32, #tpu.memory_space<vmem>>, vector<16xi32>,
    %reduce_max3A = arith.constant true
    %reduce_max3A_4 = vector.broadcast %reduce_max3A : i1 to vector<16xi1>
    %reduce_max3A_5 = arith.constant -2147483648 : i32
    %reduce_max3A_6 = vector.broadcast %reduce_max3A_5 : i32 to vector<16xi32>
    %reduce_max3A_7 = arith.xori %get3A_3, %reduce_max3A_6 : vector<16xi32>
    %reduce_max3A_8 = tpu.scan <max>, %reduce_max3A_7 masked %reduce_max3A_4 : vector<16xi32>, vector<16xi1> -> vector<16xi32>
    %reduce_max3A_9 = arith.xori %reduce_max3A_8, %reduce_max3A_6 : vector<16xi32>
    %reduce_max3A_10 = vector.extract %reduce_max3A_9[15] : i32 from vector<16xi32>
    %add3A = arith.constant 64 : i32
    %add3A_11 = arith.addi %reduce_max3A_10, %add3A : i32
    %sub3A = arith.constant 1 : i32
    %sub3A_12 = arith.subi %add3A_11, %sub3A : i32
    %jit3A = arith.constant 64 : i32
    %div3A = arith.divsi %sub3A_12, %jit3A : i32
    %sign3A = arith.constant 0 : i32
    %sign3A_13 = arith.cmpi sgt, %sub3A_12, %sign3A : i32
    %sign3A_14 = arith.extui %sign3A_13 : i1 to i32
    %sign3A_15 = arith.constant 0 : i32
    %sign3A_16 = arith.cmpi slt, %sub3A_12, %sign3A_15 : i32
    %sign3A_17 = arith.extui %sign3A_16 : i1 to i32
    %sign3A_18 = arith.subi %sign3A_14, %sign3A_17 : i32
    %sign3A_19 = arith.constant 0 : i32
    %sign3A_20 = arith.cmpi sgt, %jit3A, %sign3A_19 : i32
    %sign3A_21 = arith.extui %sign3A_20 : i1 to i32
    %sign3A_22 = arith.constant 0 : i32
    %sign3A_23 = arith.cmpi slt, %jit3A, %sign3A_22 : i32
    %sign3A_24 = arith.extui %sign3A_23 : i1 to i32
    %sign3A_25 = arith.subi %sign3A_21, %sign3A_24 : i32
    %ne3A = arith.cmpi ne, %sign3A_18, %sign3A_25 : i32
    %rem3A = arith.remsi %sub3A_12, %jit3A : i32
    %ne3A_26 = arith.constant 0 : i32
    %ne3A_27 = arith.cmpi ne, %rem3A, %ne3A_26 : i32
    %and3A = arith.andi %ne3A, %ne3A_27 : i1
    %sub3A_28 = arith.constant 1 : i32
    %sub3A_29 = arith.subi %div3A, %sub3A_28 : i32
    %select_n3A = arith.select %and3A, %sub3A_29, %div3A : i32
    %scan3A = arith.constant 0 : i32
    %scan3A_30 = arith.constant 0 : i32
    %scan3A_31 = arith.constant 1254 : i32
    %scan3A_32 = arith.addi %scan3A_30, %scan3A_31 : i32
    %scan3A_33 = arith.constant 1 : i32
    scf.for %scan3A_98 = %scan3A_30 to %scan3A_32 step %scan3A_33  : i32 {
      %mul3A_99 = arith.constant 16 : i32
      %mul3A_100 = arith.muli %scan3A_98, %mul3A_99 : i32
      %get3A_101 = arith.index_cast %mul3A_100 : i32 to index
      %get3A_102 = tpu.vector_load %arg8[%get3A_101] {strides = array<i32>} : memref<20064xi32, #tpu.memory_space<vmem>>, vector<16xi32>,
      %add3A_103 = arith.constant 10000 : i32
      %add3A_104 = vector.broadcast %add3A_103 : i32 to vector<16xi32>
      %add3A_105 = arith.addi %get3A_102, %add3A_104 : vector<16xi32>
      %mul3A_106 = arith.constant 16 : i32
      %mul3A_107 = arith.muli %scan3A_98, %mul3A_106 : i32
      %swap3A = arith.index_cast %mul3A_107 : i32 to index
      %swap3A_108 = tpu.vector_load %arg8[%swap3A] {strides = array<i32>} : memref<20064xi32, #tpu.memory_space<vmem>>, vector<16xi32>,
      tpu.vector_store %arg8[%swap3A], %add3A_105 {strides = array<i32>} : memref<20064xi32, #tpu.memory_space<vmem>>, vector<16xi32>,
    }
    %scan3A_34 = arith.constant 1254 : i32
    %barrier3A = arith.constant 0 : index
    tpu.barrier barrier_id(%barrier3A)
    %gt3A = arith.constant 0 : i32
    %gt3A_35 = arith.cmpi sgt, %select_n3A, %gt3A : i32
    %convert_element_type3A = arith.extui %gt3A_35 : i1 to i32
    %cond3A = arith.constant 0 : i32
    %cond3A_36 = arith.cmpi ne, %convert_element_type3A, %cond3A : i32
    scf.if %cond3A_36 {
      %dma_start3A = arith.constant 0 : i32
      %dma_start3A_98 = tpu.memref_slice %arg8[%dma_start3A] : memref<20064xi32, #tpu.memory_space<vmem>> -> memref<64xi32, #tpu.memory_space<vmem>>
      %dma_start3A_99 = arith.constant 0 : i32
      %dma_start3A_100 = arith.constant 0 : i32
      %dma_start3A_101 = tpu.memref_slice %arg5[%dma_start3A_99, %dma_start3A_100] : memref<20000x128xf32, #tpu.memory_space<hbm>> -> memref<20000x128xf32, #tpu.memory_space<hbm>>
      tpu.enqueue_indirect_dma source(%dma_start3A_101 : memref<20000x128xf32, #tpu.memory_space<hbm>>) target(%arg11 : memref<64x128xf32, #tpu.memory_space<vmem>>) offsets(%dma_start3A_98 : memref<64xi32, #tpu.memory_space<vmem>>) semaphore(%arg14 : memref<!tpu.dma_semaphore, #tpu.memory_space<semaphore_mem>>)
    } else {
    }
    %scan3A_37 = arith.constant 0 : i32
    %scan3A_38 = arith.constant 0 : i32
    %scan3A_39 = arith.constant 313 : i32
    %scan3A_40 = arith.addi %scan3A_38, %scan3A_39 : i32
    %scan3A_41 = arith.constant 1 : i32
    scf.for %scan3A_98 = %scan3A_38 to %scan3A_40 step %scan3A_41  : i32 {
      %lt3A_99 = arith.cmpi slt, %scan3A_98, %select_n3A : i32
      %jit3A_100 = arith.constant 2 : i32
      %eq3A_101 = arith.constant 0 : i32
      %eq3A_102 = arith.cmpi eq, %jit3A_100, %eq3A_101 : i32
      %jit3A_103 = arith.constant 1 : i32
      %select_n3A_104 = arith.select %eq3A_102, %jit3A_103, %jit3A_100 : i32
      %rem3A_105 = arith.remsi %scan3A_98, %select_n3A_104 : i32
      %ne3A_106 = arith.constant 0 : i32
      %ne3A_107 = arith.cmpi ne, %rem3A_105, %ne3A_106 : i32
      %lt3A_108 = arith.constant 0 : i32
      %lt3A_109 = arith.cmpi slt, %rem3A_105, %lt3A_108 : i32
      %lt3A_110 = arith.constant 0 : i32
      %lt3A_111 = arith.cmpi slt, %select_n3A_104, %lt3A_110 : i32
      %ne3A_112 = arith.xori %lt3A_109, %lt3A_111 : i1
      %and3A_113 = arith.andi %ne3A_112, %ne3A_107 : i1
      %add3A_114 = arith.addi %rem3A_105, %select_n3A_104 : i32
      %select_n3A_115 = arith.select %and3A_113, %add3A_114, %rem3A_105 : i32
      %eq3A_116 = arith.constant 0 : i32
      %eq3A_117 = arith.cmpi eq, %select_n3A_115, %eq3A_116 : i32
      %and3A_118 = arith.andi %lt3A_99, %eq3A_117 : i1
      %convert_element_type3A_119 = arith.extui %and3A_118 : i1 to i32
      %cond3A_120 = arith.constant 0 : i32
      %cond3A_121 = arith.cmpi ne, %convert_element_type3A_119, %cond3A_120 : i32
      scf.if %cond3A_121 {
        %ge3A = arith.constant 1 : i32
        %ge3A_145 = arith.cmpi sge, %scan3A_98, %ge3A : i32
        %convert_element_type3A_146 = arith.extui %ge3A_145 : i1 to i32
        %cond3A_147 = arith.constant 0 : i32
        %cond3A_148 = arith.cmpi ne, %convert_element_type3A_146, %cond3A_147 : i32
        scf.if %cond3A_148 {
          %sub3A_165 = arith.constant 1 : i32
          %sub3A_166 = arith.subi %scan3A_98, %sub3A_165 : i32
          %mul3A_167 = arith.constant 64 : i32
          %mul3A_168 = arith.muli %sub3A_166, %mul3A_167 : i32
          %dma_wait3A_169 = tpu.memref_slice %arg9[%mul3A_168] : memref<20064xi32, #tpu.memory_space<vmem>> -> memref<64xi32, #tpu.memory_space<vmem>>
          %dma_wait3A_170 = arith.constant 0 : i32
          %dma_wait3A_171 = arith.constant 0 : i32
          %dma_wait3A_172 = tpu.memref_slice %arg13[%dma_wait3A_170, %dma_wait3A_171] : memref<5632x128xf32, #tpu.memory_space<vmem_shared>> -> memref<5632x128xf32, #tpu.memory_space<vmem_shared>>
          tpu.wait_indirect_dma semaphore(%arg17 : memref<!tpu.dma_semaphore, #tpu.memory_space<semaphore_mem>>) src(%arg12 : memref<64x128xf32, #tpu.memory_space<vmem>>) dst(%dma_wait3A_172 : memref<5632x128xf32, #tpu.memory_space<vmem_shared>>)
        } else {
        }
        %add3A_149 = arith.constant 1 : i32
        %add3A_150 = arith.addi %scan3A_98, %add3A_149 : i32
        %lt3A_151 = arith.cmpi slt, %add3A_150, %select_n3A : i32
        %convert_element_type3A_152 = arith.extui %lt3A_151 : i1 to i32
        %cond3A_153 = arith.constant 0 : i32
        %cond3A_154 = arith.cmpi ne, %convert_element_type3A_152, %cond3A_153 : i32
        scf.if %cond3A_154 {
          %add3A_165 = arith.constant 1 : i32
          %add3A_166 = arith.addi %scan3A_98, %add3A_165 : i32
          %mul3A_167 = arith.constant 64 : i32
          %mul3A_168 = arith.muli %add3A_166, %mul3A_167 : i32
          %dma_start3A_169 = tpu.memref_slice %arg8[%mul3A_168] : memref<20064xi32, #tpu.memory_space<vmem>> -> memref<64xi32, #tpu.memory_space<vmem>>
          %dma_start3A_170 = arith.constant 0 : i32
          %dma_start3A_171 = arith.constant 0 : i32
          %dma_start3A_172 = tpu.memref_slice %arg5[%dma_start3A_170, %dma_start3A_171] : memref<20000x128xf32, #tpu.memory_space<hbm>> -> memref<20000x128xf32, #tpu.memory_space<hbm>>
          tpu.enqueue_indirect_dma source(%dma_start3A_172 : memref<20000x128xf32, #tpu.memory_space<hbm>>) target(%arg12 : memref<64x128xf32, #tpu.memory_space<vmem>>) offsets(%dma_start3A_169 : memref<64xi32, #tpu.memory_space<vmem>>) semaphore(%arg15 : memref<!tpu.dma_semaphore, #tpu.memory_space<semaphore_mem>>)
        } else {
        }
        %mul3A_155 = arith.constant 64 : i32
        %mul3A_156 = arith.muli %scan3A_98, %mul3A_155 : i32
        %dma_wait3A = tpu.memref_slice %arg8[%mul3A_156] : memref<20064xi32, #tpu.memory_space<vmem>> -> memref<64xi32, #tpu.memory_space<vmem>>
        %dma_wait3A_157 = arith.constant 0 : i32
        %dma_wait3A_158 = arith.constant 0 : i32
        %dma_wait3A_159 = tpu.memref_slice %arg5[%dma_wait3A_157, %dma_wait3A_158] : memref<20000x128xf32, #tpu.memory_space<hbm>> -> memref<20000x128xf32, #tpu.memory_space<hbm>>
        tpu.wait_indirect_dma semaphore(%arg14 : memref<!tpu.dma_semaphore, #tpu.memory_space<semaphore_mem>>) src(%dma_wait3A_159 : memref<20000x128xf32, #tpu.memory_space<hbm>>) dst(%arg11 : memref<64x128xf32, #tpu.memory_space<vmem>>)
        %mul3A_160 = arith.constant 64 : i32
        %mul3A_161 = arith.muli %scan3A_98, %mul3A_160 : i32
        %dma_start3A = tpu.memref_slice %arg9[%mul3A_161] : memref<20064xi32, #tpu.memory_space<vmem>> -> memref<64xi32, #tpu.memory_space<vmem>>
        %dma_start3A_162 = arith.constant 0 : i32
        %dma_start3A_163 = arith.constant 0 : i32
        %dma_start3A_164 = tpu.memref_slice %arg13[%dma_start3A_162, %dma_start3A_163] : memref<5632x128xf32, #tpu.memory_space<vmem_shared>> -> memref<5632x128xf32, #tpu.memory_space<vmem_shared>>
        tpu.enqueue_indirect_dma source(%arg11 : memref<64x128xf32, #tpu.memory_space<vmem>>) target(%dma_start3A_164 : memref<5632x128xf32, #tpu.memory_space<vmem_shared>>) offsets(%dma_start3A : memref<64xi32, #tpu.memory_space<vmem>>) semaphore(%arg16 : memref<!tpu.dma_semaphore, #tpu.memory_space<semaphore_mem>>) {add = true}
      } else {
      }
      %lt3A_122 = arith.cmpi slt, %scan3A_98, %select_n3A : i32
      %jit3A_123 = arith.constant 2 : i32
      %eq3A_124 = arith.constant 0 : i32
      %eq3A_125 = arith.cmpi eq, %jit3A_123, %eq3A_124 : i32
      %jit3A_126 = arith.constant 1 : i32
      %select_n3A_127 = arith.select %eq3A_125, %jit3A_126, %jit3A_123 : i32
      %rem3A_128 = arith.remsi %scan3A_98, %select_n3A_127 : i32
      %ne3A_129 = arith.constant 0 : i32
      %ne3A_130 = arith.cmpi ne, %rem3A_128, %ne3A_129 : i32
      %lt3A_131 = arith.constant 0 : i32
      %lt3A_132 = arith.cmpi slt, %rem3A_128, %lt3A_131 : i32
      %lt3A_133 = arith.constant 0 : i32
      %lt3A_134 = arith.cmpi slt, %select_n3A_127, %lt3A_133 : i32
      %ne3A_135 = arith.xori %lt3A_132, %lt3A_134 : i1
      %and3A_136 = arith.andi %ne3A_135, %ne3A_130 : i1
      %add3A_137 = arith.addi %rem3A_128, %select_n3A_127 : i32
      %select_n3A_138 = arith.select %and3A_136, %add3A_137, %rem3A_128 : i32
      %eq3A_139 = arith.constant 1 : i32
      %eq3A_140 = arith.cmpi eq, %select_n3A_138, %eq3A_139 : i32
      %and3A_141 = arith.andi %lt3A_122, %eq3A_140 : i1
      %convert_element_type3A_142 = arith.extui %and3A_141 : i1 to i32
      %cond3A_143 = arith.constant 0 : i32
      %cond3A_144 = arith.cmpi ne, %convert_element_type3A_142, %cond3A_143 : i32
      scf.if %cond3A_144 {
        %ge3A = arith.constant 1 : i32
        %ge3A_145 = arith.cmpi sge, %scan3A_98, %ge3A : i32
        %convert_element_type3A_146 = arith.extui %ge3A_145 : i1 to i32
        %cond3A_147 = arith.constant 0 : i32
        %cond3A_148 = arith.cmpi ne, %convert_element_type3A_146, %cond3A_147 : i32
        scf.if %cond3A_148 {
          %sub3A_165 = arith.constant 1 : i32
          %sub3A_166 = arith.subi %scan3A_98, %sub3A_165 : i32
          %mul3A_167 = arith.constant 64 : i32
          %mul3A_168 = arith.muli %sub3A_166, %mul3A_167 : i32
          %dma_wait3A_169 = tpu.memref_slice %arg9[%mul3A_168] : memref<20064xi32, #tpu.memory_space<vmem>> -> memref<64xi32, #tpu.memory_space<vmem>>
          %dma_wait3A_170 = arith.constant 0 : i32
          %dma_wait3A_171 = arith.constant 0 : i32
          %dma_wait3A_172 = tpu.memref_slice %arg13[%dma_wait3A_170, %dma_wait3A_171] : memref<5632x128xf32, #tpu.memory_space<vmem_shared>> -> memref<5632x128xf32, #tpu.memory_space<vmem_shared>>
          tpu.wait_indirect_dma semaphore(%arg16 : memref<!tpu.dma_semaphore, #tpu.memory_space<semaphore_mem>>) src(%arg11 : memref<64x128xf32, #tpu.memory_space<vmem>>) dst(%dma_wait3A_172 : memref<5632x128xf32, #tpu.memory_space<vmem_shared>>)
        } else {
        }
        %add3A_149 = arith.constant 1 : i32
        %add3A_150 = arith.addi %scan3A_98, %add3A_149 : i32
        %lt3A_151 = arith.cmpi slt, %add3A_150, %select_n3A : i32
        %convert_element_type3A_152 = arith.extui %lt3A_151 : i1 to i32
        %cond3A_153 = arith.constant 0 : i32
        %cond3A_154 = arith.cmpi ne, %convert_element_type3A_152, %cond3A_153 : i32
        scf.if %cond3A_154 {
          %add3A_165 = arith.constant 1 : i32
          %add3A_166 = arith.addi %scan3A_98, %add3A_165 : i32
          %mul3A_167 = arith.constant 64 : i32
          %mul3A_168 = arith.muli %add3A_166, %mul3A_167 : i32
          %dma_start3A_169 = tpu.memref_slice %arg8[%mul3A_168] : memref<20064xi32, #tpu.memory_space<vmem>> -> memref<64xi32, #tpu.memory_space<vmem>>
          %dma_start3A_170 = arith.constant 0 : i32
          %dma_start3A_171 = arith.constant 0 : i32
          %dma_start3A_172 = tpu.memref_slice %arg5[%dma_start3A_170, %dma_start3A_171] : memref<20000x128xf32, #tpu.memory_space<hbm>> -> memref<20000x128xf32, #tpu.memory_space<hbm>>
          tpu.enqueue_indirect_dma source(%dma_start3A_172 : memref<20000x128xf32, #tpu.memory_space<hbm>>) target(%arg11 : memref<64x128xf32, #tpu.memory_space<vmem>>) offsets(%dma_start3A_169 : memref<64xi32, #tpu.memory_space<vmem>>) semaphore(%arg14 : memref<!tpu.dma_semaphore, #tpu.memory_space<semaphore_mem>>)
        } else {
        }
        %mul3A_155 = arith.constant 64 : i32
        %mul3A_156 = arith.muli %scan3A_98, %mul3A_155 : i32
        %dma_wait3A = tpu.memref_slice %arg8[%mul3A_156] : memref<20064xi32, #tpu.memory_space<vmem>> -> memref<64xi32, #tpu.memory_space<vmem>>
        %dma_wait3A_157 = arith.constant 0 : i32
        %dma_wait3A_158 = arith.constant 0 : i32
        %dma_wait3A_159 = tpu.memref_slice %arg5[%dma_wait3A_157, %dma_wait3A_158] : memref<20000x128xf32, #tpu.memory_space<hbm>> -> memref<20000x128xf32, #tpu.memory_space<hbm>>
        tpu.wait_indirect_dma semaphore(%arg15 : memref<!tpu.dma_semaphore, #tpu.memory_space<semaphore_mem>>) src(%dma_wait3A_159 : memref<20000x128xf32, #tpu.memory_space<hbm>>) dst(%arg12 : memref<64x128xf32, #tpu.memory_space<vmem>>)
        %mul3A_160 = arith.constant 64 : i32
        %mul3A_161 = arith.muli %scan3A_98, %mul3A_160 : i32
        %dma_start3A = tpu.memref_slice %arg9[%mul3A_161] : memref<20064xi32, #tpu.memory_space<vmem>> -> memref<64xi32, #tpu.memory_space<vmem>>
        %dma_start3A_162 = arith.constant 0 : i32
        %dma_start3A_163 = arith.constant 0 : i32
        %dma_start3A_164 = tpu.memref_slice %arg13[%dma_start3A_162, %dma_start3A_163] : memref<5632x128xf32, #tpu.memory_space<vmem_shared>> -> memref<5632x128xf32, #tpu.memory_space<vmem_shared>>
        tpu.enqueue_indirect_dma source(%arg12 : memref<64x128xf32, #tpu.memory_space<vmem>>) target(%dma_start3A_164 : memref<5632x128xf32, #tpu.memory_space<vmem_shared>>) offsets(%dma_start3A : memref<64xi32, #tpu.memory_space<vmem>>) semaphore(%arg17 : memref<!tpu.dma_semaphore, #tpu.memory_space<semaphore_mem>>) {add = true}
      } else {
      }
    }
    %scan3A_42 = arith.constant 313 : i32
    %gt3A_43 = arith.constant 0 : i32
    %gt3A_44 = arith.cmpi sgt, %select_n3A, %gt3A_43 : i32
    %sub3A_45 = arith.constant 1 : i32
    %sub3A_46 = arith.subi %select_n3A, %sub3A_45 : i32
    %jit3A_47 = arith.constant 2 : i32
    %eq3A = arith.constant 0 : i32
    %eq3A_48 = arith.cmpi eq, %jit3A_47, %eq3A : i32
    %jit3A_49 = arith.constant 1 : i32
    %select_n3A_50 = arith.select %eq3A_48, %jit3A_49, %jit3A_47 : i32
    %rem3A_51 = arith.remsi %sub3A_46, %select_n3A_50 : i32
    %ne3A_52 = arith.constant 0 : i32
    %ne3A_53 = arith.cmpi ne, %rem3A_51, %ne3A_52 : i32
    %lt3A = arith.constant 0 : i32
    %lt3A_54 = arith.cmpi slt, %rem3A_51, %lt3A : i32
    %lt3A_55 = arith.constant 0 : i32
    %lt3A_56 = arith.cmpi slt, %select_n3A_50, %lt3A_55 : i32
    %ne3A_57 = arith.xori %lt3A_54, %lt3A_56 : i1
    %and3A_58 = arith.andi %ne3A_57, %ne3A_53 : i1
    %add3A_59 = arith.addi %rem3A_51, %select_n3A_50 : i32
    %select_n3A_60 = arith.select %and3A_58, %add3A_59, %rem3A_51 : i32
    %eq3A_61 = arith.constant 0 : i32
    %eq3A_62 = arith.cmpi eq, %select_n3A_60, %eq3A_61 : i32
    %and3A_63 = arith.andi %gt3A_44, %eq3A_62 : i1
    %convert_element_type3A_64 = arith.extui %and3A_63 : i1 to i32
    %cond3A_65 = arith.constant 0 : i32
    %cond3A_66 = arith.cmpi ne, %convert_element_type3A_64, %cond3A_65 : i32
    scf.if %cond3A_66 {
      %sub3A_98 = arith.constant 1 : i32
      %sub3A_99 = arith.subi %select_n3A, %sub3A_98 : i32
      %mul3A_100 = arith.constant 64 : i32
      %mul3A_101 = arith.muli %sub3A_99, %mul3A_100 : i32
      %dma_wait3A = tpu.memref_slice %arg9[%mul3A_101] : memref<20064xi32, #tpu.memory_space<vmem>> -> memref<64xi32, #tpu.memory_space<vmem>>
      %dma_wait3A_102 = arith.constant 0 : i32
      %dma_wait3A_103 = arith.constant 0 : i32
      %dma_wait3A_104 = tpu.memref_slice %arg13[%dma_wait3A_102, %dma_wait3A_103] : memref<5632x128xf32, #tpu.memory_space<vmem_shared>> -> memref<5632x128xf32, #tpu.memory_space<vmem_shared>>
      tpu.wait_indirect_dma semaphore(%arg16 : memref<!tpu.dma_semaphore, #tpu.memory_space<semaphore_mem>>) src(%arg11 : memref<64x128xf32, #tpu.memory_space<vmem>>) dst(%dma_wait3A_104 : memref<5632x128xf32, #tpu.memory_space<vmem_shared>>)
    } else {
    }
    %gt3A_67 = arith.constant 0 : i32
    %gt3A_68 = arith.cmpi sgt, %select_n3A, %gt3A_67 : i32
    %sub3A_69 = arith.constant 1 : i32
    %sub3A_70 = arith.subi %select_n3A, %sub3A_69 : i32
    %jit3A_71 = arith.constant 2 : i32
    %eq3A_72 = arith.constant 0 : i32
    %eq3A_73 = arith.cmpi eq, %jit3A_71, %eq3A_72 : i32
    %jit3A_74 = arith.constant 1 : i32
    %select_n3A_75 = arith.select %eq3A_73, %jit3A_74, %jit3A_71 : i32
    %rem3A_76 = arith.remsi %sub3A_70, %select_n3A_75 : i32
    %ne3A_77 = arith.constant 0 : i32
    %ne3A_78 = arith.cmpi ne, %rem3A_76, %ne3A_77 : i32
    %lt3A_79 = arith.constant 0 : i32
    %lt3A_80 = arith.cmpi slt, %rem3A_76, %lt3A_79 : i32
    %lt3A_81 = arith.constant 0 : i32
    %lt3A_82 = arith.cmpi slt, %select_n3A_75, %lt3A_81 : i32
    %ne3A_83 = arith.xori %lt3A_80, %lt3A_82 : i1
    %and3A_84 = arith.andi %ne3A_83, %ne3A_78 : i1
    %add3A_85 = arith.addi %rem3A_76, %select_n3A_75 : i32
    %select_n3A_86 = arith.select %and3A_84, %add3A_85, %rem3A_76 : i32
    %eq3A_87 = arith.constant 1 : i32
    %eq3A_88 = arith.cmpi eq, %select_n3A_86, %eq3A_87 : i32
    %and3A_89 = arith.andi %gt3A_68, %eq3A_88 : i1
    %convert_element_type3A_90 = arith.extui %and3A_89 : i1 to i32
    %cond3A_91 = arith.constant 0 : i32
    %cond3A_92 = arith.cmpi ne, %convert_element_type3A_90, %cond3A_91 : i32
    scf.if %cond3A_92 {
      %sub3A_98 = arith.constant 1 : i32
      %sub3A_99 = arith.subi %select_n3A, %sub3A_98 : i32
      %mul3A_100 = arith.constant 64 : i32
      %mul3A_101 = arith.muli %sub3A_99, %mul3A_100 : i32
      %dma_wait3A = tpu.memref_slice %arg9[%mul3A_101] : memref<20064xi32, #tpu.memory_space<vmem>> -> memref<64xi32, #tpu.memory_space<vmem>>
      %dma_wait3A_102 = arith.constant 0 : i32
      %dma_wait3A_103 = arith.constant 0 : i32
      %dma_wait3A_104 = tpu.memref_slice %arg13[%dma_wait3A_102, %dma_wait3A_103] : memref<5632x128xf32, #tpu.memory_space<vmem_shared>> -> memref<5632x128xf32, #tpu.memory_space<vmem_shared>>
      tpu.wait_indirect_dma semaphore(%arg17 : memref<!tpu.dma_semaphore, #tpu.memory_space<semaphore_mem>>) src(%arg12 : memref<64x128xf32, #tpu.memory_space<vmem>>) dst(%dma_wait3A_104 : memref<5632x128xf32, #tpu.memory_space<vmem_shared>>)
    } else {
    }
    %barrier3A_93 = arith.constant 0 : index
    tpu.barrier barrier_id(%barrier3A_93)
    %mul3A_94 = arith.constant 352 : i32
    %mul3A_95 = arith.muli %arg1, %mul3A_94 : i32
    %mul3A_96 = arith.constant 352 : i32
    %mul3A_97 = arith.muli %arg1, %mul3A_96 : i32
    "tpu.region"() ({
      %run_scoped3A = tpu.sem_alloc : memref<!tpu.dma_semaphore, #tpu.memory_space<semaphore_mem>>
      %dma_start3A = arith.constant 0 : i32
      %dma_start3A_98 = tpu.memref_slice %arg7[%arg0, %mul3A_97, %dma_start3A] : memref<2x5632x128xf32, #tpu.memory_space<hbm>> -> memref<1x352x128xf32, #tpu.memory_space<hbm>>
      %dma_start3A_99 = tpu.memref_squeeze %dma_start3A_98 : memref<1x352x128xf32, #tpu.memory_space<hbm>> -> memref<352x128xf32, #tpu.memory_space<hbm>>
      %dma_start3A_100 = arith.constant 0 : i32
      %dma_start3A_101 = tpu.memref_slice %arg13[%mul3A_95, %dma_start3A_100] : memref<5632x128xf32, #tpu.memory_space<vmem_shared>> -> memref<352x128xf32, #tpu.memory_space<vmem_shared>>
      tpu.enqueue_dma source(%dma_start3A_101 : memref<352x128xf32, #tpu.memory_space<vmem_shared>>) target(%dma_start3A_99 : memref<352x128xf32, #tpu.memory_space<hbm>>) target_semaphore(%run_scoped3A : memref<!tpu.dma_semaphore, #tpu.memory_space<semaphore_mem>>)
      %dma_wait3A = arith.constant 0 : i32
      %dma_wait3A_102 = tpu.memref_slice %arg7[%arg0, %mul3A_97, %dma_wait3A] : memref<2x5632x128xf32, #tpu.memory_space<hbm>> -> memref<1x352x128xf32, #tpu.memory_space<hbm>>
      %dma_wait3A_103 = tpu.memref_squeeze %dma_wait3A_102 : memref<1x352x128xf32, #tpu.memory_space<hbm>> -> memref<352x128xf32, #tpu.memory_space<hbm>>
      %dma_wait3A_104 = arith.constant 0 : i32
      %dma_wait3A_105 = tpu.memref_slice %arg13[%mul3A_95, %dma_wait3A_104] : memref<5632x128xf32, #tpu.memory_space<vmem_shared>> -> memref<352x128xf32, #tpu.memory_space<vmem_shared>>
      tpu.wait_dma2 semaphore(%run_scoped3A : memref<!tpu.dma_semaphore, #tpu.memory_space<semaphore_mem>>) src(%dma_wait3A_105 : memref<352x128xf32, #tpu.memory_space<vmem_shared>>) dst(%dma_wait3A_103 : memref<352x128xf32, #tpu.memory_space<hbm>>)
      tpu.yield
    }) : () -> ()
    return
  }
}

#map = affine_map<(d0, d1) -> (0, 0, 0)>
#map1 = affine_map<(d0, d1) -> (0, 0)>
module attributes {stable_mosaic.version = 14 : i64} {
  func.func @body(%arg0: i32, %arg1: i32, %arg2: memref<2x16x20064xi32, #tpu.memory_space<hbm>>, %arg3: memref<2x16x20064xi32, #tpu.memory_space<hbm>>, %arg4: memref<2x16x16xi32, #tpu.memory_space<hbm>>, %arg5: memref<20000x128xf32, #tpu.memory_space<hbm>>, %arg6: memref<5632x128xf32, #tpu.memory_space<hbm>>, %arg7: memref<2x5632x128xf32, #tpu.memory_space<hbm>>, %arg8: memref<20064xi32, #tpu.memory_space<vmem>>, %arg9: memref<20064xi32, #tpu.memory_space<vmem>>, %arg10: memref<16xi32, #tpu.memory_space<vmem>>, %arg11: memref<64x128xf32, #tpu.memory_space<vmem>>, %arg12: memref<64x128xf32, #tpu.memory_space<vmem>>, %arg13: memref<5632x128xf32, #tpu.memory_space<vmem_shared>>, %arg14: memref<!tpu.dma_semaphore, #tpu.memory_space<semaphore_mem>>, %arg15: memref<!tpu.dma_semaphore, #tpu.memory_space<semaphore_mem>>, %arg16: memref<!tpu.dma_semaphore, #tpu.memory_space<semaphore_mem>>, %arg17: memref<!tpu.dma_semaphore, #tpu.memory_space<semaphore_mem>>) attributes {dimension_semantics = [#tpu.dimension_semantics<core_parallel>, #tpu.dimension_semantics<subcore_parallel>], iteration_bounds = array<i64: 2, 16>, scalar_prefetch = 0 : i64, scratch_operands = 10 : i64, tpu.core_type = #tpu.core_type<sc_vector_subcore>, window_params = [{transform_indices = #map}, {transform_indices = #map}, {transform_indices = #map}, {transform_indices = #map1}, {transform_indices = #map1}, {transform_indices = #map}]} {
    %mul3A = arith.constant 352 : i32
    %mul3A_0 = arith.muli %arg1, %mul3A : i32
    %mul3A_1 = arith.constant 352 : i32
    %mul3A_2 = arith.muli %arg1, %mul3A_1 : i32
    "tpu.region"() ({
      %run_scoped3A = tpu.sem_alloc : memref<!tpu.dma_semaphore, #tpu.memory_space<semaphore_mem>>
      %dma_start3A = arith.constant 0 : i32
      %dma_start3A_92 = tpu.memref_slice %arg13[%mul3A_2, %dma_start3A] : memref<5632x128xf32, #tpu.memory_space<vmem_shared>> -> memref<352x128xf32, #tpu.memory_space<vmem_shared>>
      %dma_start3A_93 = arith.constant 0 : i32
      %dma_start3A_94 = tpu.memref_slice %arg6[%mul3A_0, %dma_start3A_93] : memref<5632x128xf32, #tpu.memory_space<hbm>> -> memref<352x128xf32, #tpu.memory_space<hbm>>
      tpu.enqueue_dma source(%dma_start3A_94 : memref<352x128xf32, #tpu.memory_space<hbm>>) target(%dma_start3A_92 : memref<352x128xf32, #tpu.memory_space<vmem_shared>>) target_semaphore(%run_scoped3A : memref<!tpu.dma_semaphore, #tpu.memory_space<semaphore_mem>>)
      %dma_wait3A = arith.constant 0 : i32
      %dma_wait3A_95 = tpu.memref_slice %arg13[%mul3A_2, %dma_wait3A] : memref<5632x128xf32, #tpu.memory_space<vmem_shared>> -> memref<352x128xf32, #tpu.memory_space<vmem_shared>>
      %dma_wait3A_96 = arith.constant 0 : i32
      %dma_wait3A_97 = tpu.memref_slice %arg6[%mul3A_0, %dma_wait3A_96] : memref<5632x128xf32, #tpu.memory_space<hbm>> -> memref<352x128xf32, #tpu.memory_space<hbm>>
      tpu.wait_dma2 semaphore(%run_scoped3A : memref<!tpu.dma_semaphore, #tpu.memory_space<semaphore_mem>>) src(%dma_wait3A_97 : memref<352x128xf32, #tpu.memory_space<hbm>>) dst(%dma_wait3A_95 : memref<352x128xf32, #tpu.memory_space<vmem_shared>>)
      tpu.yield
    }) : () -> ()
    "tpu.region"() ({
      %run_scoped3A = tpu.sem_alloc : memref<!tpu.dma_semaphore, #tpu.memory_space<semaphore_mem>>
      %dma_start3A = arith.constant 0 : i32
      %dma_start3A_92 = tpu.memref_slice %arg2[%arg0, %arg1, %dma_start3A] : memref<2x16x20064xi32, #tpu.memory_space<hbm>> -> memref<1x1x20064xi32, #tpu.memory_space<hbm>>
      %dma_start3A_93 = tpu.memref_squeeze %dma_start3A_92 : memref<1x1x20064xi32, #tpu.memory_space<hbm>> -> memref<20064xi32, #tpu.memory_space<hbm>>
      %dma_start3A_94 = arith.constant 0 : i32
      %dma_start3A_95 = tpu.memref_slice %arg2[%arg0, %arg1, %dma_start3A_94] : memref<2x16x20064xi32, #tpu.memory_space<hbm>> -> memref<1x1x20064xi32, #tpu.memory_space<hbm>>
      %dma_start3A_96 = tpu.memref_squeeze %dma_start3A_95 : memref<1x1x20064xi32, #tpu.memory_space<hbm>> -> memref<20064xi32, #tpu.memory_space<hbm>>
      tpu.enqueue_dma source(%dma_start3A_96 : memref<20064xi32, #tpu.memory_space<hbm>>) target(%arg8 : memref<20064xi32, #tpu.memory_space<vmem>>) target_semaphore(%run_scoped3A : memref<!tpu.dma_semaphore, #tpu.memory_space<semaphore_mem>>)
      %dma_wait3A = arith.constant 0 : i32
      %dma_wait3A_97 = tpu.memref_slice %arg2[%arg0, %arg1, %dma_wait3A] : memref<2x16x20064xi32, #tpu.memory_space<hbm>> -> memref<1x1x20064xi32, #tpu.memory_space<hbm>>
      %dma_wait3A_98 = tpu.memref_squeeze %dma_wait3A_97 : memref<1x1x20064xi32, #tpu.memory_space<hbm>> -> memref<20064xi32, #tpu.memory_space<hbm>>
      %dma_wait3A_99 = arith.constant 0 : i32
      %dma_wait3A_100 = tpu.memref_slice %arg2[%arg0, %arg1, %dma_wait3A_99] : memref<2x16x20064xi32, #tpu.memory_space<hbm>> -> memref<1x1x20064xi32, #tpu.memory_space<hbm>>
      %dma_wait3A_101 = tpu.memref_squeeze %dma_wait3A_100 : memref<1x1x20064xi32, #tpu.memory_space<hbm>> -> memref<20064xi32, #tpu.memory_space<hbm>>
      tpu.wait_dma2 semaphore(%run_scoped3A : memref<!tpu.dma_semaphore, #tpu.memory_space<semaphore_mem>>) src(%dma_wait3A_101 : memref<20064xi32, #tpu.memory_space<hbm>>) dst(%arg8 : memref<20064xi32, #tpu.memory_space<vmem>>)
      tpu.yield
    }) : () -> ()
    "tpu.region"() ({
      %run_scoped3A = tpu.sem_alloc : memref<!tpu.dma_semaphore, #tpu.memory_space<semaphore_mem>>
      %dma_start3A = arith.constant 0 : i32
      %dma_start3A_92 = tpu.memref_slice %arg3[%arg0, %arg1, %dma_start3A] : memref<2x16x20064xi32, #tpu.memory_space<hbm>> -> memref<1x1x20064xi32, #tpu.memory_space<hbm>>
      %dma_start3A_93 = tpu.memref_squeeze %dma_start3A_92 : memref<1x1x20064xi32, #tpu.memory_space<hbm>> -> memref<20064xi32, #tpu.memory_space<hbm>>
      %dma_start3A_94 = arith.constant 0 : i32
      %dma_start3A_95 = tpu.memref_slice %arg3[%arg0, %arg1, %dma_start3A_94] : memref<2x16x20064xi32, #tpu.memory_space<hbm>> -> memref<1x1x20064xi32, #tpu.memory_space<hbm>>
      %dma_start3A_96 = tpu.memref_squeeze %dma_start3A_95 : memref<1x1x20064xi32, #tpu.memory_space<hbm>> -> memref<20064xi32, #tpu.memory_space<hbm>>
      tpu.enqueue_dma source(%dma_start3A_96 : memref<20064xi32, #tpu.memory_space<hbm>>) target(%arg9 : memref<20064xi32, #tpu.memory_space<vmem>>) target_semaphore(%run_scoped3A : memref<!tpu.dma_semaphore, #tpu.memory_space<semaphore_mem>>)
      %dma_wait3A = arith.constant 0 : i32
      %dma_wait3A_97 = tpu.memref_slice %arg3[%arg0, %arg1, %dma_wait3A] : memref<2x16x20064xi32, #tpu.memory_space<hbm>> -> memref<1x1x20064xi32, #tpu.memory_space<hbm>>
      %dma_wait3A_98 = tpu.memref_squeeze %dma_wait3A_97 : memref<1x1x20064xi32, #tpu.memory_space<hbm>> -> memref<20064xi32, #tpu.memory_space<hbm>>
      %dma_wait3A_99 = arith.constant 0 : i32
      %dma_wait3A_100 = tpu.memref_slice %arg3[%arg0, %arg1, %dma_wait3A_99] : memref<2x16x20064xi32, #tpu.memory_space<hbm>> -> memref<1x1x20064xi32, #tpu.memory_space<hbm>>
      %dma_wait3A_101 = tpu.memref_squeeze %dma_wait3A_100 : memref<1x1x20064xi32, #tpu.memory_space<hbm>> -> memref<20064xi32, #tpu.memory_space<hbm>>
      tpu.wait_dma2 semaphore(%run_scoped3A : memref<!tpu.dma_semaphore, #tpu.memory_space<semaphore_mem>>) src(%dma_wait3A_101 : memref<20064xi32, #tpu.memory_space<hbm>>) dst(%arg9 : memref<20064xi32, #tpu.memory_space<vmem>>)
      tpu.yield
    }) : () -> ()
    "tpu.region"() ({
      %run_scoped3A = tpu.sem_alloc : memref<!tpu.dma_semaphore, #tpu.memory_space<semaphore_mem>>
      %dma_start3A = arith.constant 0 : i32
      %dma_start3A_92 = tpu.memref_slice %arg4[%arg0, %arg1, %dma_start3A] : memref<2x16x16xi32, #tpu.memory_space<hbm>> -> memref<1x1x16xi32, #tpu.memory_space<hbm>>
      %dma_start3A_93 = tpu.memref_squeeze %dma_start3A_92 : memref<1x1x16xi32, #tpu.memory_space<hbm>> -> memref<16xi32, #tpu.memory_space<hbm>>
      %dma_start3A_94 = arith.constant 0 : i32
      %dma_start3A_95 = tpu.memref_slice %arg4[%arg0, %arg1, %dma_start3A_94] : memref<2x16x16xi32, #tpu.memory_space<hbm>> -> memref<1x1x16xi32, #tpu.memory_space<hbm>>
      %dma_start3A_96 = tpu.memref_squeeze %dma_start3A_95 : memref<1x1x16xi32, #tpu.memory_space<hbm>> -> memref<16xi32, #tpu.memory_space<hbm>>
      tpu.enqueue_dma source(%dma_start3A_96 : memref<16xi32, #tpu.memory_space<hbm>>) target(%arg10 : memref<16xi32, #tpu.memory_space<vmem>>) target_semaphore(%run_scoped3A : memref<!tpu.dma_semaphore, #tpu.memory_space<semaphore_mem>>)
      %dma_wait3A = arith.constant 0 : i32
      %dma_wait3A_97 = tpu.memref_slice %arg4[%arg0, %arg1, %dma_wait3A] : memref<2x16x16xi32, #tpu.memory_space<hbm>> -> memref<1x1x16xi32, #tpu.memory_space<hbm>>
      %dma_wait3A_98 = tpu.memref_squeeze %dma_wait3A_97 : memref<1x1x16xi32, #tpu.memory_space<hbm>> -> memref<16xi32, #tpu.memory_space<hbm>>
      %dma_wait3A_99 = arith.constant 0 : i32
      %dma_wait3A_100 = tpu.memref_slice %arg4[%arg0, %arg1, %dma_wait3A_99] : memref<2x16x16xi32, #tpu.memory_space<hbm>> -> memref<1x1x16xi32, #tpu.memory_space<hbm>>
      %dma_wait3A_101 = tpu.memref_squeeze %dma_wait3A_100 : memref<1x1x16xi32, #tpu.memory_space<hbm>> -> memref<16xi32, #tpu.memory_space<hbm>>
      tpu.wait_dma2 semaphore(%run_scoped3A : memref<!tpu.dma_semaphore, #tpu.memory_space<semaphore_mem>>) src(%dma_wait3A_101 : memref<16xi32, #tpu.memory_space<hbm>>) dst(%arg10 : memref<16xi32, #tpu.memory_space<vmem>>)
      tpu.yield
    }) : () -> ()
    %get3A = arith.constant 0 : index
    %get3A_3 = tpu.vector_load %arg10[%get3A] {strides = array<i32>} : memref<16xi32, #tpu.memory_space<vmem>>, vector<16xi32>,
    %reduce_max3A = arith.constant true
    %reduce_max3A_4 = vector.broadcast %reduce_max3A : i1 to vector<16xi1>
    %reduce_max3A_5 = arith.constant -2147483648 : i32
    %reduce_max3A_6 = vector.broadcast %reduce_max3A_5 : i32 to vector<16xi32>
    %reduce_max3A_7 = arith.xori %get3A_3, %reduce_max3A_6 : vector<16xi32>
    %reduce_max3A_8 = tpu.scan <max>, %reduce_max3A_7 masked %reduce_max3A_4 : vector<16xi32>, vector<16xi1> -> vector<16xi32>
    %reduce_max3A_9 = arith.xori %reduce_max3A_8, %reduce_max3A_6 : vector<16xi32>
    %reduce_max3A_10 = vector.extract %reduce_max3A_9[15] : i32 from vector<16xi32>
    %add3A = arith.constant 64 : i32
    %add3A_11 = arith.addi %reduce_max3A_10, %add3A : i32
    %sub3A = arith.constant 1 : i32
    %sub3A_12 = arith.subi %add3A_11, %sub3A : i32
    %jit3A = arith.constant 64 : i32
    %div3A = arith.divsi %sub3A_12, %jit3A : i32
    %sign3A = arith.constant 0 : i32
    %sign3A_13 = arith.cmpi sgt, %sub3A_12, %sign3A : i32
    %sign3A_14 = arith.extui %sign3A_13 : i1 to i32
    %sign3A_15 = arith.constant 0 : i32
    %sign3A_16 = arith.cmpi slt, %sub3A_12, %sign3A_15 : i32
    %sign3A_17 = arith.extui %sign3A_16 : i1 to i32
    %sign3A_18 = arith.subi %sign3A_14, %sign3A_17 : i32
    %sign3A_19 = arith.constant 0 : i32
    %sign3A_20 = arith.cmpi sgt, %jit3A, %sign3A_19 : i32
    %sign3A_21 = arith.extui %sign3A_20 : i1 to i32
    %sign3A_22 = arith.constant 0 : i32
    %sign3A_23 = arith.cmpi slt, %jit3A, %sign3A_22 : i32
    %sign3A_24 = arith.extui %sign3A_23 : i1 to i32
    %sign3A_25 = arith.subi %sign3A_21, %sign3A_24 : i32
    %ne3A = arith.cmpi ne, %sign3A_18, %sign3A_25 : i32
    %rem3A = arith.remsi %sub3A_12, %jit3A : i32
    %ne3A_26 = arith.constant 0 : i32
    %ne3A_27 = arith.cmpi ne, %rem3A, %ne3A_26 : i32
    %and3A = arith.andi %ne3A, %ne3A_27 : i1
    %sub3A_28 = arith.constant 1 : i32
    %sub3A_29 = arith.subi %div3A, %sub3A_28 : i32
    %select_n3A = arith.select %and3A, %sub3A_29, %div3A : i32
    %barrier3A = arith.constant 0 : index
    tpu.barrier barrier_id(%barrier3A)
    %gt3A = arith.constant 0 : i32
    %gt3A_30 = arith.cmpi sgt, %select_n3A, %gt3A : i32
    %convert_element_type3A = arith.extui %gt3A_30 : i1 to i32
    %cond3A = arith.constant 0 : i32
    %cond3A_31 = arith.cmpi ne, %convert_element_type3A, %cond3A : i32
    scf.if %cond3A_31 {
      %dma_start3A = arith.constant 0 : i32
      %dma_start3A_92 = tpu.memref_slice %arg8[%dma_start3A] : memref<20064xi32, #tpu.memory_space<vmem>> -> memref<64xi32, #tpu.memory_space<vmem>>
      %dma_start3A_93 = arith.constant 0 : i32
      %dma_start3A_94 = arith.constant 0 : i32
      %dma_start3A_95 = tpu.memref_slice %arg5[%dma_start3A_93, %dma_start3A_94] : memref<20000x128xf32, #tpu.memory_space<hbm>> -> memref<20000x128xf32, #tpu.memory_space<hbm>>
      tpu.enqueue_indirect_dma source(%dma_start3A_95 : memref<20000x128xf32, #tpu.memory_space<hbm>>) target(%arg11 : memref<64x128xf32, #tpu.memory_space<vmem>>) offsets(%dma_start3A_92 : memref<64xi32, #tpu.memory_space<vmem>>) semaphore(%arg14 : memref<!tpu.dma_semaphore, #tpu.memory_space<semaphore_mem>>)
    } else {
    }
    %scan3A = arith.constant 0 : i32
    %scan3A_32 = arith.constant 0 : i32
    %scan3A_33 = arith.constant 313 : i32
    %scan3A_34 = arith.addi %scan3A_32, %scan3A_33 : i32
    %scan3A_35 = arith.constant 1 : i32
    scf.for %scan3A_92 = %scan3A_32 to %scan3A_34 step %scan3A_35  : i32 {
      %lt3A_93 = arith.cmpi slt, %scan3A_92, %select_n3A : i32
      %jit3A_94 = arith.constant 2 : i32
      %eq3A_95 = arith.constant 0 : i32
      %eq3A_96 = arith.cmpi eq, %jit3A_94, %eq3A_95 : i32
      %jit3A_97 = arith.constant 1 : i32
      %select_n3A_98 = arith.select %eq3A_96, %jit3A_97, %jit3A_94 : i32
      %rem3A_99 = arith.remsi %scan3A_92, %select_n3A_98 : i32
      %ne3A_100 = arith.constant 0 : i32
      %ne3A_101 = arith.cmpi ne, %rem3A_99, %ne3A_100 : i32
      %lt3A_102 = arith.constant 0 : i32
      %lt3A_103 = arith.cmpi slt, %rem3A_99, %lt3A_102 : i32
      %lt3A_104 = arith.constant 0 : i32
      %lt3A_105 = arith.cmpi slt, %select_n3A_98, %lt3A_104 : i32
      %ne3A_106 = arith.xori %lt3A_103, %lt3A_105 : i1
      %and3A_107 = arith.andi %ne3A_106, %ne3A_101 : i1
      %add3A_108 = arith.addi %rem3A_99, %select_n3A_98 : i32
      %select_n3A_109 = arith.select %and3A_107, %add3A_108, %rem3A_99 : i32
      %eq3A_110 = arith.constant 0 : i32
      %eq3A_111 = arith.cmpi eq, %select_n3A_109, %eq3A_110 : i32
      %and3A_112 = arith.andi %lt3A_93, %eq3A_111 : i1
      %convert_element_type3A_113 = arith.extui %and3A_112 : i1 to i32
      %cond3A_114 = arith.constant 0 : i32
      %cond3A_115 = arith.cmpi ne, %convert_element_type3A_113, %cond3A_114 : i32
      scf.if %cond3A_115 {
        %ge3A = arith.constant 1 : i32
        %ge3A_139 = arith.cmpi sge, %scan3A_92, %ge3A : i32
        %convert_element_type3A_140 = arith.extui %ge3A_139 : i1 to i32
        %cond3A_141 = arith.constant 0 : i32
        %cond3A_142 = arith.cmpi ne, %convert_element_type3A_140, %cond3A_141 : i32
        scf.if %cond3A_142 {
          %sub3A_159 = arith.constant 1 : i32
          %sub3A_160 = arith.subi %scan3A_92, %sub3A_159 : i32
          %mul3A_161 = arith.constant 64 : i32
          %mul3A_162 = arith.muli %sub3A_160, %mul3A_161 : i32
          %dma_wait3A_163 = tpu.memref_slice %arg9[%mul3A_162] : memref<20064xi32, #tpu.memory_space<vmem>> -> memref<64xi32, #tpu.memory_space<vmem>>
          %dma_wait3A_164 = arith.constant 0 : i32
          %dma_wait3A_165 = arith.constant 0 : i32
          %dma_wait3A_166 = tpu.memref_slice %arg13[%dma_wait3A_164, %dma_wait3A_165] : memref<5632x128xf32, #tpu.memory_space<vmem_shared>> -> memref<5632x128xf32, #tpu.memory_space<vmem_shared>>
          tpu.wait_indirect_dma semaphore(%arg17 : memref<!tpu.dma_semaphore, #tpu.memory_space<semaphore_mem>>) src(%arg12 : memref<64x128xf32, #tpu.memory_space<vmem>>) dst(%dma_wait3A_166 : memref<5632x128xf32, #tpu.memory_space<vmem_shared>>)
        } else {
        }
        %add3A_143 = arith.constant 1 : i32
        %add3A_144 = arith.addi %scan3A_92, %add3A_143 : i32
        %lt3A_145 = arith.cmpi slt, %add3A_144, %select_n3A : i32
        %convert_element_type3A_146 = arith.extui %lt3A_145 : i1 to i32
        %cond3A_147 = arith.constant 0 : i32
        %cond3A_148 = arith.cmpi ne, %convert_element_type3A_146, %cond3A_147 : i32
        scf.if %cond3A_148 {
          %add3A_159 = arith.constant 1 : i32
          %add3A_160 = arith.addi %scan3A_92, %add3A_159 : i32
          %mul3A_161 = arith.constant 64 : i32
          %mul3A_162 = arith.muli %add3A_160, %mul3A_161 : i32
          %dma_start3A_163 = tpu.memref_slice %arg8[%mul3A_162] : memref<20064xi32, #tpu.memory_space<vmem>> -> memref<64xi32, #tpu.memory_space<vmem>>
          %dma_start3A_164 = arith.constant 0 : i32
          %dma_start3A_165 = arith.constant 0 : i32
          %dma_start3A_166 = tpu.memref_slice %arg5[%dma_start3A_164, %dma_start3A_165] : memref<20000x128xf32, #tpu.memory_space<hbm>> -> memref<20000x128xf32, #tpu.memory_space<hbm>>
          tpu.enqueue_indirect_dma source(%dma_start3A_166 : memref<20000x128xf32, #tpu.memory_space<hbm>>) target(%arg12 : memref<64x128xf32, #tpu.memory_space<vmem>>) offsets(%dma_start3A_163 : memref<64xi32, #tpu.memory_space<vmem>>) semaphore(%arg15 : memref<!tpu.dma_semaphore, #tpu.memory_space<semaphore_mem>>)
        } else {
        }
        %mul3A_149 = arith.constant 64 : i32
        %mul3A_150 = arith.muli %scan3A_92, %mul3A_149 : i32
        %dma_wait3A = tpu.memref_slice %arg8[%mul3A_150] : memref<20064xi32, #tpu.memory_space<vmem>> -> memref<64xi32, #tpu.memory_space<vmem>>
        %dma_wait3A_151 = arith.constant 0 : i32
        %dma_wait3A_152 = arith.constant 0 : i32
        %dma_wait3A_153 = tpu.memref_slice %arg5[%dma_wait3A_151, %dma_wait3A_152] : memref<20000x128xf32, #tpu.memory_space<hbm>> -> memref<20000x128xf32, #tpu.memory_space<hbm>>
        tpu.wait_indirect_dma semaphore(%arg14 : memref<!tpu.dma_semaphore, #tpu.memory_space<semaphore_mem>>) src(%dma_wait3A_153 : memref<20000x128xf32, #tpu.memory_space<hbm>>) dst(%arg11 : memref<64x128xf32, #tpu.memory_space<vmem>>)
        %mul3A_154 = arith.constant 64 : i32
        %mul3A_155 = arith.muli %scan3A_92, %mul3A_154 : i32
        %dma_start3A = tpu.memref_slice %arg9[%mul3A_155] : memref<20064xi32, #tpu.memory_space<vmem>> -> memref<64xi32, #tpu.memory_space<vmem>>
        %dma_start3A_156 = arith.constant 0 : i32
        %dma_start3A_157 = arith.constant 0 : i32
        %dma_start3A_158 = tpu.memref_slice %arg13[%dma_start3A_156, %dma_start3A_157] : memref<5632x128xf32, #tpu.memory_space<vmem_shared>> -> memref<5632x128xf32, #tpu.memory_space<vmem_shared>>
        tpu.enqueue_indirect_dma source(%arg11 : memref<64x128xf32, #tpu.memory_space<vmem>>) target(%dma_start3A_158 : memref<5632x128xf32, #tpu.memory_space<vmem_shared>>) offsets(%dma_start3A : memref<64xi32, #tpu.memory_space<vmem>>) semaphore(%arg16 : memref<!tpu.dma_semaphore, #tpu.memory_space<semaphore_mem>>) {add = true}
      } else {
      }
      %lt3A_116 = arith.cmpi slt, %scan3A_92, %select_n3A : i32
      %jit3A_117 = arith.constant 2 : i32
      %eq3A_118 = arith.constant 0 : i32
      %eq3A_119 = arith.cmpi eq, %jit3A_117, %eq3A_118 : i32
      %jit3A_120 = arith.constant 1 : i32
      %select_n3A_121 = arith.select %eq3A_119, %jit3A_120, %jit3A_117 : i32
      %rem3A_122 = arith.remsi %scan3A_92, %select_n3A_121 : i32
      %ne3A_123 = arith.constant 0 : i32
      %ne3A_124 = arith.cmpi ne, %rem3A_122, %ne3A_123 : i32
      %lt3A_125 = arith.constant 0 : i32
      %lt3A_126 = arith.cmpi slt, %rem3A_122, %lt3A_125 : i32
      %lt3A_127 = arith.constant 0 : i32
      %lt3A_128 = arith.cmpi slt, %select_n3A_121, %lt3A_127 : i32
      %ne3A_129 = arith.xori %lt3A_126, %lt3A_128 : i1
      %and3A_130 = arith.andi %ne3A_129, %ne3A_124 : i1
      %add3A_131 = arith.addi %rem3A_122, %select_n3A_121 : i32
      %select_n3A_132 = arith.select %and3A_130, %add3A_131, %rem3A_122 : i32
      %eq3A_133 = arith.constant 1 : i32
      %eq3A_134 = arith.cmpi eq, %select_n3A_132, %eq3A_133 : i32
      %and3A_135 = arith.andi %lt3A_116, %eq3A_134 : i1
      %convert_element_type3A_136 = arith.extui %and3A_135 : i1 to i32
      %cond3A_137 = arith.constant 0 : i32
      %cond3A_138 = arith.cmpi ne, %convert_element_type3A_136, %cond3A_137 : i32
      scf.if %cond3A_138 {
        %ge3A = arith.constant 1 : i32
        %ge3A_139 = arith.cmpi sge, %scan3A_92, %ge3A : i32
        %convert_element_type3A_140 = arith.extui %ge3A_139 : i1 to i32
        %cond3A_141 = arith.constant 0 : i32
        %cond3A_142 = arith.cmpi ne, %convert_element_type3A_140, %cond3A_141 : i32
        scf.if %cond3A_142 {
          %sub3A_159 = arith.constant 1 : i32
          %sub3A_160 = arith.subi %scan3A_92, %sub3A_159 : i32
          %mul3A_161 = arith.constant 64 : i32
          %mul3A_162 = arith.muli %sub3A_160, %mul3A_161 : i32
          %dma_wait3A_163 = tpu.memref_slice %arg9[%mul3A_162] : memref<20064xi32, #tpu.memory_space<vmem>> -> memref<64xi32, #tpu.memory_space<vmem>>
          %dma_wait3A_164 = arith.constant 0 : i32
          %dma_wait3A_165 = arith.constant 0 : i32
          %dma_wait3A_166 = tpu.memref_slice %arg13[%dma_wait3A_164, %dma_wait3A_165] : memref<5632x128xf32, #tpu.memory_space<vmem_shared>> -> memref<5632x128xf32, #tpu.memory_space<vmem_shared>>
          tpu.wait_indirect_dma semaphore(%arg16 : memref<!tpu.dma_semaphore, #tpu.memory_space<semaphore_mem>>) src(%arg11 : memref<64x128xf32, #tpu.memory_space<vmem>>) dst(%dma_wait3A_166 : memref<5632x128xf32, #tpu.memory_space<vmem_shared>>)
        } else {
        }
        %add3A_143 = arith.constant 1 : i32
        %add3A_144 = arith.addi %scan3A_92, %add3A_143 : i32
        %lt3A_145 = arith.cmpi slt, %add3A_144, %select_n3A : i32
        %convert_element_type3A_146 = arith.extui %lt3A_145 : i1 to i32
        %cond3A_147 = arith.constant 0 : i32
        %cond3A_148 = arith.cmpi ne, %convert_element_type3A_146, %cond3A_147 : i32
        scf.if %cond3A_148 {
          %add3A_159 = arith.constant 1 : i32
          %add3A_160 = arith.addi %scan3A_92, %add3A_159 : i32
          %mul3A_161 = arith.constant 64 : i32
          %mul3A_162 = arith.muli %add3A_160, %mul3A_161 : i32
          %dma_start3A_163 = tpu.memref_slice %arg8[%mul3A_162] : memref<20064xi32, #tpu.memory_space<vmem>> -> memref<64xi32, #tpu.memory_space<vmem>>
          %dma_start3A_164 = arith.constant 0 : i32
          %dma_start3A_165 = arith.constant 0 : i32
          %dma_start3A_166 = tpu.memref_slice %arg5[%dma_start3A_164, %dma_start3A_165] : memref<20000x128xf32, #tpu.memory_space<hbm>> -> memref<20000x128xf32, #tpu.memory_space<hbm>>
          tpu.enqueue_indirect_dma source(%dma_start3A_166 : memref<20000x128xf32, #tpu.memory_space<hbm>>) target(%arg11 : memref<64x128xf32, #tpu.memory_space<vmem>>) offsets(%dma_start3A_163 : memref<64xi32, #tpu.memory_space<vmem>>) semaphore(%arg14 : memref<!tpu.dma_semaphore, #tpu.memory_space<semaphore_mem>>)
        } else {
        }
        %mul3A_149 = arith.constant 64 : i32
        %mul3A_150 = arith.muli %scan3A_92, %mul3A_149 : i32
        %dma_wait3A = tpu.memref_slice %arg8[%mul3A_150] : memref<20064xi32, #tpu.memory_space<vmem>> -> memref<64xi32, #tpu.memory_space<vmem>>
        %dma_wait3A_151 = arith.constant 0 : i32
        %dma_wait3A_152 = arith.constant 0 : i32
        %dma_wait3A_153 = tpu.memref_slice %arg5[%dma_wait3A_151, %dma_wait3A_152] : memref<20000x128xf32, #tpu.memory_space<hbm>> -> memref<20000x128xf32, #tpu.memory_space<hbm>>
        tpu.wait_indirect_dma semaphore(%arg15 : memref<!tpu.dma_semaphore, #tpu.memory_space<semaphore_mem>>) src(%dma_wait3A_153 : memref<20000x128xf32, #tpu.memory_space<hbm>>) dst(%arg12 : memref<64x128xf32, #tpu.memory_space<vmem>>)
        %mul3A_154 = arith.constant 64 : i32
        %mul3A_155 = arith.muli %scan3A_92, %mul3A_154 : i32
        %dma_start3A = tpu.memref_slice %arg9[%mul3A_155] : memref<20064xi32, #tpu.memory_space<vmem>> -> memref<64xi32, #tpu.memory_space<vmem>>
        %dma_start3A_156 = arith.constant 0 : i32
        %dma_start3A_157 = arith.constant 0 : i32
        %dma_start3A_158 = tpu.memref_slice %arg13[%dma_start3A_156, %dma_start3A_157] : memref<5632x128xf32, #tpu.memory_space<vmem_shared>> -> memref<5632x128xf32, #tpu.memory_space<vmem_shared>>
        tpu.enqueue_indirect_dma source(%arg12 : memref<64x128xf32, #tpu.memory_space<vmem>>) target(%dma_start3A_158 : memref<5632x128xf32, #tpu.memory_space<vmem_shared>>) offsets(%dma_start3A : memref<64xi32, #tpu.memory_space<vmem>>) semaphore(%arg17 : memref<!tpu.dma_semaphore, #tpu.memory_space<semaphore_mem>>) {add = true}
      } else {
      }
    }
    %scan3A_36 = arith.constant 313 : i32
    %gt3A_37 = arith.constant 0 : i32
    %gt3A_38 = arith.cmpi sgt, %select_n3A, %gt3A_37 : i32
    %sub3A_39 = arith.constant 1 : i32
    %sub3A_40 = arith.subi %select_n3A, %sub3A_39 : i32
    %jit3A_41 = arith.constant 2 : i32
    %eq3A = arith.constant 0 : i32
    %eq3A_42 = arith.cmpi eq, %jit3A_41, %eq3A : i32
    %jit3A_43 = arith.constant 1 : i32
    %select_n3A_44 = arith.select %eq3A_42, %jit3A_43, %jit3A_41 : i32
    %rem3A_45 = arith.remsi %sub3A_40, %select_n3A_44 : i32
    %ne3A_46 = arith.constant 0 : i32
    %ne3A_47 = arith.cmpi ne, %rem3A_45, %ne3A_46 : i32
    %lt3A = arith.constant 0 : i32
    %lt3A_48 = arith.cmpi slt, %rem3A_45, %lt3A : i32
    %lt3A_49 = arith.constant 0 : i32
    %lt3A_50 = arith.cmpi slt, %select_n3A_44, %lt3A_49 : i32
    %ne3A_51 = arith.xori %lt3A_48, %lt3A_50 : i1
    %and3A_52 = arith.andi %ne3A_51, %ne3A_47 : i1
    %add3A_53 = arith.addi %rem3A_45, %select_n3A_44 : i32
    %select_n3A_54 = arith.select %and3A_52, %add3A_53, %rem3A_45 : i32
    %eq3A_55 = arith.constant 0 : i32
    %eq3A_56 = arith.cmpi eq, %select_n3A_54, %eq3A_55 : i32
    %and3A_57 = arith.andi %gt3A_38, %eq3A_56 : i1
    %convert_element_type3A_58 = arith.extui %and3A_57 : i1 to i32
    %cond3A_59 = arith.constant 0 : i32
    %cond3A_60 = arith.cmpi ne, %convert_element_type3A_58, %cond3A_59 : i32
    scf.if %cond3A_60 {
      %sub3A_92 = arith.constant 1 : i32
      %sub3A_93 = arith.subi %select_n3A, %sub3A_92 : i32
      %mul3A_94 = arith.constant 64 : i32
      %mul3A_95 = arith.muli %sub3A_93, %mul3A_94 : i32
      %dma_wait3A = tpu.memref_slice %arg9[%mul3A_95] : memref<20064xi32, #tpu.memory_space<vmem>> -> memref<64xi32, #tpu.memory_space<vmem>>
      %dma_wait3A_96 = arith.constant 0 : i32
      %dma_wait3A_97 = arith.constant 0 : i32
      %dma_wait3A_98 = tpu.memref_slice %arg13[%dma_wait3A_96, %dma_wait3A_97] : memref<5632x128xf32, #tpu.memory_space<vmem_shared>> -> memref<5632x128xf32, #tpu.memory_space<vmem_shared>>
      tpu.wait_indirect_dma semaphore(%arg16 : memref<!tpu.dma_semaphore, #tpu.memory_space<semaphore_mem>>) src(%arg11 : memref<64x128xf32, #tpu.memory_space<vmem>>) dst(%dma_wait3A_98 : memref<5632x128xf32, #tpu.memory_space<vmem_shared>>)
    } else {
    }
    %gt3A_61 = arith.constant 0 : i32
    %gt3A_62 = arith.cmpi sgt, %select_n3A, %gt3A_61 : i32
    %sub3A_63 = arith.constant 1 : i32
    %sub3A_64 = arith.subi %select_n3A, %sub3A_63 : i32
    %jit3A_65 = arith.constant 2 : i32
    %eq3A_66 = arith.constant 0 : i32
    %eq3A_67 = arith.cmpi eq, %jit3A_65, %eq3A_66 : i32
    %jit3A_68 = arith.constant 1 : i32
    %select_n3A_69 = arith.select %eq3A_67, %jit3A_68, %jit3A_65 : i32
    %rem3A_70 = arith.remsi %sub3A_64, %select_n3A_69 : i32
    %ne3A_71 = arith.constant 0 : i32
    %ne3A_72 = arith.cmpi ne, %rem3A_70, %ne3A_71 : i32
    %lt3A_73 = arith.constant 0 : i32
    %lt3A_74 = arith.cmpi slt, %rem3A_70, %lt3A_73 : i32
    %lt3A_75 = arith.constant 0 : i32
    %lt3A_76 = arith.cmpi slt, %select_n3A_69, %lt3A_75 : i32
    %ne3A_77 = arith.xori %lt3A_74, %lt3A_76 : i1
    %and3A_78 = arith.andi %ne3A_77, %ne3A_72 : i1
    %add3A_79 = arith.addi %rem3A_70, %select_n3A_69 : i32
    %select_n3A_80 = arith.select %and3A_78, %add3A_79, %rem3A_70 : i32
    %eq3A_81 = arith.constant 1 : i32
    %eq3A_82 = arith.cmpi eq, %select_n3A_80, %eq3A_81 : i32
    %and3A_83 = arith.andi %gt3A_62, %eq3A_82 : i1
    %convert_element_type3A_84 = arith.extui %and3A_83 : i1 to i32
    %cond3A_85 = arith.constant 0 : i32
    %cond3A_86 = arith.cmpi ne, %convert_element_type3A_84, %cond3A_85 : i32
    scf.if %cond3A_86 {
      %sub3A_92 = arith.constant 1 : i32
      %sub3A_93 = arith.subi %select_n3A, %sub3A_92 : i32
      %mul3A_94 = arith.constant 64 : i32
      %mul3A_95 = arith.muli %sub3A_93, %mul3A_94 : i32
      %dma_wait3A = tpu.memref_slice %arg9[%mul3A_95] : memref<20064xi32, #tpu.memory_space<vmem>> -> memref<64xi32, #tpu.memory_space<vmem>>
      %dma_wait3A_96 = arith.constant 0 : i32
      %dma_wait3A_97 = arith.constant 0 : i32
      %dma_wait3A_98 = tpu.memref_slice %arg13[%dma_wait3A_96, %dma_wait3A_97] : memref<5632x128xf32, #tpu.memory_space<vmem_shared>> -> memref<5632x128xf32, #tpu.memory_space<vmem_shared>>
      tpu.wait_indirect_dma semaphore(%arg17 : memref<!tpu.dma_semaphore, #tpu.memory_space<semaphore_mem>>) src(%arg12 : memref<64x128xf32, #tpu.memory_space<vmem>>) dst(%dma_wait3A_98 : memref<5632x128xf32, #tpu.memory_space<vmem_shared>>)
    } else {
    }
    %barrier3A_87 = arith.constant 0 : index
    tpu.barrier barrier_id(%barrier3A_87)
    %mul3A_88 = arith.constant 352 : i32
    %mul3A_89 = arith.muli %arg1, %mul3A_88 : i32
    %mul3A_90 = arith.constant 352 : i32
    %mul3A_91 = arith.muli %arg1, %mul3A_90 : i32
    "tpu.region"() ({
      %run_scoped3A = tpu.sem_alloc : memref<!tpu.dma_semaphore, #tpu.memory_space<semaphore_mem>>
      %dma_start3A = arith.constant 0 : i32
      %dma_start3A_92 = tpu.memref_slice %arg7[%arg0, %mul3A_91, %dma_start3A] : memref<2x5632x128xf32, #tpu.memory_space<hbm>> -> memref<1x352x128xf32, #tpu.memory_space<hbm>>
      %dma_start3A_93 = tpu.memref_squeeze %dma_start3A_92 : memref<1x352x128xf32, #tpu.memory_space<hbm>> -> memref<352x128xf32, #tpu.memory_space<hbm>>
      %dma_start3A_94 = arith.constant 0 : i32
      %dma_start3A_95 = tpu.memref_slice %arg13[%mul3A_89, %dma_start3A_94] : memref<5632x128xf32, #tpu.memory_space<vmem_shared>> -> memref<352x128xf32, #tpu.memory_space<vmem_shared>>
      tpu.enqueue_dma source(%dma_start3A_95 : memref<352x128xf32, #tpu.memory_space<vmem_shared>>) target(%dma_start3A_93 : memref<352x128xf32, #tpu.memory_space<hbm>>) target_semaphore(%run_scoped3A : memref<!tpu.dma_semaphore, #tpu.memory_space<semaphore_mem>>)
      %dma_wait3A = arith.constant 0 : i32
      %dma_wait3A_96 = tpu.memref_slice %arg7[%arg0, %mul3A_91, %dma_wait3A] : memref<2x5632x128xf32, #tpu.memory_space<hbm>> -> memref<1x352x128xf32, #tpu.memory_space<hbm>>
      %dma_wait3A_97 = tpu.memref_squeeze %dma_wait3A_96 : memref<1x352x128xf32, #tpu.memory_space<hbm>> -> memref<352x128xf32, #tpu.memory_space<hbm>>
      %dma_wait3A_98 = arith.constant 0 : i32
      %dma_wait3A_99 = tpu.memref_slice %arg13[%mul3A_89, %dma_wait3A_98] : memref<5632x128xf32, #tpu.memory_space<vmem_shared>> -> memref<352x128xf32, #tpu.memory_space<vmem_shared>>
      tpu.wait_dma2 semaphore(%run_scoped3A : memref<!tpu.dma_semaphore, #tpu.memory_space<semaphore_mem>>) src(%dma_wait3A_99 : memref<352x128xf32, #tpu.memory_space<vmem_shared>>) dst(%dma_wait3A_97 : memref<352x128xf32, #tpu.memory_space<hbm>>)
      tpu.yield
    }) : () -> ()
    return
  }
}

module attributes {stable_mosaic.version = 14 : i64} {
  func.func @body(%arg0: i32, %arg1: memref<1x1xf32, #tpu.memory_space<smem>>, %arg2: memref<1000x128xf32, #tpu.memory_space<vmem>>, %arg3: memref<1000x128xf32, #tpu.memory_space<vmem>>, %arg4: memref<128x256xf32, #tpu.memory_space<vmem>>, %arg5: memref<1x256xf32, #tpu.memory_space<vmem>>, %arg6: memref<256x256xf32, #tpu.memory_space<vmem>>, %arg7: memref<1x256xf32, #tpu.memory_space<vmem>>, %arg8: memref<2x1000x128xf32, #tpu.memory_space<vmem>>) attributes {dimension_semantics = [#tpu.dimension_semantics<arbitrary>], iteration_bounds = array<i64: 10>, scalar_prefetch = 0 : i64, scratch_operands = 0 : i64, tpu.core_type = #tpu.core_type<tc>, window_params = [{transform_indices = @transform_0, window_bounds = array<i64: 1, 1>}, {transform_indices = @transform_1, window_bounds = array<i64: 1000, 128>}, {transform_indices = @transform_2, window_bounds = array<i64: 1000, 128>}, {pipeline_mode = #tpu.pipeline_mode<synchronous>, transform_indices = @transform_3, window_bounds = array<i64: 128, 256>}, {pipeline_mode = #tpu.pipeline_mode<synchronous>, transform_indices = @transform_4, window_bounds = array<i64: 1, 256>}, {pipeline_mode = #tpu.pipeline_mode<synchronous>, transform_indices = @transform_5, window_bounds = array<i64: 256, 256>}, {pipeline_mode = #tpu.pipeline_mode<synchronous>, transform_indices = @transform_6, window_bounds = array<i64: 1, 256>}, {transform_indices = @transform_7, window_bounds = array<i64: 2, 1000, 128>}]} {
    %get3A = arith.constant 0 : index
    %get3A_0 = arith.constant 0 : index
    %get3A_1 = memref.load %arg1[%get3A, %get3A_0] : memref<1x1xf32, #tpu.memory_space<smem>>
    %add3A = arith.constant 1.000000e+00 : f32
    %add3A_2 = arith.addf %add3A, %get3A_1 : f32
    %get3A_3 = arith.constant 0 : index
    %get3A_4 = arith.constant 0 : index
    %get3A_5 = vector.load %arg2[%get3A_3, %get3A_4] : memref<1000x128xf32, #tpu.memory_space<vmem>>, vector<1000x128xf32>
    %mul3A = vector.broadcast %add3A_2 : f32 to vector<1000x128xf32>
    %mul3A_6 = arith.mulf %mul3A, %get3A_5 : vector<1000x128xf32>
    %get3A_7 = arith.constant 0 : index
    %get3A_8 = arith.constant 0 : index
    %get3A_9 = vector.load %arg3[%get3A_7, %get3A_8] : memref<1000x128xf32, #tpu.memory_space<vmem>>, vector<1000x128xf32>
    %add3A_10 = arith.addf %mul3A_6, %get3A_9 : vector<1000x128xf32>
    %get3A_11 = arith.constant 0 : index
    %get3A_12 = arith.constant 0 : index
    %get3A_13 = vector.load %arg4[%get3A_11, %get3A_12] : memref<128x256xf32, #tpu.memory_space<vmem>>, vector<128x256xf32>
    %dot_general3A = arith.constant dense<0.000000e+00> : vector<1000x256xf32>
    %dot_general3A_14 = tpu.matmul %add3A_10, %get3A_13, %dot_general3A {dimension_numbers = #tpu.dot_dimension_numbers<[1], [0], [0], [1], [0, 0, 1, 1], [], []>, transpose_lhs_hint = false} : vector<1000x128xf32>, vector<128x256xf32>, vector<1000x256xf32> -> vector<1000x256xf32>
    %get3A_15 = arith.constant 0 : index
    %get3A_16 = arith.constant 0 : index
    %get3A_17 = vector.load %arg5[%get3A_15, %get3A_16] : memref<1x256xf32, #tpu.memory_space<vmem>>, vector<1x256xf32>
    %add3A_18 = vector.broadcast %get3A_17 : vector<1x256xf32> to vector<1000x256xf32>
    %add3A_19 = arith.addf %dot_general3A_14, %add3A_18 : vector<1000x256xf32>
    %max3A = arith.constant 0.000000e+00 : f32
    %max3A_20 = vector.broadcast %max3A : f32 to vector<1000x256xf32>
    %max3A_21 = arith.maximumf %add3A_19, %max3A_20 : vector<1000x256xf32>
    %get3A_22 = arith.constant 0 : index
    %get3A_23 = arith.constant 0 : index
    %get3A_24 = vector.load %arg6[%get3A_22, %get3A_23] : memref<256x256xf32, #tpu.memory_space<vmem>>, vector<256x256xf32>
    %dot_general3A_25 = arith.constant dense<0.000000e+00> : vector<1000x256xf32>
    %dot_general3A_26 = tpu.matmul %max3A_21, %get3A_24, %dot_general3A_25 {dimension_numbers = #tpu.dot_dimension_numbers<[1], [0], [0], [1], [0, 0, 1, 1], [], []>, transpose_lhs_hint = false} : vector<1000x256xf32>, vector<256x256xf32>, vector<1000x256xf32> -> vector<1000x256xf32>
    %get3A_27 = arith.constant 0 : index
    %get3A_28 = arith.constant 0 : index
    %get3A_29 = vector.load %arg7[%get3A_27, %get3A_28] : memref<1x256xf32, #tpu.memory_space<vmem>>, vector<1x256xf32>
    %add3A_30 = vector.broadcast %get3A_29 : vector<1x256xf32> to vector<1000x256xf32>
    %add3A_31 = arith.addf %dot_general3A_26, %add3A_30 : vector<1000x256xf32>
    %max3A_32 = arith.constant 0.000000e+00 : f32
    %max3A_33 = vector.broadcast %max3A_32 : f32 to vector<1000x256xf32>
    %max3A_34 = arith.maximumf %add3A_31, %max3A_33 : vector<1000x256xf32>
    %slice3A = vector.extract_strided_slice %max3A_34 {offsets = [0, 0], sizes = [1000, 128], strides = [1, 1]} : vector<1000x256xf32> to vector<1000x128xf32>
    %swap3A = arith.constant 0 : index
    %swap3A_35 = arith.constant 0 : index
    %swap3A_36 = arith.constant 0 : index
    %swap3A_37 = vector.load %arg8[%swap3A, %swap3A_35, %swap3A_36] : memref<2x1000x128xf32, #tpu.memory_space<vmem>>, vector<1x1000x128xf32>
    %swap3A_38 = vector.shape_cast %swap3A_37 : vector<1x1000x128xf32> to vector<1000x128xf32>
    %swap3A_39 = vector.shape_cast %slice3A : vector<1000x128xf32> to vector<1x1000x128xf32>
    tpu.vector_store %arg8[%swap3A, %swap3A_35, %swap3A_36], %swap3A_39 {strides = array<i32>} : memref<2x1000x128xf32, #tpu.memory_space<vmem>>, vector<1x1000x128xf32>,
    %slice3A_40 = vector.extract_strided_slice %max3A_34 {offsets = [0, 128], sizes = [1000, 128], strides = [1, 1]} : vector<1000x256xf32> to vector<1000x128xf32>
    %swap3A_41 = arith.constant 1 : index
    %swap3A_42 = arith.constant 0 : index
    %swap3A_43 = arith.constant 0 : index
    %swap3A_44 = vector.load %arg8[%swap3A_41, %swap3A_42, %swap3A_43] : memref<2x1000x128xf32, #tpu.memory_space<vmem>>, vector<1x1000x128xf32>
    %swap3A_45 = vector.shape_cast %swap3A_44 : vector<1x1000x128xf32> to vector<1000x128xf32>
    %swap3A_46 = vector.shape_cast %slice3A_40 : vector<1000x128xf32> to vector<1x1000x128xf32>
    tpu.vector_store %arg8[%swap3A_41, %swap3A_42, %swap3A_43], %swap3A_46 {strides = array<i32>} : memref<2x1000x128xf32, #tpu.memory_space<vmem>>, vector<1x1000x128xf32>,
    return
  }
  func.func @transform_0(%arg0: i32) -> (i32, i32) {
    %c0_i32 = arith.constant 0 : i32
    %c0_i32_0 = arith.constant 0 : i32
    %c0_i32_1 = arith.constant 0 : i32
    return %c0_i32, %c0_i32_0 : i32, i32
  }
  func.func @transform_1(%arg0: i32) -> (i32, i32) {
    %c0_i32 = arith.constant 0 : i32
    %c0_i32_0 = arith.constant 0 : i32
    return %arg0, %c0_i32 : i32, i32
  }
  func.func @transform_2(%arg0: i32) -> (i32, i32) {
    %c0_i32 = arith.constant 0 : i32
    %c0_i32_0 = arith.constant 0 : i32
    return %arg0, %c0_i32 : i32, i32
  }
  func.func @transform_3(%arg0: i32) -> (i32, i32) {
    %c0_i32 = arith.constant 0 : i32
    %c0_i32_0 = arith.constant 0 : i32
    %c0_i32_1 = arith.constant 0 : i32
    return %c0_i32, %c0_i32_0 : i32, i32
  }
  func.func @transform_4(%arg0: i32) -> (i32, i32) {
    %c0_i32 = arith.constant 0 : i32
    %c0_i32_0 = arith.constant 0 : i32
    %c0_i32_1 = arith.constant 0 : i32
    return %c0_i32, %c0_i32_0 : i32, i32
  }
  func.func @transform_5(%arg0: i32) -> (i32, i32) {
    %c0_i32 = arith.constant 0 : i32
    %c0_i32_0 = arith.constant 0 : i32
    %c0_i32_1 = arith.constant 0 : i32
    return %c0_i32, %c0_i32_0 : i32, i32
  }
  func.func @transform_6(%arg0: i32) -> (i32, i32) {
    %c0_i32 = arith.constant 0 : i32
    %c0_i32_0 = arith.constant 0 : i32
    %c0_i32_1 = arith.constant 0 : i32
    return %c0_i32, %c0_i32_0 : i32, i32
  }
  func.func @transform_7(%arg0: i32) -> (i32, i32, i32) {
    %c0_i32 = arith.constant 0 : i32
    %c0_i32_0 = arith.constant 0 : i32
    %c0_i32_1 = arith.constant 0 : i32
    return %c0_i32, %arg0, %c0_i32_0 : i32, i32, i32
  }
}

module attributes {stable_mosaic.version = 14 : i64} {
  func.func @body(%arg0: i32, %arg1: memref<1x1xf32, #tpu.memory_space<smem>>, %arg2: memref<1000x128xf32, #tpu.memory_space<vmem>>, %arg3: memref<1000x128xf32, #tpu.memory_space<vmem>>, %arg4: memref<1000x128xf32, #tpu.memory_space<vmem>>, %arg5: memref<1000x128xf32, #tpu.memory_space<vmem>>, %arg6: memref<1x1x1000xi32, #tpu.memory_space<vmem>>, %arg7: memref<256x256xf32, #tpu.memory_space<vmem>>, %arg8: memref<1x256xf32, #tpu.memory_space<vmem>>, %arg9: memref<256x256xf32, #tpu.memory_space<vmem>>, %arg10: memref<1x256xf32, #tpu.memory_space<vmem>>, %arg11: memref<256x128xf32, #tpu.memory_space<vmem>>, %arg12: memref<1x128xf32, #tpu.memory_space<vmem>>, %arg13: memref<64x128xf32, #tpu.memory_space<vmem>>, %arg14: memref<64x256xf32, #tpu.memory_space<vmem>>, %arg15: memref<1x64xf32, #tpu.memory_space<vmem>>) attributes {dimension_semantics = [#tpu.dimension_semantics<arbitrary>], iteration_bounds = array<i64: 10>, scalar_prefetch = 0 : i64, scratch_operands = 2 : i64, tpu.core_type = #tpu.core_type<tc>, window_params = [{transform_indices = @transform_0, window_bounds = array<i64: 1, 1>}, {transform_indices = @transform_1, window_bounds = array<i64: 1000, 128>}, {transform_indices = @transform_2, window_bounds = array<i64: 1000, 128>}, {transform_indices = @transform_3, window_bounds = array<i64: 1000, 128>}, {transform_indices = @transform_4, window_bounds = array<i64: 1000, 128>}, {transform_indices = @transform_5, window_bounds = array<i64: 1, 1, 1000>}, {pipeline_mode = #tpu.pipeline_mode<synchronous>, transform_indices = @transform_6, window_bounds = array<i64: 256, 256>}, {pipeline_mode = #tpu.pipeline_mode<synchronous>, transform_indices = @transform_7, window_bounds = array<i64: 1, 256>}, {pipeline_mode = #tpu.pipeline_mode<synchronous>, transform_indices = @transform_8, window_bounds = array<i64: 256, 256>}, {pipeline_mode = #tpu.pipeline_mode<synchronous>, transform_indices = @transform_9, window_bounds = array<i64: 1, 256>}, {pipeline_mode = #tpu.pipeline_mode<synchronous>, transform_indices = @transform_10, window_bounds = array<i64: 256, 128>}, {pipeline_mode = #tpu.pipeline_mode<synchronous>, transform_indices = @transform_11, window_bounds = array<i64: 1, 128>}, {pipeline_mode = #tpu.pipeline_mode<synchronous>, transform_indices = @transform_12, window_bounds = array<i64: 64, 128>}]} {
    %eq3A = arith.constant 0 : i32
    %eq3A_0 = arith.cmpi eq, %arg0, %eq3A : i32
    %convert_element_type3A = arith.extui %eq3A_0 : i1 to i32
    %cond3A = arith.constant 0 : i32
    %cond3A_1 = arith.cmpi ne, %convert_element_type3A, %cond3A : i32
    scf.if %cond3A_1 {
      %broadcast_in_dim3A_76 = arith.constant 0.000000e+00 : f32
      %broadcast_in_dim3A_77 = vector.broadcast %broadcast_in_dim3A_76 : f32 to vector<64x256xf32>
      %swap3A_78 = arith.constant 0 : index
      %swap3A_79 = arith.constant 0 : index
      %swap3A_80 = vector.load %arg14[%swap3A_78, %swap3A_79] : memref<64x256xf32, #tpu.memory_space<vmem>>, vector<64x256xf32>
      tpu.vector_store %arg14[%swap3A_78, %swap3A_79], %broadcast_in_dim3A_77 {strides = array<i32>} : memref<64x256xf32, #tpu.memory_space<vmem>>, vector<64x256xf32>,
      %broadcast_in_dim3A_81 = arith.constant 0.000000e+00 : f32
      %broadcast_in_dim3A_82 = vector.broadcast %broadcast_in_dim3A_81 : f32 to vector<1x64xf32>
      %swap3A_83 = arith.constant 0 : index
      %swap3A_84 = arith.constant 0 : index
      %swap3A_85 = vector.load %arg15[%swap3A_83, %swap3A_84] : memref<1x64xf32, #tpu.memory_space<vmem>>, vector<1x64xf32>
      tpu.vector_store %arg15[%swap3A_83, %swap3A_84], %broadcast_in_dim3A_82 {strides = array<i32>} : memref<1x64xf32, #tpu.memory_space<vmem>>, vector<1x64xf32>,
    } else {
    }
    %get3A = arith.constant 0 : index
    %get3A_2 = arith.constant 0 : index
    %get3A_3 = memref.load %arg1[%get3A, %get3A_2] : memref<1x1xf32, #tpu.memory_space<smem>>
    %add3A = arith.constant 1.000000e+00 : f32
    %add3A_4 = arith.addf %add3A, %get3A_3 : f32
    %get3A_5 = arith.constant 0 : index
    %get3A_6 = arith.constant 0 : index
    %get3A_7 = vector.load %arg2[%get3A_5, %get3A_6] : memref<1000x128xf32, #tpu.memory_space<vmem>>, vector<1000x128xf32>
    %mul3A = vector.broadcast %add3A_4 : f32 to vector<1000x128xf32>
    %mul3A_8 = arith.mulf %mul3A, %get3A_7 : vector<1000x128xf32>
    %get3A_9 = arith.constant 0 : index
    %get3A_10 = arith.constant 0 : index
    %get3A_11 = vector.load %arg4[%get3A_9, %get3A_10] : memref<1000x128xf32, #tpu.memory_space<vmem>>, vector<1000x128xf32>
    %add3A_12 = arith.addf %mul3A_8, %get3A_11 : vector<1000x128xf32>
    %get3A_13 = arith.constant 0 : index
    %get3A_14 = arith.constant 0 : index
    %get3A_15 = vector.load %arg3[%get3A_13, %get3A_14] : memref<1000x128xf32, #tpu.memory_space<vmem>>, vector<1000x128xf32>
    %mul3A_16 = vector.broadcast %add3A_4 : f32 to vector<1000x128xf32>
    %mul3A_17 = arith.mulf %mul3A_16, %get3A_15 : vector<1000x128xf32>
    %get3A_18 = arith.constant 0 : index
    %get3A_19 = arith.constant 0 : index
    %get3A_20 = vector.load %arg5[%get3A_18, %get3A_19] : memref<1000x128xf32, #tpu.memory_space<vmem>>, vector<1000x128xf32>
    %add3A_21 = arith.addf %mul3A_17, %get3A_20 : vector<1000x128xf32>
    %concatenate3A = tpu.concatenate %add3A_12, %add3A_21 in 1 : vector<1000x128xf32>, vector<1000x128xf32> -> vector<1000x256xf32>
    %get3A_22 = arith.constant 0 : index
    %get3A_23 = arith.constant 0 : index
    %get3A_24 = vector.load %arg7[%get3A_22, %get3A_23] : memref<256x256xf32, #tpu.memory_space<vmem>>, vector<256x256xf32>
    %dot_general3A = arith.constant dense<0.000000e+00> : vector<1000x256xf32>
    %dot_general3A_25 = tpu.matmul %concatenate3A, %get3A_24, %dot_general3A {dimension_numbers = #tpu.dot_dimension_numbers<[1], [0], [0], [1], [0, 0, 1, 1], [], []>, transpose_lhs_hint = false} : vector<1000x256xf32>, vector<256x256xf32>, vector<1000x256xf32> -> vector<1000x256xf32>
    %get3A_26 = arith.constant 0 : index
    %get3A_27 = arith.constant 0 : index
    %get3A_28 = vector.load %arg8[%get3A_26, %get3A_27] : memref<1x256xf32, #tpu.memory_space<vmem>>, vector<1x256xf32>
    %add3A_29 = vector.broadcast %get3A_28 : vector<1x256xf32> to vector<1000x256xf32>
    %add3A_30 = arith.addf %dot_general3A_25, %add3A_29 : vector<1000x256xf32>
    %max3A = arith.constant 0.000000e+00 : f32
    %max3A_31 = vector.broadcast %max3A : f32 to vector<1000x256xf32>
    %max3A_32 = arith.maximumf %add3A_30, %max3A_31 : vector<1000x256xf32>
    %get3A_33 = arith.constant 0 : index
    %get3A_34 = arith.constant 0 : index
    %get3A_35 = vector.load %arg9[%get3A_33, %get3A_34] : memref<256x256xf32, #tpu.memory_space<vmem>>, vector<256x256xf32>
    %dot_general3A_36 = arith.constant dense<0.000000e+00> : vector<1000x256xf32>
    %dot_general3A_37 = tpu.matmul %max3A_32, %get3A_35, %dot_general3A_36 {dimension_numbers = #tpu.dot_dimension_numbers<[1], [0], [0], [1], [0, 0, 1, 1], [], []>, transpose_lhs_hint = false} : vector<1000x256xf32>, vector<256x256xf32>, vector<1000x256xf32> -> vector<1000x256xf32>
    %get3A_38 = arith.constant 0 : index
    %get3A_39 = arith.constant 0 : index
    %get3A_40 = vector.load %arg10[%get3A_38, %get3A_39] : memref<1x256xf32, #tpu.memory_space<vmem>>, vector<1x256xf32>
    %add3A_41 = vector.broadcast %get3A_40 : vector<1x256xf32> to vector<1000x256xf32>
    %add3A_42 = arith.addf %dot_general3A_37, %add3A_41 : vector<1000x256xf32>
    %max3A_43 = arith.constant 0.000000e+00 : f32
    %max3A_44 = vector.broadcast %max3A_43 : f32 to vector<1000x256xf32>
    %max3A_45 = arith.maximumf %add3A_42, %max3A_44 : vector<1000x256xf32>
    %get3A_46 = arith.constant 0 : index
    %get3A_47 = arith.constant 0 : index
    %get3A_48 = arith.constant 0 : index
    %get3A_49 = vector.load %arg6[%get3A_46, %get3A_47, %get3A_48] : memref<1x1x1000xi32, #tpu.memory_space<vmem>>, vector<1x1x1000xi32>
    %get3A_50 = vector.shape_cast %get3A_49 : vector<1x1x1000xi32> to vector<1000xi32>
    %reshape3A = vector.shape_cast %get3A_50 : vector<1000xi32> to vector<1000x1xi32>
    %iota3A = tpu.iota {dimensions = array<i32: 1>} : vector<1000x64xi32>
    %eq3A_51 = vector.broadcast %reshape3A : vector<1000x1xi32> to vector<1000x64xi32>
    %eq3A_52 = arith.cmpi eq, %eq3A_51, %iota3A : vector<1000x64xi32>
    %convert_element_type3A_53 = arith.extui %eq3A_52 : vector<1000x64xi1> to vector<1000x64xi32>
    %convert_element_type3A_54 = arith.sitofp %convert_element_type3A_53 : vector<1000x64xi32> to vector<1000x64xf32>
    %get3A_55 = arith.constant 0 : index
    %get3A_56 = arith.constant 0 : index
    %get3A_57 = vector.load %arg14[%get3A_55, %get3A_56] : memref<64x256xf32, #tpu.memory_space<vmem>>, vector<64x256xf32>
    %dot_general3A_58 = arith.constant dense<0.000000e+00> : vector<64x256xf32>
    %dot_general3A_59 = tpu.matmul %convert_element_type3A_54, %max3A_45, %dot_general3A_58 {dimension_numbers = #tpu.dot_dimension_numbers<[0], [0], [1], [1], [0, 1, 1, 1], [], []>, transpose_lhs_hint = false} : vector<1000x64xf32>, vector<1000x256xf32>, vector<64x256xf32> -> vector<64x256xf32>
    %add3A_60 = arith.addf %get3A_57, %dot_general3A_59 : vector<64x256xf32>
    %swap3A = arith.constant 0 : index
    %swap3A_61 = arith.constant 0 : index
    %swap3A_62 = vector.load %arg14[%swap3A, %swap3A_61] : memref<64x256xf32, #tpu.memory_space<vmem>>, vector<64x256xf32>
    tpu.vector_store %arg14[%swap3A, %swap3A_61], %add3A_60 {strides = array<i32>} : memref<64x256xf32, #tpu.memory_space<vmem>>, vector<64x256xf32>,
    %get3A_63 = arith.constant 0 : index
    %get3A_64 = arith.constant 0 : index
    %get3A_65 = vector.load %arg15[%get3A_63, %get3A_64] : memref<1x64xf32, #tpu.memory_space<vmem>>, vector<1x64xf32>
    %reduce_sum3A = arith.constant dense<0.000000e+00> : vector<64xf32>
    %reduce_sum3A_66 = vector.multi_reduction <add>, %convert_element_type3A_54, %reduce_sum3A [0] : vector<1000x64xf32> to vector<64xf32>
    %broadcast_in_dim3A = vector.shape_cast %reduce_sum3A_66 : vector<64xf32> to vector<1x64xf32>
    %add3A_67 = arith.addf %get3A_65, %broadcast_in_dim3A : vector<1x64xf32>
    %swap3A_68 = arith.constant 0 : index
    %swap3A_69 = arith.constant 0 : index
    %swap3A_70 = vector.load %arg15[%swap3A_68, %swap3A_69] : memref<1x64xf32, #tpu.memory_space<vmem>>, vector<1x64xf32>
    tpu.vector_store %arg15[%swap3A_68, %swap3A_69], %add3A_67 {strides = array<i32>} : memref<1x64xf32, #tpu.memory_space<vmem>>, vector<1x64xf32>,
    %eq3A_71 = arith.constant 9 : i32
    %eq3A_72 = arith.cmpi eq, %arg0, %eq3A_71 : i32
    %convert_element_type3A_73 = arith.extui %eq3A_72 : i1 to i32
    %cond3A_74 = arith.constant 0 : i32
    %cond3A_75 = arith.cmpi ne, %convert_element_type3A_73, %cond3A_74 : i32
    scf.if %cond3A_75 {
      %get3A_76 = arith.constant 0 : index
      %get3A_77 = arith.constant 0 : index
      %get3A_78 = vector.load %arg15[%get3A_76, %get3A_77] : memref<1x64xf32, #tpu.memory_space<vmem>>, vector<1x64xf32>
      %max3A_79 = arith.constant 1.000000e+00 : f32
      %max3A_80 = vector.broadcast %max3A_79 : f32 to vector<1x64xf32>
      %max3A_81 = arith.maximumf %get3A_78, %max3A_80 : vector<1x64xf32>
      %reshape3A_82 = vector.shape_cast %max3A_81 : vector<1x64xf32> to vector<64x1xf32>
      %get3A_83 = arith.constant 0 : index
      %get3A_84 = arith.constant 0 : index
      %get3A_85 = vector.load %arg14[%get3A_83, %get3A_84] : memref<64x256xf32, #tpu.memory_space<vmem>>, vector<64x256xf32>
      %div3A = vector.broadcast %reshape3A_82 : vector<64x1xf32> to vector<64x256xf32>
      %div3A_86 = arith.divf %get3A_85, %div3A : vector<64x256xf32>
      %get3A_87 = arith.constant 0 : index
      %get3A_88 = arith.constant 0 : index
      %get3A_89 = vector.load %arg11[%get3A_87, %get3A_88] : memref<256x128xf32, #tpu.memory_space<vmem>>, vector<256x128xf32>
      %dot_general3A_90 = arith.constant dense<0.000000e+00> : vector<64x128xf32>
      %dot_general3A_91 = tpu.matmul %div3A_86, %get3A_89, %dot_general3A_90 {dimension_numbers = #tpu.dot_dimension_numbers<[1], [0], [0], [1], [0, 0, 1, 1], [], []>, transpose_lhs_hint = false} : vector<64x256xf32>, vector<256x128xf32>, vector<64x128xf32> -> vector<64x128xf32>
      %get3A_92 = arith.constant 0 : index
      %get3A_93 = arith.constant 0 : index
      %get3A_94 = vector.load %arg12[%get3A_92, %get3A_93] : memref<1x128xf32, #tpu.memory_space<vmem>>, vector<1x128xf32>
      %add3A_95 = vector.broadcast %get3A_94 : vector<1x128xf32> to vector<64x128xf32>
      %add3A_96 = arith.addf %dot_general3A_91, %add3A_95 : vector<64x128xf32>
      %swap3A_97 = arith.constant 0 : index
      %swap3A_98 = arith.constant 0 : index
      %swap3A_99 = vector.load %arg13[%swap3A_97, %swap3A_98] : memref<64x128xf32, #tpu.memory_space<vmem>>, vector<64x128xf32>
      tpu.vector_store %arg13[%swap3A_97, %swap3A_98], %add3A_96 {strides = array<i32>} : memref<64x128xf32, #tpu.memory_space<vmem>>, vector<64x128xf32>,
    } else {
    }
    return
  }
  func.func @transform_0(%arg0: i32) -> (i32, i32) {
    %c0_i32 = arith.constant 0 : i32
    %c0_i32_0 = arith.constant 0 : i32
    %c0_i32_1 = arith.constant 0 : i32
    return %c0_i32, %c0_i32_0 : i32, i32
  }
  func.func @transform_1(%arg0: i32) -> (i32, i32) {
    %c0_i32 = arith.constant 0 : i32
    %c0_i32_0 = arith.constant 0 : i32
    return %arg0, %c0_i32 : i32, i32
  }
  func.func @transform_2(%arg0: i32) -> (i32, i32) {
    %c0_i32 = arith.constant 0 : i32
    %c0_i32_0 = arith.constant 0 : i32
    return %arg0, %c0_i32 : i32, i32
  }
  func.func @transform_3(%arg0: i32) -> (i32, i32) {
    %c0_i32 = arith.constant 0 : i32
    %c0_i32_0 = arith.constant 0 : i32
    return %arg0, %c0_i32 : i32, i32
  }
  func.func @transform_4(%arg0: i32) -> (i32, i32) {
    %c0_i32 = arith.constant 0 : i32
    %c0_i32_0 = arith.constant 0 : i32
    return %arg0, %c0_i32 : i32, i32
  }
  func.func @transform_5(%arg0: i32) -> (i32, i32, i32) {
    %c0_i32 = arith.constant 0 : i32
    %c0_i32_0 = arith.constant 0 : i32
    %c0_i32_1 = arith.constant 0 : i32
    return %arg0, %c0_i32, %c0_i32_0 : i32, i32, i32
  }
  func.func @transform_6(%arg0: i32) -> (i32, i32) {
    %c0_i32 = arith.constant 0 : i32
    %c0_i32_0 = arith.constant 0 : i32
    %c0_i32_1 = arith.constant 0 : i32
    return %c0_i32, %c0_i32_0 : i32, i32
  }
  func.func @transform_7(%arg0: i32) -> (i32, i32) {
    %c0_i32 = arith.constant 0 : i32
    %c0_i32_0 = arith.constant 0 : i32
    %c0_i32_1 = arith.constant 0 : i32
    return %c0_i32, %c0_i32_0 : i32, i32
  }
  func.func @transform_8(%arg0: i32) -> (i32, i32) {
    %c0_i32 = arith.constant 0 : i32
    %c0_i32_0 = arith.constant 0 : i32
    %c0_i32_1 = arith.constant 0 : i32
    return %c0_i32, %c0_i32_0 : i32, i32
  }
  func.func @transform_9(%arg0: i32) -> (i32, i32) {
    %c0_i32 = arith.constant 0 : i32
    %c0_i32_0 = arith.constant 0 : i32
    %c0_i32_1 = arith.constant 0 : i32
    return %c0_i32, %c0_i32_0 : i32, i32
  }
  func.func @transform_10(%arg0: i32) -> (i32, i32) {
    %c0_i32 = arith.constant 0 : i32
    %c0_i32_0 = arith.constant 0 : i32
    %c0_i32_1 = arith.constant 0 : i32
    return %c0_i32, %c0_i32_0 : i32, i32
  }
  func.func @transform_11(%arg0: i32) -> (i32, i32) {
    %c0_i32 = arith.constant 0 : i32
    %c0_i32_0 = arith.constant 0 : i32
    %c0_i32_1 = arith.constant 0 : i32
    return %c0_i32, %c0_i32_0 : i32, i32
  }
  func.func @transform_12(%arg0: i32) -> (i32, i32) {
    %c0_i32 = arith.constant 0 : i32
    %c0_i32_0 = arith.constant 0 : i32
    %c0_i32_1 = arith.constant 0 : i32
    return %c0_i32, %c0_i32_0 : i32, i32
  }
}

</mosaic_0001>

<sc_bundles>
// kernel: kernel.10.cloned.1.call-start
scs
__scs_entry_jumppad:
0x0: {  	(pc) =	sbr.rel $0x88, $3  }
0x1: {  	(tag) =	ssettag $0x0;
	lr =	simm.s32 $0x1  }
0x2: {  	[smem:$0x3F92] =	sst lr;
	_ =	strace $0xD0000000  }
0x3: {  	_ = 	snop  }
0x4: {  	_ = 	snop  }
0x5: {  	_ = 	snop  }
0x6: {  	_ = 	snop  }
0x7: {  	_ = 	snop  }
__scs_overlays_trampoline_lowered:
0x8: {  	[smem:$0x3FA1] =	sst s0  }
0x9: {  	[smem:$0x3FA2] =	sst s1  }
0xa: {  	[smem:$0x3FA3] =	sst s2  }
0xb: {  	[smem:$0x3FA4] =	sst s3  }
0xc: {  	[smem:$0x3FA5] =	sst s4  }
0xd: {  	[smem:$0x3FA6] =	sst s5  }
0xe: {  	[smem:$0x3FA7] =	sst s6  }
0xf: {  	[smem:$0x3FA8] =	sst s7  }
0x10: {  	[smem:$0x3FA9] =	sst s8  }
0x11: {  	[smem:$0x3FAA] =	sst s9;
	s0 =	simm.s32 @!p0 $0x0  }
0x12: {  	s1 =	sld [smem:$0x3F90];
	s0 =	simm.s32 @p0 $0x1  }
0x13: {  	[smem:$0x3FAB] =	sst s0;
	s0 =	simm.s32 @!p1 $0x0  }
0x14: {  	s2 =	sld [smem:$0x3F8F];
	s0 =	simm.s32 @p1 $0x1  }
0x15: {  	[smem:$0x3FAC] =	sst s0;
	s0 =	simm.s32 @!p2 $0x0  }
0x16: {  	s3 =	sld [smem:$0x3FDB];
	s0 =	simm.s32 @p2 $0x1  }
0x17: {  	s4 =	simm.s32 $0x1BF5;
	[smem:$0x3FAE] =	sst s0  }
0x18: {  	s0 =	sld [smem:$0x3F91];
	_ =	swait.ge [sflag:s4], $0x0  }
0x19: {  	s7 =	sld [smem:$0x3F92]  }
0x1a: {  	s8 =	sadd.s32 $0xFFFFE003, lr  }
0x1b: {  	s9 =	sadd.s32 $0xFFFFFEF7, lr;
	s5 =	simm.s32 $0xFFFFFFFF;
	p2 =	slt.u32 s8, $0xFFFFF086  }
0x1c: {  	p1 =	slt.u32 s9, $0xF7A;
	s5 =	simm.s32 @!p2 $0x0  }
0x1d: {  	s5 =	simm.s32 @p1 $0x1;
	p0 =	seq.s32 s7, s2  }
0x1e: {  	s7 =	smul.u32 @!p0 $0xF7A, s2;
	p2 =	seq.s32 @!p0 s5, $0x0  }
0x1f: {  	s9 =	smul.u32 $0xF7A, s1;
	s8 =	simm.s32 @!p0 $0x1BF5;
	p2 =	por !p2, p0  }
0x20: {  	[sflag:s8] =	ssyncset.s32 @!p0 $0xFFFFF086;
	s6 =	sadd.s32 @!p0 s3, s7;
	s7 =	simm.s32 @!p0 $0x108  }
0x21: {  	s3 =	sadd.s32 s3, s9;
	s6 =	sadd.s32 @!p0 $0x88, s6;
	s7 =	simm.s32 @p2 $0x1082  }
0x22: {  	[simem:s7], [sflag:s8] =	dma.local @!p0 [hbm:s6], $0xF7A  }
0x23: {  	s9 =	sor.u32 $0xD0000000, s2;
	s6 =	simm.s32 $0x108;
	_ =	swait.ge @!p0 [sflag:s8], $0x0  }
0x24: {  	s3 =	sadd.s32 $0x88, s3;
	s6 =	simm.s32 @!p1 $0x1082;
	[sflag:s4] =	ssyncset.s32 $0xFFFFF086  }
0x25: {  	[simem:s6], [sflag:s4] =	dma.local [hbm:s3], $0xF7A  }
0x26: {  	[smem:$0x3F92] =	sst s1;
	(tag) =	ssettag s2;
	_ =	strace s9  }
0x27: {  	s1 =	sld [smem:$0x3FA2]  }
0x28: {  	s2 =	sld [smem:$0x3FA3]  }
0x29: {  	s4 =	sld [smem:$0x3FA5]  }
0x2a: {  	p0 =	seq.s32 s5, $0x0;
	s5 =	sld [smem:$0x3FA6]  }
0x2b: {  	s6 =	sld [smem:$0x3FA7]  }
0x2c: {  	s7 =	sld [smem:$0x3FA8]  }
0x2d: {  	s3 =	simm.s32 $0x108;
	s8 =	sld [smem:$0x3FA9]  }
0x2e: {  	s3 =	simm.s32 @!p0 $0x1082;
	s9 =	sld [smem:$0x3FAA]  }
0x2f: {  	lr =	sadd.s32 s0, s3;
	s0 =	sld [smem:$0x3FA1]  }
0x30: {  	s3 =	sld [smem:$0x3FA4]  }
0x31: {  	[smem:$0x3FAD] =	sst s10  }
0x32: {  	s10 =	sld [smem:$0x3FAB];
	_ =	sdelay $0x3  }
0x33: {  	p0 =	seq.s32 s10, $0x1;
	s10 =	sld [smem:$0x3FAD];
	_ =	sdelay $0x3  }
0x34: {  	[smem:$0x3FAD] =	sst s10  }
0x35: {  	s10 =	sld [smem:$0x3FAC];
	_ =	sdelay $0x3  }
0x36: {  	p1 =	seq.s32 s10, $0x1;
	s10 =	sld [smem:$0x3FAD];
	_ =	sdelay $0x3  }
0x37: {  	[smem:$0x3FAD] =	sst s10  }
0x38: {  	s10 =	sld [smem:$0x3FAE]  }
0x39: {  	_ = 	snop;
	(pc) =	sbr.ind lr, $3  }
0x3a: {  	_ = 	snop  }
0x3b: {  	_ = 	snop  }
0x3c: {  	p2 =	seq.s32 s10, $0x1;
	s10 =	sld [smem:$0x3FAD]  }
0x3d: {  	_ =	shalt  }
0x3e: {  	_ =	shalt  }
0x3f: {  	_ =	shalt  }
0x40: {  	_ =	shalt  }
0x41: {  	_ =	shalt  }
0x42: {  	_ =	shalt  }
0x43: {  	_ =	shalt  }
0x44: {  	_ =	shalt  }
0x45: {  	_ =	shalt  }
0x46: {  	_ =	shalt  }
0x47: {  	_ =	shalt  }
0x48: {  	_ =	shalt  }
0x49: {  	_ =	shalt  }
0x4a: {  	_ =	shalt  }
0x4b: {  	_ =	shalt  }
0x4c: {  	_ =	shalt  }
0x4d: {  	_ =	shalt  }
0x4e: {  	_ =	shalt  }
0x4f: {  	_ =	shalt  }
0x50: {  	_ =	shalt  }
0x51: {  	_ =	shalt  }
0x52: {  	_ =	shalt  }
0x53: {  	_ =	shalt  }
0x54: {  	_ =	shalt  }
0x55: {  	_ =	shalt  }
0x56: {  	_ =	shalt  }
0x57: {  	_ =	shalt  }
0x58: {  	_ =	shalt  }
0x59: {  	_ =	shalt  }
0x5a: {  	_ =	shalt  }
0x5b: {  	_ =	shalt  }
0x5c: {  	_ =	shalt  }
0x5d: {  	_ =	shalt  }
0x5e: {  	_ =	shalt  }
0x5f: {  	_ =	shalt  }
0x60: {  	_ =	shalt  }
0x61: {  	_ =	shalt  }
0x62: {  	_ =	shalt  }
0x63: {  	_ =	shalt  }
0x64: {  	_ =	shalt  }
0x65: {  	_ =	shalt  }
0x66: {  	_ =	shalt  }
0x67: {  	_ =	shalt  }
0x68: {  	_ =	shalt  }
0x69: {  	_ =	shalt  }
0x6a: {  	_ =	shalt  }
0x6b: {  	_ =	shalt  }
0x6c: {  	_ =	shalt  }
0x6d: {  	_ =	shalt  }
0x6e: {  	_ =	shalt  }
0x6f: {  	_ =	shalt  }
0x70: {  	_ =	shalt  }
0x71: {  	_ =	shalt  }
0x72: {  	_ =	shalt  }
0x73: {  	_ =	shalt  }
0x74: {  	_ =	shalt  }
0x75: {  	_ =	shalt  }
0x76: {  	_ =	shalt  }
0x77: {  	_ =	shalt  }
0x78: {  	_ =	shalt  }
0x79: {  	_ =	shalt  }
0x7a: {  	_ =	shalt  }
0x7b: {  	_ =	shalt  }
0x7c: {  	_ =	shalt  }
0x7d: {  	_ =	shalt  }
0x7e: {  	_ =	shalt  }
0x7f: {  	_ =	shalt  }
0x80: {  	_ =	shalt  }
0x81: {  	_ =	shalt  }
0x82: {  	_ =	shalt  }
0x83: {  	_ =	shalt  }
0x84: {  	_ =	shalt  }
0x85: {  	_ =	shalt  }
0x86: {  	_ =	shalt  }
0x87: {  	_ =	shalt  }
.Lfunc_end0:
.L_simem_size_0:
called_computation.1_lowered:
.L_overlay_start_0:
0x88: {  	s2 =	sld [smem:$0x3FD9]  }
0x89: {  	s3 =	sld [smem:$0x3FFE];
	_ =	sdelay $0x1  }
0x8a: {  	s1 =	srdreg.scid  }
0x8b: {  	s0 =	sand.u32 $0x1, s1  }
0x8c: {  	s17 =	sshll.u32 s0, $0xA;
	s2 =	sadd.s32 s3, s2  }
0x8d: {  	s2 =	sadd.s32 s2, s17  }
0x8e: {  	[smem:$0x3FB9] =	sst s2  }
0x8f: {  	_ = 	snop  }
0x90: {  	s18 =	sld [smem:$0x3FD0];
	(tm) =	ssettm $0x1  }
0x91: {  	s19 =	sld [smem:$0x3FFB];
	_ =	sdelay $0x3  }
0x92: {  	_ =	strace s19  }
0x93: {  	s2 =	sld [smem:$0x3FFC];
	_ =	sdelay $0x3  }
0x94: {  	_ =	strace s2  }
0x95: {  	s2 =	sld [smem:$0x3FFD];
	_ =	sdelay $0x3  }
0x96: {  	_ =	strace s2  }
0x97: {  	_ =	strace $0x8FFFFFFF  }
0x98: {  	s20 =	sld [smem:$0x3FDB];
	_ =	sdelay $0x1  }
0x99: {  	s4 =	simm.s32 $_scs_section_size  }
0x9a: {  	s5 =	simm.s32 $_size__tile_overlayer_lowered;
	s6 =	simm.s32 $_tile_overlayer_lowered  }
0x9b: {  	s7 =	simm.s32 $0x1BFF;
	s21 =	sshll.u32 s6, $0x1;
	s4 =	sadd.s32 s4, s20  }
0x9c: {  	s22 =	simm.s32 $0x0;
	s5 =	sshll.u32 s5, $0x1;
	s6 =	sadd.s32 s21, s4  }
0x9d: {  	[timem:s22], [sflag:s7] =	dma.local [hbm:s6], s5  }
0x9e: {  	_ =	swait.ge [sflag:s7], s5  }
0x9f: {  	s5 =	ssub.s32 $0x0, s5;
	[sflag:s7] =	ssyncset.done $0x0  }
0xa0: {  	[sflag:s7] =	ssyncadd.s32 s5;
	_ =	sdelay $0x1  }
0xa1: {  	s23 =	simm.s32 $0x1B8B  }
0xa2: {  	_ =	swait.ge [sflag:s23], $0x1  }
0xa3: {  	[sflag:s23] =	ssyncset.done $0x0  }
0xa4: {  	[sflag:s23] =	ssyncadd.s32 $0xFFFFFFFF  }
0xa5: {  	s5 =	sld [smem:$0x0]  }
0xa6: {  	s6 =	sand.u32 $0xFFFFFFFE, s1  }
0xa7: {  	p0 =	sne.s32 s1, s6  }
0xa8: {  	s6 =	sshll.u32 @p0 s6, $0xE  }
0xa9: {  	s6 =	sadd.s32 @p0 $0x11B8D, s6;
	s7 =	sshll.u32 @p0 s5, $0x11  }
0xaa: {  	s6 =	sor.u32 @p0 s7, s6  }
0xab: {  	[sflag:s6] =	ssyncadd.remote.s32 @p0 $0x1;
	_ =	sdelay $0x1  }
0xac: {  	s6 =	simm.s32 @p0 $0x1B8D  }
0xad: {  	_ =	swait.eq @p0 [sflag:s6], $0x1  }
0xae: {  	[sflag:s6] =	ssyncadd.s32 @p0 $0xFFFFFFFF  }
0xaf: {  	s7 =	sshll.u32 @!p0 s1, $0xE  }
0xb0: {  	s7 =	sor.u32 @!p0 $0x4000, s7;
	s6 =	simm.s32 @!p0 $0x1B8D  }
0xb1: {  	s5 =	sshll.u32 @!p0 s5, $0x11;
	s7 =	sadd.s32 @!p0 $0x11B8D, s7;
	_ =	swait.eq @!p0 [sflag:s6], $0x1  }
0xb2: {  	s5 =	sor.u32 @!p0 s5, s7;
	[sflag:s6] =	ssyncadd.s32 @!p0 $0xFFFFFFFF  }
0xb3: {  	s25 =	simm.s32 $0x1B8E;
	s24 =	sld [smem:$0x3FFE];
	[sflag:s5] =	ssyncadd.remote.s32 @!p0 $0x1  }
0xb4: {  	s26 =	simm.s32 $execute0_lowered;
	[smem:$0x3FD2] =	sst s25  }
0xb5: {  	s6 =	sshll.u32 s26, $0x1;
	_ =	strace $0x8000004C;
	[dreg:$0x1] =	wrdreg $0xFFFFFFFF  }
0xb6: {  	s28 =	simm.s32 $_size_execute0_lowered;
	s4 =	sadd.s32 s4, s6;
	[dreg:$0x0] =	wrdreg $0x0  }
0xb7: {  	s6 =	sshll.u32 s28, $0x1;
	[dreg:$0x2] =	wrdreg s4  }
0xb8: {  	[dreg:$0x3] =	wrdreg s6  }
0xb9: {  	[dreg:$0x4] =	wrdreg $0xC0  }
0xba: {  	_ =	task [dreg:s22], $0x5FFFF  }
0xbb: {  	[dreg:$0x1] =	wrdreg $0xFFFFFFFF  }
0xbc: {  	[dreg:$0x0] =	wrdreg $0x60  }
0xbd: {  	[dreg:$0x2] =	wrdreg s24  }
0xbe: {  	[dreg:$0x3] =	wrdreg s18  }
0xbf: {  	[dreg:$0x4] =	wrdreg $0xDD800  }
0xc0: {  	[dreg:$0x5] =	wrdreg $0x9  }
0xc1: {  	_ =	task.clear_ibuf [dreg:s22], $0x6FFFF;
	_ =	strace $0x9000004C  }
0xc2: {  	s29 =	simm.s32 $0x9;
	_ =	strace $0x8000004E  }
0xc3: {  	_ =	swait.ge [sflag:s29], $0x1  }
0xc4: {  	[sflag:s29] =	ssyncadd.s32 $0xFFFFFFFF  }
0xc5: {  	_ =	strace $0x9000004E  }
0xc6: {  	_ =	sfence  }
0xc7: {  	s30 =	sld [smem:$0x0];
	_ =	sdelay $0x2  }
0xc8: {  	s31 =	sshll.u32 s1, $0xD;
	s1 =	sshrl.u32 s1, $0x2  }
0xc9: {  	s4 =	sand.u32 $0x4000, s31;
	s1 =	sadd.s32 s1, s30  }
0xca: {  	s0 =	sor.u32 s4, s0;
	s1 =	sshll.u32 s1, $0x11  }
0xcb: {  	s0 =	sor.u32 s1, s0  }
0xcc: {  	s0 =	sadd.s32 $0x8F2B, s0  }
0xcd: {  	[sflag:s0] =	ssyncadd.remote.s32 $0x1  }
0xce: {  	_ =	sfence.sel $0xFFFF  }
0xcf: {  	[dreg:$0x0] =	wrdreg $0xFFFFFFFF;
	(pc) =	sbr.abs _section_cstart, $3  }
0xd0: {  	[dreg:$0x1] =	wrdreg $0xFFFFFFFF  }
0xd1: {  	_ =	task.clear_ibuf [dreg:s22], $0x2FFFF;
	_ =	strace $0x9FFFFFFF  }
0xd2: {  	(tm) =	ssettm $0x7FFFFFFF  }
0xd3: {  	_ =	shalt  }
tec
execute0_lowered:
.L_overlay_start_1:
0x0: {  	(tag) =	ssettag $0x1  }
0x1: {  	s1 =	srdreg.scid;
	s6 =	rddreg [dreg:$0x0]  }
0x2: {  	s0 =	stileid.u32;
	s9 =	rddreg [dreg:$0x1]  }
0x3: {  	s2 =	rddreg [dreg:$0x2];
	s15 =	simm.s32 $0x400;
	s16 =	simm.s32 $0x4E80  }
0x4: {  	s17 =	simm.s32 $0x9D00;
	s18 =	simm.s32 $0x3;
	s19 =	simm.s32 $0x2  }
0x5: {  	s20 =	simm.s32 $0x40;
	s21 =	simm.s32 $0xBD80;
	s10 =	smul.u32 $0xB000, s0  }
0x6: {  	s22 =	simm.s32 $0x0;
	s5 =	sand.u32 $0x1, s1;
	s14 =	smul.u32 $0x2C000, s0  }
0x7: {  	s7 =	sshrl.u32 s0, $0x3;
	s8 =	sshll.u32 s0, $0x7;
	s3 =	smul.u32 $0x4E800, s5  }
0x8: {  	s1 =	rddreg [dreg:$0x3];
	s30 =	sshll.u32 s0, $0x6;
	s4 =	smul.u32 $0x27400, s7  }
0x9: {  	s8 =	sand.u32 $0x380, s8;
	s11 =	smul.u32 $0xB0000, s5;
	s26 =	ssub.s32 $0x2, s5  }
0xa: {  	s5 =	sshll.u32 s5, $0xB;
	s7 =	sshll.u32 s7, $0xA;
	s13 =	sshrl.u32 s10, $0x3  }
0xb: {  	s28 =	sshrl.u32 s26, $0x1;
	s14 =	sshrl.u32 s14, $0x2;
	s29 =	sor.u32 s5, s7  }
0xc: {  	s4 =	sadd.s32 s3, s4;
	s3 =	simm.s32 $0x0;
	s10 =	sadd.s32 s10, s11  }
0xd: {  	s13 =	sadd.s32 s13, s6;
	s11 =	ssub.s32 s26, s28;
	s14 =	sadd.s32 s14, s2  }
0xe: {  	s4 =	sor.u32 s8, s4;
	[smem:$0x7FF] =	sst s3;
	s10 =	sshrl.u32 s10, $0x3  }
0xf: {  	s5 =	sadd.s32 $0x21600, s13;
	s8 =	sor.u32 s8, s29;
	s11 =	smax.u32 s11, $0x1  }
.Ltmp0:
0x10: {  	s13 =	simm.s32 $0x5;
	s4 =	sshrl.u32 s4, $0x3;
	(pc) =	sbr.rel .LBB2_1-.Ltmp0, $4  }
0x11: {  	_ =	strace $0x8000004D;
	s10 =	sadd.s32 s10, s6;
	s31 =	sshrl.u32 s8, $0x3  }
0x12: {  	s12 =	sadd.s32 s4, s6;
	s4 =	sadd.s32 $0x8AA00, s6;
	s6 =	sor.u32 $0x1C05, s30  }
0x13: {  	s9 =	sadd.s32 s9, s31;
	s10 =	sadd.s32 $0xD8C00, s10;
	s7 =	sadd.s32 $0x63600, s12  }
0x14: {  	s8 =	sadd.s32 $0x77000, s12;
	s12 =	sshrl.u32 s14, $0x3;
	s14 =	simm.s32 $0x80  }
.LBB2_5:
0x15: {  	s23 =	sand.u32 $0x1, s23  }
0x16: {  	p1 =	seq.s32 s23, $0x1  }
0x17: {  	p1 =	por !p1, p0  }
0x18: {  	s24 =	simm.s32 @!p1 $0x3  }
0x19: {  	p2 =	sne.s32 @!p0 s23, $0x0;
	_ =	swait.ge @!p1 [sflag:s24], $0x2000  }
0x1a: {  	p0 =	por p2, p0;
	[sflag:s24] =	ssyncset.done @!p1 $0x0  }
0x1b: {  	s23 =	simm.s32 @!p0 $0x4;
	[sflag:s24] =	ssyncadd.s32 @!p1 $0xFFFFE000  }
0x1c: {  	_ =	swait.ge @!p0 [sflag:s23], $0x2000  }
0x1d: {  	s22 =	sadd.s32 $0x1, s22;
	[sflag:s23] =	ssyncset.done @!p0 $0x0  }
0x1e: {  	[sflag:s23] =	ssyncadd.s32 @!p0 $0xFFFFE000;
	p0 =	sne.s32 s22, s11  }
.Ltmp1:
0x1f: {  	[bflag:$0x0] =	sbarrier.arrive $0xFFFF;
	(pc) =	sbr.rel @!p0 .LBB2_6-.Ltmp1, $4  }
0x20: {  	[hbm:s10], [sflag:s6] =	dma.local [spmem:s12], $0x1600  }
0x21: {  	_ =	swait.ge [sflag:s13], $0x1600  }
0x22: {  	[sflag:s13] =	ssyncset.done $0x0  }
0x23: {  	[sflag:s13] =	ssyncadd.s32 $0xFFFFEA00  }
.LBB2_1:
0x24: {  	[spmem:s12], [sflag:s6] =	dma.local [hbm:s5], $0x1600  }
0x25: {  	_ =	swait.ge [sflag:s13], $0x1600  }
0x26: {  	[sflag:s13] =	ssyncset.done $0x0  }
0x27: {  	[sflag:s13] =	ssyncadd.s32 $0xFFFFEA00  }
0x28: {  	[tilespmem:s3], [sflag:$0x5] =	stream.strided.gather [hbm4b:s7+s14], $0x4E80, s15, s14, $0x38;
	[tilespmem:$0x18D80] =	vst v63  }
0x29: {  	_ =	swait.ge [sflag:s13], $0x4E80  }
0x2a: {  	[sflag:s13] =	ssyncset.done $0x0  }
0x2b: {  	[sflag:s13] =	ssyncadd.s32 $0xFFFFB180  }
0x2c: {  	[tilespmem:s16], [sflag:$0x5] =	stream.strided.gather [hbm4b:s8+s14], $0x4E80, s15, s14, $0x38;
	[tilespmem:$0x18D80] =	vst v63  }
0x2d: {  	_ =	swait.ge [sflag:s13], $0x4E80  }
0x2e: {  	[sflag:s13] =	ssyncset.done $0x0  }
0x2f: {  	[sflag:s13] =	ssyncadd.s32 $0xFFFFB180  }
0x30: {  	[tilespmem:s17], [sflag:$0x5] =	stream.linear.gather [hbm4b:s9+s3], $0x80, $0x38;
	[tilespmem:$0x18D80] =	vst v63  }
0x31: {  	_ =	swait.ge [sflag:s13], $0x80  }
0x32: {  	[sflag:s13] =	ssyncset.done $0x0  }
0x33: {  	[sflag:s13] =	ssyncadd.s32 $0xFFFFFF80  }
0x34: {  	v0 =	vld [tilespmem:$0x9D00];
	_ =	sdelay $0x4  }
0x35: {  	v0 =	vxor.u32 $0x80000000, v0  }
0x36: {  	(xrf0) =	vmax.scan.msk.u32 $0xffff, v0;
	_ =	sdelay $0x5  }
0x37: {  	v0, _, _ =	vpop (xrf0)  }
0x38: {  	(v2sf) =	vpush v0, $0xF;
	_ =	sdelay $0xe  }
0x39: {  	s23 =	spop (v2sf)  }
0x3a: {  	s23 =	sadd.s32 $0x8000003F, s23  }
0x3b: {  	s24 =	sand.u32 $0x3F, s23  }
0x3c: {  	s25 =	sshra.s32 s23, $0x1F;
	p0 =	slt.s32 s23, $0x1;
	p1 =	sne.s32 s24, $0x0  }
0x3d: {  	s31 =	sshrl.u32 s25, $0x1A;
	p0 =	por !p0, !p1  }
0x3e: {  	s24 =	simm.s32 $0x1;
	s23 =	sadd.s32 s31, s23;
	p0 =	por !p0, !p0  }
0x3f: {  	s23 =	sshra.s32 s23, $0x6;
	s24 =	simm.s32 @!p0 $0x0  }
0x40: {  	s23 =	ssub.s32 s23, s24  }
0x41: {  	p0 =	slt.s32 s23, $0x1  }
0x42: {  	[bflag:$0x0] =	sbarrier.arrive $0xFFFF;
	s24 =	simm.s32 @!p0 $0x40  }
0x43: {  	s25 =	simm.s32 @!p0 $0x0;
	s26 =	simm.s32 @!p0 $0x9D80;
	p1 =	seq.s32 @!p0 s23, $0x1  }
0x44: {  	[tilespmem:s26], [sflag:$0x1] =	stream.indirect.gather @!p0 [hbm4b:s4+s24], $0x80, s25, s24, $0xb8;
	[tilespmem:$0x18D80] =	vst v63  }
0x45: {  	p1 =	por p1, p0  }
0x46: {  	s25 =	simm.s32 @!p1 $0x40;
	s28 =	simm.s32 @!p1 $0xBD80  }
0x47: {  	[tilespmem:s28], [sflag:$0x2] =	stream.indirect.gather @!p1 [hbm4b:s4+s25], $0x80, s25, s25, $0xb8;
	[tilespmem:$0x18D80] =	vst v63  }
0x48: {  	s25 =	simm.s32 @!p0 $0x1  }
.Ltmp2:
0x49: {  	_ =	swait.ge @!p0 [sflag:s25], $0x2000;
	(pc) =	sbr.rel .LBB2_2-.Ltmp2, $4  }
0x4a: {  	[sflag:s25] =	ssyncset.done @!p0 $0x0  }
0x4b: {  	s28 =	simm.s32 $0x1;
	[sflag:s25] =	ssyncadd.s32 @!p0 $0xFFFFE000;
	s25 =	simm.s32 @!p0 $0x4E80  }
0x4c: {  	[spmem:s2] =	stream.indirect.scatter.add.f32 @!p0 [tilespmem:s26], [sflag:$0x3], $0x80, s25, s24, $0xb8;
	[tilespmem:$0x18D80] =	vst v63  }
0x4d: {  	s24 =	simm.s32 $0x4EC0;
	s25 =	simm.s32 $0x2;
	s26 =	simm.s32 $0x80  }
.LBB2_4:
0x4e: {  	s25 =	sadd.s32 $0x1, s25  }
0x4f: {  	p1 =	sne.s32 s25, $0x13A  }
.Ltmp3:
0x50: {  	_ = 	snop;
	(pc) =	sbr.rel @!p1 .LBB2_5-.Ltmp3, $2  }
0x51: {  	_ =	sdelay $0x2  }
0x52: {  	s26 =	sadd.s32 $0x40, s26;
	s24 =	sadd.s32 $0x40, s24  }
.LBB2_2:
0x53: {  	s29 =	sadd.s32 $0xFFFFFFFF, s25  }
0x54: {  	p1 =	sge.s32 s29, s23;
	s29 =	sand.u32 $0x1, s29  }
0x55: {  	p3 =	sne.s32 @!p1 s29, $0x0  }
0x56: {  	p2 =	por p3, p1  }
0x57: {  	s30 =	simm.s32 @!p2 $0x4;
	p4 =	sge.u32 @!p2 s25, s23  }
0x58: {  	p6 =	seq.s32 s29, $0x1;
	_ =	swait.ge @!p2 [sflag:s30], $0x2000;
	p3 =	por @!p1 p4, p3  }
0x59: {  	[sflag:s30] =	ssyncset.done @!p2 $0x0;
	p3 =	por p3, p1;
	p1 =	por p1, !p6  }
0x5a: {  	[sflag:s30] =	ssyncadd.s32 @!p2 $0xFFFFE000;
	s30 =	simm.s32 @!p3 $0x40;
	s31 =	simm.s32 @!p3 $0xBD80  }
0x5b: {  	[tilespmem:s31], [sflag:$0x2] =	stream.indirect.gather @!p3 [hbm4b:s4+s30], $0x80, s26, s30, $0xb8;
	[tilespmem:$0x18D80] =	vst v63  }
.Ltmp4:
0x5c: {  	s30 =	simm.s32 @!p2 $0x1;
	(pc) =	sbr.rel @p1 .LBB2_4-.Ltmp4, $4  }
0x5d: {  	_ =	swait.ge @!p2 [sflag:s30], $0x2000  }
0x5e: {  	s28 =	sadd.s32 $0x1, s28;
	[sflag:s30] =	ssyncset.done @!p2 $0x0  }
0x5f: {  	s31 =	simm.s32 @!p2 $0x9D80;
	[sflag:s30] =	ssyncadd.s32 @!p2 $0xFFFFE000;
	s30 =	simm.s32 @!p2 $0x40  }
0x60: {  	[spmem:s2] =	stream.indirect.scatter.add.f32 @!p2 [tilespmem:s31], [sflag:$0x3], $0x80, s24, s30, $0xb8;
	[tilespmem:$0x18D80] =	vst v63  }
0x61: {  	_ =	swait.ge [sflag:s18], $0x2000  }
0x62: {  	p1 =	sge.s32 s25, s23;
	[sflag:s18] =	ssyncset.done $0x0  }
0x63: {  	s29 =	simm.s32 @!p1 $0x40;
	s30 =	simm.s32 @!p1 $0x9D80;
	[sflag:s18] =	ssyncadd.s32 $0xFFFFE000  }
0x64: {  	[tilespmem:s30], [sflag:$0x1] =	stream.indirect.gather @!p1 [hbm4b:s4+s29], $0x80, s26, s29, $0xb8;
	[tilespmem:$0x18D80] =	vst v63  }
.Ltmp5:
0x65: {  	_ = 	snop;
	(pc) =	sbr.rel .LBB2_4-.Ltmp5, $4  }
0x66: {  	_ =	swait.ge [sflag:s19], $0x2000  }
0x67: {  	[sflag:s19] =	ssyncset.done $0x0  }
0x68: {  	[sflag:s19] =	ssyncadd.s32 $0xFFFFE000  }
0x69: {  	[spmem:s2] =	stream.indirect.scatter.add.f32 [tilespmem:s21], [sflag:$0x4], $0x80, s24, s20, $0xb8;
	[tilespmem:$0x18D80] =	vst v63  }
.LBB2_6:
0x6a: {  	_ =	sfence.sel $0x180000  }
0x6b: {  	[bflag:$0x0] =	sbarrier.arrive $0xFFFF  }
0x6c: {  	p0 =	sne.s32 s0, $0x0;
	_ =	strace $0x9000004D  }
0x6d: {  	s0 =	sadd.s32 @!p0 $0x100000, s1;
	[bflag:$0x2] =	sbarrier.arrive $0xFFFF  }
0x6e: {  	[sflag:s0] =	ssyncadd.tile.s32 @!p0 $0x1;
	_ =	shalt  }
.Lfunc_end2:
_tile_overlayer_lowered:
.L_overlay_start_2:
0x6f: {  	(tag) =	ssettag $0x2  }
0x70: {  	s0 =	rddreg [dreg:$0x0];
	s2 =	stileid.u32  }
0x71: {  	s1 =	rddreg [dreg:$0x1];
	p0 =	sne.s32 s2, $0x0  }
0x72: {  	s3 =	rddreg [dreg:$0x2];
	[bflag:$0x3] =	sbarrier.arrive $0xFFFF;
	s2 =	simm.s32 @!p0 $0x1C05  }
0x73: {  	[timem:s3], [sflag:s2] =	dma.local @!p0 [hbm:s0], s1  }
0x74: {  	s0 =	simm.s32 @!p0 $0x5  }
0x75: {  	_ =	swait.ge @!p0 [sflag:s0], s1  }
0x76: {  	s1 =	ssub.s32 @!p0 $0x0, s1;
	[sflag:s0] =	ssyncset.done @!p0 $0x0  }
0x77: {  	[sflag:s0] =	ssyncadd.s32 @!p0 s1  }
0x78: {  	[bflag:$0x3] =	sbarrier.arrive $0xFFFF  }
0x79: {  	_ =	shalt  }

// kernel: kernel.13.cloned.1.call-start
scs
__scs_entry_jumppad:
0x0: {  	(pc) =	sbr.rel $0x88, $3  }
0x1: {  	(tag) =	ssettag $0x0;
	lr =	simm.s32 $0x1  }
0x2: {  	[smem:$0x3F92] =	sst lr;
	_ =	strace $0xD0000000  }
0x3: {  	_ = 	snop  }
0x4: {  	_ = 	snop  }
0x5: {  	_ = 	snop  }
0x6: {  	_ = 	snop  }
0x7: {  	_ = 	snop  }
__scs_overlays_trampoline_lowered:
0x8: {  	[smem:$0x3FA1] =	sst s0  }
0x9: {  	[smem:$0x3FA2] =	sst s1  }
0xa: {  	[smem:$0x3FA3] =	sst s2  }
0xb: {  	[smem:$0x3FA4] =	sst s3  }
0xc: {  	[smem:$0x3FA5] =	sst s4  }
0xd: {  	[smem:$0x3FA6] =	sst s5  }
0xe: {  	[smem:$0x3FA7] =	sst s6  }
0xf: {  	[smem:$0x3FA8] =	sst s7  }
0x10: {  	[smem:$0x3FA9] =	sst s8  }
0x11: {  	[smem:$0x3FAA] =	sst s9;
	s0 =	simm.s32 @!p0 $0x0  }
0x12: {  	s1 =	sld [smem:$0x3F90];
	s0 =	simm.s32 @p0 $0x1  }
0x13: {  	[smem:$0x3FAB] =	sst s0;
	s0 =	simm.s32 @!p1 $0x0  }
0x14: {  	s2 =	sld [smem:$0x3F8F];
	s0 =	simm.s32 @p1 $0x1  }
0x15: {  	[smem:$0x3FAC] =	sst s0;
	s0 =	simm.s32 @!p2 $0x0  }
0x16: {  	s3 =	sld [smem:$0x3FDB];
	s0 =	simm.s32 @p2 $0x1  }
0x17: {  	s4 =	simm.s32 $0x1BF5;
	[smem:$0x3FAE] =	sst s0  }
0x18: {  	s0 =	sld [smem:$0x3F91];
	_ =	swait.ge [sflag:s4], $0x0  }
0x19: {  	s7 =	sld [smem:$0x3F92]  }
0x1a: {  	s8 =	sadd.s32 $0xFFFFE003, lr  }
0x1b: {  	s9 =	sadd.s32 $0xFFFFFEF7, lr;
	s5 =	simm.s32 $0xFFFFFFFF;
	p2 =	slt.u32 s8, $0xFFFFF086  }
0x1c: {  	p1 =	slt.u32 s9, $0xF7A;
	s5 =	simm.s32 @!p2 $0x0  }
0x1d: {  	s5 =	simm.s32 @p1 $0x1;
	p0 =	seq.s32 s7, s2  }
0x1e: {  	s7 =	smul.u32 @!p0 $0xF7A, s2;
	p2 =	seq.s32 @!p0 s5, $0x0  }
0x1f: {  	s9 =	smul.u32 $0xF7A, s1;
	s8 =	simm.s32 @!p0 $0x1BF5;
	p2 =	por !p2, p0  }
0x20: {  	[sflag:s8] =	ssyncset.s32 @!p0 $0xFFFFF086;
	s6 =	sadd.s32 @!p0 s3, s7;
	s7 =	simm.s32 @!p0 $0x108  }
0x21: {  	s3 =	sadd.s32 s3, s9;
	s6 =	sadd.s32 @!p0 $0x88, s6;
	s7 =	simm.s32 @p2 $0x1082  }
0x22: {  	[simem:s7], [sflag:s8] =	dma.local @!p0 [hbm:s6], $0xF7A  }
0x23: {  	s9 =	sor.u32 $0xD0000000, s2;
	s6 =	simm.s32 $0x108;
	_ =	swait.ge @!p0 [sflag:s8], $0x0  }
0x24: {  	s3 =	sadd.s32 $0x88, s3;
	s6 =	simm.s32 @!p1 $0x1082;
	[sflag:s4] =	ssyncset.s32 $0xFFFFF086  }
0x25: {  	[simem:s6], [sflag:s4] =	dma.local [hbm:s3], $0xF7A  }
0x26: {  	[smem:$0x3F92] =	sst s1;
	(tag) =	ssettag s2;
	_ =	strace s9  }
0x27: {  	s1 =	sld [smem:$0x3FA2]  }
0x28: {  	s2 =	sld [smem:$0x3FA3]  }
0x29: {  	s4 =	sld [smem:$0x3FA5]  }
0x2a: {  	p0 =	seq.s32 s5, $0x0;
	s5 =	sld [smem:$0x3FA6]  }
0x2b: {  	s6 =	sld [smem:$0x3FA7]  }
0x2c: {  	s7 =	sld [smem:$0x3FA8]  }
0x2d: {  	s3 =	simm.s32 $0x108;
	s8 =	sld [smem:$0x3FA9]  }
0x2e: {  	s3 =	simm.s32 @!p0 $0x1082;
	s9 =	sld [smem:$0x3FAA]  }
0x2f: {  	lr =	sadd.s32 s0, s3;
	s0 =	sld [smem:$0x3FA1]  }
0x30: {  	s3 =	sld [smem:$0x3FA4]  }
0x31: {  	[smem:$0x3FAD] =	sst s10  }
0x32: {  	s10 =	sld [smem:$0x3FAB];
	_ =	sdelay $0x3  }
0x33: {  	p0 =	seq.s32 s10, $0x1;
	s10 =	sld [smem:$0x3FAD];
	_ =	sdelay $0x3  }
0x34: {  	[smem:$0x3FAD] =	sst s10  }
0x35: {  	s10 =	sld [smem:$0x3FAC];
	_ =	sdelay $0x3  }
0x36: {  	p1 =	seq.s32 s10, $0x1;
	s10 =	sld [smem:$0x3FAD];
	_ =	sdelay $0x3  }
0x37: {  	[smem:$0x3FAD] =	sst s10  }
0x38: {  	s10 =	sld [smem:$0x3FAE]  }
0x39: {  	_ = 	snop;
	(pc) =	sbr.ind lr, $3  }
0x3a: {  	_ = 	snop  }
0x3b: {  	_ = 	snop  }
0x3c: {  	p2 =	seq.s32 s10, $0x1;
	s10 =	sld [smem:$0x3FAD]  }
0x3d: {  	_ =	shalt  }
0x3e: {  	_ =	shalt  }
0x3f: {  	_ =	shalt  }
0x40: {  	_ =	shalt  }
0x41: {  	_ =	shalt  }
0x42: {  	_ =	shalt  }
0x43: {  	_ =	shalt  }
0x44: {  	_ =	shalt  }
0x45: {  	_ =	shalt  }
0x46: {  	_ =	shalt  }
0x47: {  	_ =	shalt  }
0x48: {  	_ =	shalt  }
0x49: {  	_ =	shalt  }
0x4a: {  	_ =	shalt  }
0x4b: {  	_ =	shalt  }
0x4c: {  	_ =	shalt  }
0x4d: {  	_ =	shalt  }
0x4e: {  	_ =	shalt  }
0x4f: {  	_ =	shalt  }
0x50: {  	_ =	shalt  }
0x51: {  	_ =	shalt  }
0x52: {  	_ =	shalt  }
0x53: {  	_ =	shalt  }
0x54: {  	_ =	shalt  }
0x55: {  	_ =	shalt  }
0x56: {  	_ =	shalt  }
0x57: {  	_ =	shalt  }
0x58: {  	_ =	shalt  }
0x59: {  	_ =	shalt  }
0x5a: {  	_ =	shalt  }
0x5b: {  	_ =	shalt  }
0x5c: {  	_ =	shalt  }
0x5d: {  	_ =	shalt  }
0x5e: {  	_ =	shalt  }
0x5f: {  	_ =	shalt  }
0x60: {  	_ =	shalt  }
0x61: {  	_ =	shalt  }
0x62: {  	_ =	shalt  }
0x63: {  	_ =	shalt  }
0x64: {  	_ =	shalt  }
0x65: {  	_ =	shalt  }
0x66: {  	_ =	shalt  }
0x67: {  	_ =	shalt  }
0x68: {  	_ =	shalt  }
0x69: {  	_ =	shalt  }
0x6a: {  	_ =	shalt  }
0x6b: {  	_ =	shalt  }
0x6c: {  	_ =	shalt  }
0x6d: {  	_ =	shalt  }
0x6e: {  	_ =	shalt  }
0x6f: {  	_ =	shalt  }
0x70: {  	_ =	shalt  }
0x71: {  	_ =	shalt  }
0x72: {  	_ =	shalt  }
0x73: {  	_ =	shalt  }
0x74: {  	_ =	shalt  }
0x75: {  	_ =	shalt  }
0x76: {  	_ =	shalt  }
0x77: {  	_ =	shalt  }
0x78: {  	_ =	shalt  }
0x79: {  	_ =	shalt  }
0x7a: {  	_ =	shalt  }
0x7b: {  	_ =	shalt  }
0x7c: {  	_ =	shalt  }
0x7d: {  	_ =	shalt  }
0x7e: {  	_ =	shalt  }
0x7f: {  	_ =	shalt  }
0x80: {  	_ =	shalt  }
0x81: {  	_ =	shalt  }
0x82: {  	_ =	shalt  }
0x83: {  	_ =	shalt  }
0x84: {  	_ =	shalt  }
0x85: {  	_ =	shalt  }
0x86: {  	_ =	shalt  }
0x87: {  	_ =	shalt  }
.Lfunc_end0:
.L_simem_size_0:
called_computation.2_lowered:
.L_overlay_start_0:
0x88: {  	s2 =	sld [smem:$0x3FD9]  }
0x89: {  	s3 =	sld [smem:$0x3FFE];
	_ =	sdelay $0x1  }
0x8a: {  	s1 =	srdreg.scid  }
0x8b: {  	s0 =	sand.u32 $0x1, s1  }
0x8c: {  	s17 =	sshll.u32 s0, $0xA;
	s2 =	sadd.s32 s3, s2  }
0x8d: {  	s2 =	sadd.s32 s2, s17  }
0x8e: {  	[smem:$0x3FB9] =	sst s2  }
0x8f: {  	_ = 	snop  }
0x90: {  	s2 =	sld [smem:$0x3FD0];
	(tm) =	ssettm $0x1  }
0x91: {  	s18 =	sld [smem:$0x3FFB];
	_ =	sdelay $0x3  }
0x92: {  	_ =	strace s18  }
0x93: {  	s3 =	sld [smem:$0x3FFC];
	_ =	sdelay $0x3  }
0x94: {  	_ =	strace s3  }
0x95: {  	s3 =	sld [smem:$0x3FFD];
	_ =	sdelay $0x3  }
0x96: {  	_ =	strace s3  }
0x97: {  	_ =	strace $0x8FFFFFFF  }
0x98: {  	s19 =	sld [smem:$0x3FDB];
	_ =	sdelay $0x1  }
0x99: {  	s4 =	simm.s32 $_scs_section_size  }
0x9a: {  	s5 =	simm.s32 $_size__tile_overlayer_lowered;
	s6 =	simm.s32 $_tile_overlayer_lowered  }
0x9b: {  	s22 =	simm.s32 $0x1BFF;
	s21 =	sshll.u32 s6, $0x1;
	s3 =	sadd.s32 s4, s19  }
0x9c: {  	s7 =	simm.s32 $0x0;
	s20 =	sshll.u32 s5, $0x1;
	s5 =	sadd.s32 s21, s3  }
0x9d: {  	[timem:s7], [sflag:s22] =	dma.local [hbm:s5], s20  }
0x9e: {  	_ =	swait.ge [sflag:s22], s20  }
0x9f: {  	s4 =	ssub.s32 $0x0, s20;
	[sflag:s22] =	ssyncset.done $0x0  }
0xa0: {  	[sflag:s22] =	ssyncadd.s32 s4;
	_ =	sdelay $0x1  }
0xa1: {  	s23 =	simm.s32 $0x1B8B  }
0xa2: {  	_ =	swait.ge [sflag:s23], $0x1  }
0xa3: {  	[sflag:s23] =	ssyncset.done $0x0  }
0xa4: {  	s25 =	simm.s32 $0x1B8E;
	s24 =	sld [smem:$0x3FFE];
	[sflag:s23] =	ssyncadd.s32 $0xFFFFFFFF  }
0xa5: {  	s26 =	simm.s32 $execute0_lowered;
	[smem:$0x3FD2] =	sst s25  }
0xa6: {  	s5 =	sshll.u32 s26, $0x1;
	_ =	strace $0x80000049;
	[dreg:$0x1] =	wrdreg $0xFFFFFFFF  }
0xa7: {  	s28 =	simm.s32 $_size_execute0_lowered;
	s3 =	sadd.s32 s3, s5;
	[dreg:$0x0] =	wrdreg $0x0  }
0xa8: {  	s5 =	sshll.u32 s28, $0x1;
	[dreg:$0x2] =	wrdreg s3  }
0xa9: {  	[dreg:$0x3] =	wrdreg s5  }
0xaa: {  	[dreg:$0x4] =	wrdreg $0xC0  }
0xab: {  	_ =	task [dreg:s7], $0x5FFFF  }
0xac: {  	[dreg:$0x1] =	wrdreg $0xFFFFFFFF  }
0xad: {  	[dreg:$0x0] =	wrdreg $0x60  }
0xae: {  	[dreg:$0x2] =	wrdreg s24  }
0xaf: {  	[dreg:$0x3] =	wrdreg s2  }
0xb0: {  	[dreg:$0x4] =	wrdreg $0xDD800  }
0xb1: {  	[dreg:$0x5] =	wrdreg $0xA  }
0xb2: {  	_ =	task.clear_ibuf [dreg:s7], $0x6FFFF;
	_ =	strace $0x90000049  }
0xb3: {  	s29 =	simm.s32 $0xA;
	_ =	strace $0x8000004B  }
0xb4: {  	_ =	swait.ge [sflag:s29], $0x1  }
0xb5: {  	[sflag:s29] =	ssyncadd.s32 $0xFFFFFFFF  }
0xb6: {  	_ =	strace $0x9000004B  }
0xb7: {  	_ =	sfence  }
0xb8: {  	s30 =	sld [smem:$0x0];
	_ =	sdelay $0x2  }
0xb9: {  	s31 =	sshll.u32 s1, $0xD;
	s1 =	sshrl.u32 s1, $0x2  }
0xba: {  	s3 =	sand.u32 $0x4000, s31;
	s1 =	sadd.s32 s1, s30  }
0xbb: {  	s0 =	sor.u32 s3, s0;
	s1 =	sshll.u32 s1, $0x11  }
0xbc: {  	s0 =	sor.u32 s1, s0  }
0xbd: {  	s0 =	sadd.s32 $0x8F2B, s0  }
0xbe: {  	[sflag:s0] =	ssyncadd.remote.s32 $0x1  }
0xbf: {  	_ =	sfence.sel $0xFFFF  }
0xc0: {  	[dreg:$0x0] =	wrdreg $0xFFFFFFFF;
	(pc) =	sbr.abs _section_cstart, $3  }
0xc1: {  	[dreg:$0x1] =	wrdreg $0xFFFFFFFF  }
0xc2: {  	_ =	task.clear_ibuf [dreg:s7], $0x2FFFF;
	_ =	strace $0x9FFFFFFF  }
0xc3: {  	(tm) =	ssettm $0x7FFFFFFF  }
tec
execute0_lowered:
.L_overlay_start_1:
0x0: {  	(tag) =	ssettag $0x1  }
0x1: {  	s1 =	srdreg.scid;
	s6 =	rddreg [dreg:$0x0]  }
0x2: {  	s0 =	stileid.u32;
	s9 =	rddreg [dreg:$0x1]  }
0x3: {  	s2 =	rddreg [dreg:$0x2];
	s15 =	simm.s32 $0x400;
	s16 =	simm.s32 $0x4E80  }
0x4: {  	s17 =	simm.s32 $0x9D00;
	s18 =	simm.s32 $0x3;
	s19 =	simm.s32 $0x2  }
0x5: {  	s20 =	simm.s32 $0x40;
	s21 =	simm.s32 $0xBD80;
	s10 =	smul.u32 $0xB000, s0  }
0x6: {  	s22 =	simm.s32 $0x0;
	s5 =	sand.u32 $0x1, s1;
	s14 =	smul.u32 $0x2C000, s0  }
0x7: {  	s7 =	sshrl.u32 s0, $0x3;
	s8 =	sshll.u32 s0, $0x7;
	s3 =	smul.u32 $0x4E800, s5  }
0x8: {  	s1 =	rddreg [dreg:$0x3];
	s30 =	sshll.u32 s0, $0x6;
	s4 =	smul.u32 $0x27400, s7  }
0x9: {  	s8 =	sand.u32 $0x380, s8;
	s11 =	smul.u32 $0xB0000, s5;
	s26 =	ssub.s32 $0x2, s5  }
0xa: {  	s5 =	sshll.u32 s5, $0xB;
	s7 =	sshll.u32 s7, $0xA;
	s13 =	sshrl.u32 s10, $0x3  }
0xb: {  	s28 =	sshrl.u32 s26, $0x1;
	s14 =	sshrl.u32 s14, $0x2;
	s29 =	sor.u32 s5, s7  }
0xc: {  	s4 =	sadd.s32 s3, s4;
	s3 =	simm.s32 $0x0;
	s10 =	sadd.s32 s10, s11  }
0xd: {  	s13 =	sadd.s32 s13, s6;
	s11 =	ssub.s32 s26, s28;
	s14 =	sadd.s32 s14, s2  }
0xe: {  	s4 =	sor.u32 s8, s4;
	[smem:$0x7FF] =	sst s3;
	s10 =	sshrl.u32 s10, $0x3  }
0xf: {  	s5 =	sadd.s32 $0x21600, s13;
	s8 =	sor.u32 s8, s29;
	s11 =	smax.u32 s11, $0x1  }
.Ltmp0:
0x10: {  	s13 =	simm.s32 $0x5;
	s4 =	sshrl.u32 s4, $0x3;
	(pc) =	sbr.rel .LBB2_1-.Ltmp0, $4  }
0x11: {  	_ =	strace $0x8000004A;
	s10 =	sadd.s32 s10, s6;
	s31 =	sshrl.u32 s8, $0x3  }
0x12: {  	s12 =	sadd.s32 s4, s6;
	s4 =	sadd.s32 $0x8AA00, s6;
	s6 =	sor.u32 $0x1C05, s30  }
0x13: {  	s9 =	sadd.s32 s9, s31;
	s10 =	sadd.s32 $0x37600, s10;
	s7 =	sadd.s32 $0x63600, s12  }
0x14: {  	s8 =	sadd.s32 $0x77000, s12;
	s12 =	sshrl.u32 s14, $0x3;
	s14 =	simm.s32 $0x80  }
.LBB2_7:
0x15: {  	s23 =	sand.u32 $0x1, s23  }
0x16: {  	p1 =	seq.s32 s23, $0x1  }
0x17: {  	p1 =	por !p1, p0  }
0x18: {  	s24 =	simm.s32 @!p1 $0x3  }
0x19: {  	p2 =	sne.s32 @!p0 s23, $0x0;
	_ =	swait.ge @!p1 [sflag:s24], $0x2000  }
0x1a: {  	p0 =	por p2, p0;
	[sflag:s24] =	ssyncset.done @!p1 $0x0  }
0x1b: {  	s23 =	simm.s32 @!p0 $0x4;
	[sflag:s24] =	ssyncadd.s32 @!p1 $0xFFFFE000  }
0x1c: {  	_ =	swait.ge @!p0 [sflag:s23], $0x2000  }
0x1d: {  	s22 =	sadd.s32 $0x1, s22;
	[sflag:s23] =	ssyncset.done @!p0 $0x0  }
0x1e: {  	[sflag:s23] =	ssyncadd.s32 @!p0 $0xFFFFE000;
	p0 =	sne.s32 s22, s11  }
.Ltmp1:
0x1f: {  	[bflag:$0x0] =	sbarrier.arrive $0xFFFF;
	(pc) =	sbr.rel @!p0 .LBB2_8-.Ltmp1, $4  }
0x20: {  	[hbm:s10], [sflag:s6] =	dma.local [spmem:s12], $0x1600  }
0x21: {  	_ =	swait.ge [sflag:s13], $0x1600  }
0x22: {  	[sflag:s13] =	ssyncset.done $0x0  }
0x23: {  	[sflag:s13] =	ssyncadd.s32 $0xFFFFEA00  }
.LBB2_1:
0x24: {  	[spmem:s12], [sflag:s6] =	dma.local [hbm:s5], $0x1600  }
0x25: {  	_ =	swait.ge [sflag:s13], $0x1600  }
0x26: {  	[sflag:s13] =	ssyncset.done $0x0  }
0x27: {  	[sflag:s13] =	ssyncadd.s32 $0xFFFFEA00  }
0x28: {  	[tilespmem:s3], [sflag:$0x5] =	stream.strided.gather [hbm4b:s7+s14], $0x4E80, s15, s14, $0x38;
	[tilespmem:$0x18D80] =	vst v63  }
0x29: {  	_ =	swait.ge [sflag:s13], $0x4E80  }
0x2a: {  	[sflag:s13] =	ssyncset.done $0x0  }
0x2b: {  	[sflag:s13] =	ssyncadd.s32 $0xFFFFB180  }
0x2c: {  	[tilespmem:s16], [sflag:$0x5] =	stream.strided.gather [hbm4b:s8+s14], $0x4E80, s15, s14, $0x38;
	[tilespmem:$0x18D80] =	vst v63  }
0x2d: {  	_ =	swait.ge [sflag:s13], $0x4E80  }
0x2e: {  	[sflag:s13] =	ssyncset.done $0x0  }
0x2f: {  	[sflag:s13] =	ssyncadd.s32 $0xFFFFB180  }
0x30: {  	[tilespmem:s17], [sflag:$0x5] =	stream.linear.gather [hbm4b:s9+s3], $0x80, $0x38;
	[tilespmem:$0x18D80] =	vst v63  }
0x31: {  	_ =	swait.ge [sflag:s13], $0x80  }
0x32: {  	[sflag:s13] =	ssyncset.done $0x0  }
0x33: {  	[sflag:s13] =	ssyncadd.s32 $0xFFFFFF80  }
0x34: {  	s23 =	simm.s32 $0x0;
	s24 =	simm.s32 $0x40;
	v0 =	vld [tilespmem:$0x9D00]  }
.LBB2_2:
0x35: {  	p0 =	sne.s32 s24, $0x13940;
	v1 =	vld [tilespmem:s23+$0x0];
	_ =	sdelay $0x1  }
.Ltmp2:
0x36: {  	(pc) =	sbr.rel @p0 .LBB2_2-.Ltmp2, $3  }
0x37: {  	_ =	sdelay $0x1  }
0x38: {  	v1 =	vadd.s32 $0x2710, v1  }
0x39: {  	[tilespmem:s23+$0x0] =	vst v1;
	s23 =	sshra.s32 s24, $0x2;
	s24 =	sadd.s32 $0x40, s24  }
0x3a: {  	v0 =	vxor.u32 $0x80000000, v0  }
0x3b: {  	(xrf0) =	vmax.scan.msk.u32 $0xffff, v0;
	_ =	sdelay $0x5  }
0x3c: {  	v0, _, _ =	vpop (xrf0)  }
0x3d: {  	(v2sf) =	vpush v0, $0xF;
	_ =	sdelay $0xe  }
0x3e: {  	s24 =	spop (v2sf)  }
0x3f: {  	v63 =	vld [tilespmem:s23+$0x0];
	s24 =	sadd.s32 $0x8000003F, s24  }
0x40: {  	s25 =	sand.u32 $0x3F, s24  }
0x41: {  	s26 =	sshra.s32 s24, $0x1F;
	p0 =	slt.s32 s24, $0x1;
	p1 =	sne.s32 s25, $0x0  }
0x42: {  	s31 =	sshrl.u32 s26, $0x1A;
	p0 =	por !p0, !p1  }
0x43: {  	s25 =	simm.s32 $0x1;
	s24 =	sadd.s32 s31, s24;
	p0 =	por !p0, !p0  }
0x44: {  	v0 =	vadd.s32 $0x2710, v63;
	s24 =	sshra.s32 s24, $0x6;
	s25 =	simm.s32 @!p0 $0x0  }
0x45: {  	[tilespmem:s23+$0x0] =	vst v0;
	s23 =	ssub.s32 s24, s25  }
0x46: {  	p0 =	slt.s32 s23, $0x1  }
0x47: {  	[bflag:$0x0] =	sbarrier.arrive $0xFFFF;
	s24 =	simm.s32 @!p0 $0x40  }
0x48: {  	s25 =	simm.s32 @!p0 $0x0;
	s26 =	simm.s32 @!p0 $0x9D80;
	p1 =	seq.s32 @!p0 s23, $0x1  }
0x49: {  	[tilespmem:s26], [sflag:$0x1] =	stream.indirect.gather @!p0 [hbm4b:s4+s24], $0x80, s25, s24, $0xb8;
	[tilespmem:$0x18D80] =	vst v63  }
0x4a: {  	p1 =	por p1, p0  }
0x4b: {  	s25 =	simm.s32 @!p1 $0x40;
	s28 =	simm.s32 @!p1 $0xBD80  }
0x4c: {  	[tilespmem:s28], [sflag:$0x2] =	stream.indirect.gather @!p1 [hbm4b:s4+s25], $0x80, s25, s25, $0xb8;
	[tilespmem:$0x18D80] =	vst v63  }
0x4d: {  	s25 =	simm.s32 @!p0 $0x1  }
.Ltmp3:
0x4e: {  	_ =	swait.ge @!p0 [sflag:s25], $0x2000;
	(pc) =	sbr.rel .LBB2_4-.Ltmp3, $4  }
0x4f: {  	[sflag:s25] =	ssyncset.done @!p0 $0x0  }
0x50: {  	s28 =	simm.s32 $0x4EC0;
	[sflag:s25] =	ssyncadd.s32 @!p0 $0xFFFFE000;
	s25 =	simm.s32 @!p0 $0x4E80  }
0x51: {  	[spmem:s2] =	stream.indirect.scatter.add.f32 @!p0 [tilespmem:s26], [sflag:$0x3], $0x80, s25, s24, $0xb8;
	[tilespmem:$0x18D80] =	vst v63  }
0x52: {  	s24 =	simm.s32 $0x1;
	s25 =	simm.s32 $0x80;
	s26 =	simm.s32 $0x2  }
.LBB2_6:
0x53: {  	s26 =	sadd.s32 $0x1, s26  }
0x54: {  	p1 =	sne.s32 s26, $0x13A  }
.Ltmp4:
0x55: {  	_ = 	snop;
	(pc) =	sbr.rel @!p1 .LBB2_7-.Ltmp4, $2  }
0x56: {  	_ =	sdelay $0x2  }
0x57: {  	s25 =	sadd.s32 $0x40, s25;
	s28 =	sadd.s32 $0x40, s28  }
.LBB2_4:
0x58: {  	s29 =	sadd.s32 $0xFFFFFFFF, s26  }
0x59: {  	p1 =	sge.s32 s29, s23;
	s29 =	sand.u32 $0x1, s29  }
0x5a: {  	p3 =	sne.s32 @!p1 s29, $0x0  }
0x5b: {  	p2 =	por p3, p1  }
0x5c: {  	s30 =	simm.s32 @!p2 $0x4;
	p4 =	sge.u32 @!p2 s26, s23  }
0x5d: {  	p6 =	seq.s32 s29, $0x1;
	_ =	swait.ge @!p2 [sflag:s30], $0x2000;
	p3 =	por @!p1 p4, p3  }
0x5e: {  	[sflag:s30] =	ssyncset.done @!p2 $0x0;
	p3 =	por p3, p1;
	p1 =	por p1, !p6  }
0x5f: {  	[sflag:s30] =	ssyncadd.s32 @!p2 $0xFFFFE000;
	s30 =	simm.s32 @!p3 $0x40;
	s31 =	simm.s32 @!p3 $0xBD80  }
0x60: {  	[tilespmem:s31], [sflag:$0x2] =	stream.indirect.gather @!p3 [hbm4b:s4+s30], $0x80, s25, s30, $0xb8;
	[tilespmem:$0x18D80] =	vst v63  }
.Ltmp5:
0x61: {  	s30 =	simm.s32 @!p2 $0x1;
	(pc) =	sbr.rel @p1 .LBB2_6-.Ltmp5, $4  }
0x62: {  	_ =	swait.ge @!p2 [sflag:s30], $0x2000  }
0x63: {  	s24 =	sadd.s32 $0x1, s24;
	[sflag:s30] =	ssyncset.done @!p2 $0x0  }
0x64: {  	s31 =	simm.s32 @!p2 $0x9D80;
	[sflag:s30] =	ssyncadd.s32 @!p2 $0xFFFFE000;
	s30 =	simm.s32 @!p2 $0x40  }
0x65: {  	[spmem:s2] =	stream.indirect.scatter.add.f32 @!p2 [tilespmem:s31], [sflag:$0x3], $0x80, s28, s30, $0xb8;
	[tilespmem:$0x18D80] =	vst v63  }
0x66: {  	_ =	swait.ge [sflag:s18], $0x2000  }
0x67: {  	p1 =	sge.s32 s26, s23;
	[sflag:s18] =	ssyncset.done $0x0  }
0x68: {  	s29 =	simm.s32 @!p1 $0x40;
	s30 =	simm.s32 @!p1 $0x9D80;
	[sflag:s18] =	ssyncadd.s32 $0xFFFFE000  }
0x69: {  	[tilespmem:s30], [sflag:$0x1] =	stream.indirect.gather @!p1 [hbm4b:s4+s29], $0x80, s25, s29, $0xb8;
	[tilespmem:$0x18D80] =	vst v63  }
.Ltmp6:
0x6a: {  	_ = 	snop;
	(pc) =	sbr.rel .LBB2_6-.Ltmp6, $4  }
0x6b: {  	_ =	swait.ge [sflag:s19], $0x2000  }
0x6c: {  	[sflag:s19] =	ssyncset.done $0x0  }
0x6d: {  	[sflag:s19] =	ssyncadd.s32 $0xFFFFE000  }
0x6e: {  	[spmem:s2] =	stream.indirect.scatter.add.f32 [tilespmem:s21], [sflag:$0x4], $0x80, s28, s20, $0xb8;
	[tilespmem:$0x18D80] =	vst v63  }
.LBB2_8:
0x6f: {  	_ =	sfence.sel $0x180000  }
0x70: {  	[bflag:$0x0] =	sbarrier.arrive $0xFFFF  }
0x71: {  	p0 =	sne.s32 s0, $0x0;
	_ =	strace $0x9000004A  }
0x72: {  	s0 =	sadd.s32 @!p0 $0x100000, s1;
	[bflag:$0x2] =	sbarrier.arrive $0xFFFF  }
0x73: {  	[sflag:s0] =	ssyncadd.tile.s32 @!p0 $0x1;
	_ =	shalt  }
.Lfunc_end2:
_tile_overlayer_lowered:
.L_overlay_start_2:
0x74: {  	(tag) =	ssettag $0x2  }
0x75: {  	s0 =	rddreg [dreg:$0x0];
	s2 =	stileid.u32  }
0x76: {  	s1 =	rddreg [dreg:$0x1];
	p0 =	sne.s32 s2, $0x0  }
0x77: {  	s3 =	rddreg [dreg:$0x2];
	[bflag:$0x3] =	sbarrier.arrive $0xFFFF;
	s2 =	simm.s32 @!p0 $0x1C05  }
0x78: {  	[timem:s3], [sflag:s2] =	dma.local @!p0 [hbm:s0], s1  }
0x79: {  	s0 =	simm.s32 @!p0 $0x5  }
0x7a: {  	_ =	swait.ge @!p0 [sflag:s0], s1  }
0x7b: {  	s1 =	ssub.s32 @!p0 $0x0, s1;
	[sflag:s0] =	ssyncset.done @!p0 $0x0  }
0x7c: {  	[sflag:s0] =	ssyncadd.s32 @!p0 s1  }
0x7d: {  	[bflag:$0x3] =	sbarrier.arrive $0xFFFF  }
0x7e: {  	_ =	shalt  }

// kernel: kernel.7.cloned.1.call-start
scs
__scs_entry_jumppad:
0x0: {  	(pc) =	sbr.rel $0x88, $3  }
0x1: {  	(tag) =	ssettag $0x0;
	lr =	simm.s32 $0x1  }
0x2: {  	[smem:$0x3F92] =	sst lr;
	_ =	strace $0xD0000000  }
0x3: {  	_ = 	snop  }
0x4: {  	_ = 	snop  }
0x5: {  	_ = 	snop  }
0x6: {  	_ = 	snop  }
0x7: {  	_ = 	snop  }
__scs_overlays_trampoline_lowered:
0x8: {  	[smem:$0x3FA1] =	sst s0  }
0x9: {  	[smem:$0x3FA2] =	sst s1  }
0xa: {  	[smem:$0x3FA3] =	sst s2  }
0xb: {  	[smem:$0x3FA4] =	sst s3  }
0xc: {  	[smem:$0x3FA5] =	sst s4  }
0xd: {  	[smem:$0x3FA6] =	sst s5  }
0xe: {  	[smem:$0x3FA7] =	sst s6  }
0xf: {  	[smem:$0x3FA8] =	sst s7  }
0x10: {  	[smem:$0x3FA9] =	sst s8  }
0x11: {  	[smem:$0x3FAA] =	sst s9;
	s0 =	simm.s32 @!p0 $0x0  }
0x12: {  	s1 =	sld [smem:$0x3F90];
	s0 =	simm.s32 @p0 $0x1  }
0x13: {  	[smem:$0x3FAB] =	sst s0;
	s0 =	simm.s32 @!p1 $0x0  }
0x14: {  	s2 =	sld [smem:$0x3F8F];
	s0 =	simm.s32 @p1 $0x1  }
0x15: {  	[smem:$0x3FAC] =	sst s0;
	s0 =	simm.s32 @!p2 $0x0  }
0x16: {  	s3 =	sld [smem:$0x3FDB];
	s0 =	simm.s32 @p2 $0x1  }
0x17: {  	s4 =	simm.s32 $0x1BF5;
	[smem:$0x3FAE] =	sst s0  }
0x18: {  	s0 =	sld [smem:$0x3F91];
	_ =	swait.ge [sflag:s4], $0x0  }
0x19: {  	s7 =	sld [smem:$0x3F92]  }
0x1a: {  	s8 =	sadd.s32 $0xFFFFE003, lr  }
0x1b: {  	s9 =	sadd.s32 $0xFFFFFEF7, lr;
	s5 =	simm.s32 $0xFFFFFFFF;
	p2 =	slt.u32 s8, $0xFFFFF086  }
0x1c: {  	p1 =	slt.u32 s9, $0xF7A;
	s5 =	simm.s32 @!p2 $0x0  }
0x1d: {  	s5 =	simm.s32 @p1 $0x1;
	p0 =	seq.s32 s7, s2  }
0x1e: {  	s7 =	smul.u32 @!p0 $0xF7A, s2;
	p2 =	seq.s32 @!p0 s5, $0x0  }
0x1f: {  	s9 =	smul.u32 $0xF7A, s1;
	s8 =	simm.s32 @!p0 $0x1BF5;
	p2 =	por !p2, p0  }
0x20: {  	[sflag:s8] =	ssyncset.s32 @!p0 $0xFFFFF086;
	s6 =	sadd.s32 @!p0 s3, s7;
	s7 =	simm.s32 @!p0 $0x108  }
0x21: {  	s3 =	sadd.s32 s3, s9;
	s6 =	sadd.s32 @!p0 $0x88, s6;
	s7 =	simm.s32 @p2 $0x1082  }
0x22: {  	[simem:s7], [sflag:s8] =	dma.local @!p0 [hbm:s6], $0xF7A  }
0x23: {  	s9 =	sor.u32 $0xD0000000, s2;
	s6 =	simm.s32 $0x108;
	_ =	swait.ge @!p0 [sflag:s8], $0x0  }
0x24: {  	s3 =	sadd.s32 $0x88, s3;
	s6 =	simm.s32 @!p1 $0x1082;
	[sflag:s4] =	ssyncset.s32 $0xFFFFF086  }
0x25: {  	[simem:s6], [sflag:s4] =	dma.local [hbm:s3], $0xF7A  }
0x26: {  	[smem:$0x3F92] =	sst s1;
	(tag) =	ssettag s2;
	_ =	strace s9  }
0x27: {  	s1 =	sld [smem:$0x3FA2]  }
0x28: {  	s2 =	sld [smem:$0x3FA3]  }
0x29: {  	s4 =	sld [smem:$0x3FA5]  }
0x2a: {  	p0 =	seq.s32 s5, $0x0;
	s5 =	sld [smem:$0x3FA6]  }
0x2b: {  	s6 =	sld [smem:$0x3FA7]  }
0x2c: {  	s7 =	sld [smem:$0x3FA8]  }
0x2d: {  	s3 =	simm.s32 $0x108;
	s8 =	sld [smem:$0x3FA9]  }
0x2e: {  	s3 =	simm.s32 @!p0 $0x1082;
	s9 =	sld [smem:$0x3FAA]  }
0x2f: {  	lr =	sadd.s32 s0, s3;
	s0 =	sld [smem:$0x3FA1]  }
0x30: {  	s3 =	sld [smem:$0x3FA4]  }
0x31: {  	[smem:$0x3FAD] =	sst s10  }
0x32: {  	s10 =	sld [smem:$0x3FAB];
	_ =	sdelay $0x3  }
0x33: {  	p0 =	seq.s32 s10, $0x1;
	s10 =	sld [smem:$0x3FAD];
	_ =	sdelay $0x3  }
0x34: {  	[smem:$0x3FAD] =	sst s10  }
0x35: {  	s10 =	sld [smem:$0x3FAC];
	_ =	sdelay $0x3  }
0x36: {  	p1 =	seq.s32 s10, $0x1;
	s10 =	sld [smem:$0x3FAD];
	_ =	sdelay $0x3  }
0x37: {  	[smem:$0x3FAD] =	sst s10  }
0x38: {  	s10 =	sld [smem:$0x3FAE]  }
0x39: {  	_ = 	snop;
	(pc) =	sbr.ind lr, $3  }
0x3a: {  	_ = 	snop  }
0x3b: {  	_ = 	snop  }
0x3c: {  	p2 =	seq.s32 s10, $0x1;
	s10 =	sld [smem:$0x3FAD]  }
0x3d: {  	_ =	shalt  }
0x3e: {  	_ =	shalt  }
0x3f: {  	_ =	shalt  }
0x40: {  	_ =	shalt  }
0x41: {  	_ =	shalt  }
0x42: {  	_ =	shalt  }
0x43: {  	_ =	shalt  }
0x44: {  	_ =	shalt  }
0x45: {  	_ =	shalt  }
0x46: {  	_ =	shalt  }
0x47: {  	_ =	shalt  }
0x48: {  	_ =	shalt  }
0x49: {  	_ =	shalt  }
0x4a: {  	_ =	shalt  }
0x4b: {  	_ =	shalt  }
0x4c: {  	_ =	shalt  }
0x4d: {  	_ =	shalt  }
0x4e: {  	_ =	shalt  }
0x4f: {  	_ =	shalt  }
0x50: {  	_ =	shalt  }
0x51: {  	_ =	shalt  }
0x52: {  	_ =	shalt  }
0x53: {  	_ =	shalt  }
0x54: {  	_ =	shalt  }
0x55: {  	_ =	shalt  }
0x56: {  	_ =	shalt  }
0x57: {  	_ =	shalt  }
0x58: {  	_ =	shalt  }
0x59: {  	_ =	shalt  }
0x5a: {  	_ =	shalt  }
0x5b: {  	_ =	shalt  }
0x5c: {  	_ =	shalt  }
0x5d: {  	_ =	shalt  }
0x5e: {  	_ =	shalt  }
0x5f: {  	_ =	shalt  }
0x60: {  	_ =	shalt  }
0x61: {  	_ =	shalt  }
0x62: {  	_ =	shalt  }
0x63: {  	_ =	shalt  }
0x64: {  	_ =	shalt  }
0x65: {  	_ =	shalt  }
0x66: {  	_ =	shalt  }
0x67: {  	_ =	shalt  }
0x68: {  	_ =	shalt  }
0x69: {  	_ =	shalt  }
0x6a: {  	_ =	shalt  }
0x6b: {  	_ =	shalt  }
0x6c: {  	_ =	shalt  }
0x6d: {  	_ =	shalt  }
0x6e: {  	_ =	shalt  }
0x6f: {  	_ =	shalt  }
0x70: {  	_ =	shalt  }
0x71: {  	_ =	shalt  }
0x72: {  	_ =	shalt  }
0x73: {  	_ =	shalt  }
0x74: {  	_ =	shalt  }
0x75: {  	_ =	shalt  }
0x76: {  	_ =	shalt  }
0x77: {  	_ =	shalt  }
0x78: {  	_ =	shalt  }
0x79: {  	_ =	shalt  }
0x7a: {  	_ =	shalt  }
0x7b: {  	_ =	shalt  }
0x7c: {  	_ =	shalt  }
0x7d: {  	_ =	shalt  }
0x7e: {  	_ =	shalt  }
0x7f: {  	_ =	shalt  }
0x80: {  	_ =	shalt  }
0x81: {  	_ =	shalt  }
0x82: {  	_ =	shalt  }
0x83: {  	_ =	shalt  }
0x84: {  	_ =	shalt  }
0x85: {  	_ =	shalt  }
0x86: {  	_ =	shalt  }
0x87: {  	_ =	shalt  }
.Lfunc_end0:
.L_simem_size_0:
called_computation_lowered:
.L_overlay_start_0:
0x88: {  	s2 =	sld [smem:$0x3FD9]  }
0x89: {  	s3 =	sld [smem:$0x3FFE];
	_ =	sdelay $0x1  }
0x8a: {  	s1 =	srdreg.scid  }
0x8b: {  	s0 =	sand.u32 $0x1, s1  }
0x8c: {  	s17 =	sshll.u32 s0, $0xA;
	s2 =	sadd.s32 s3, s2  }
0x8d: {  	s2 =	sadd.s32 s2, s17  }
0x8e: {  	[smem:$0x3FB9] =	sst s2  }
0x8f: {  	_ = 	snop  }
0x90: {  	s2 =	sld [smem:$0x3FC9]  }
0x91: {  	s18 =	sld [smem:$0x3FD0];
	(tm) =	ssettm $0x1  }
0x92: {  	s4 =	sld [smem:$0x3FFB];
	_ =	sdelay $0x3  }
0x93: {  	_ =	strace s4  }
0x94: {  	s4 =	sld [smem:$0x3FFC];
	_ =	sdelay $0x3  }
0x95: {  	_ =	strace s4  }
0x96: {  	s4 =	sld [smem:$0x3FFD];
	_ =	sdelay $0x3  }
0x97: {  	_ =	strace s4  }
0x98: {  	_ =	strace $0x8FFFFFFF  }
0x99: {  	s19 =	sld [smem:$0x3FDB];
	_ =	sdelay $0x1  }
0x9a: {  	s5 =	simm.s32 $_scs_section_size  }
0x9b: {  	s6 =	simm.s32 $_size__tile_overlayer_lowered;
	s7 =	simm.s32 $_tile_overlayer_lowered  }
0x9c: {  	s22 =	simm.s32 $0x1BFF;
	s21 =	sshll.u32 s7, $0x1;
	s4 =	sadd.s32 s5, s19  }
0x9d: {  	s8 =	simm.s32 $0x0;
	s20 =	sshll.u32 s6, $0x1;
	s6 =	sadd.s32 s21, s4  }
0x9e: {  	[timem:s8], [sflag:s22] =	dma.local [hbm:s6], s20  }
0x9f: {  	_ =	swait.ge [sflag:s22], s20  }
0xa0: {  	s5 =	ssub.s32 $0x0, s20;
	[sflag:s22] =	ssyncset.done $0x0  }
0xa1: {  	[sflag:s22] =	ssyncadd.s32 s5;
	_ =	sdelay $0x1  }
0xa2: {  	s23 =	simm.s32 $0x1B8B  }
0xa3: {  	_ =	swait.ge [sflag:s23], $0x1  }
0xa4: {  	[sflag:s23] =	ssyncset.done $0x0  }
0xa5: {  	s25 =	simm.s32 $0x1B8E;
	s24 =	sld [smem:$0x3FFE];
	[sflag:s23] =	ssyncadd.s32 $0xFFFFFFFF  }
0xa6: {  	s26 =	simm.s32 $execute0_lowered;
	[smem:$0x3FD2] =	sst s25  }
0xa7: {  	s6 =	sshll.u32 s26, $0x1;
	_ =	strace $0x80000046;
	[dreg:$0x1] =	wrdreg $0xFFFFFFFF  }
0xa8: {  	s28 =	simm.s32 $_size_execute0_lowered;
	s4 =	sadd.s32 s4, s6;
	[dreg:$0x0] =	wrdreg $0x0  }
0xa9: {  	s6 =	sshll.u32 s28, $0x1;
	[dreg:$0x2] =	wrdreg s4  }
0xaa: {  	[dreg:$0x3] =	wrdreg s6  }
0xab: {  	[dreg:$0x4] =	wrdreg $0xC0  }
0xac: {  	_ =	task [dreg:s8], $0x5FFFF  }
0xad: {  	[dreg:$0x1] =	wrdreg $0xFFFFFFFF  }
0xae: {  	[dreg:$0x0] =	wrdreg $0x60  }
0xaf: {  	[dreg:$0x2] =	wrdreg s24  }
0xb0: {  	[dreg:$0x3] =	wrdreg s2  }
0xb1: {  	[dreg:$0x4] =	wrdreg s18  }
0xb2: {  	[dreg:$0x5] =	wrdreg $0xDD800  }
0xb3: {  	[dreg:$0x6] =	wrdreg $0x9  }
0xb4: {  	_ =	task.clear_ibuf [dreg:s8], $0x7FFFF;
	_ =	strace $0x90000046  }
0xb5: {  	s29 =	simm.s32 $0x9;
	_ =	strace $0x80000048  }
0xb6: {  	_ =	swait.ge [sflag:s29], $0x1  }
0xb7: {  	[sflag:s29] =	ssyncadd.s32 $0xFFFFFFFF  }
0xb8: {  	_ =	strace $0x90000048  }
0xb9: {  	_ =	sfence  }
0xba: {  	s30 =	sld [smem:$0x0];
	_ =	sdelay $0x2  }
0xbb: {  	s31 =	sshll.u32 s1, $0xD;
	s1 =	sshrl.u32 s1, $0x2  }
0xbc: {  	s3 =	sand.u32 $0x4000, s31;
	s1 =	sadd.s32 s1, s30  }
0xbd: {  	s0 =	sor.u32 s3, s0;
	s1 =	sshll.u32 s1, $0x11  }
0xbe: {  	s0 =	sor.u32 s1, s0  }
0xbf: {  	s0 =	sadd.s32 $0x8F2B, s0  }
0xc0: {  	[sflag:s0] =	ssyncadd.remote.s32 $0x1  }
0xc1: {  	_ =	sfence.sel $0xFFFF  }
0xc2: {  	[dreg:$0x0] =	wrdreg $0xFFFFFFFF;
	(pc) =	sbr.abs _section_cstart, $3  }
0xc3: {  	[dreg:$0x1] =	wrdreg $0xFFFFFFFF  }
0xc4: {  	_ =	task.clear_ibuf [dreg:s8], $0x2FFFF;
	_ =	strace $0x9FFFFFFF  }
0xc5: {  	(tm) =	ssettm $0x7FFFFFFF  }
tec
execute0_lowered:
.L_overlay_start_1:
0x0: {  	(tag) =	ssettag $0x1  }
0x1: {  	s5 =	rddreg [dreg:$0x0]  }
0x2: {  	s1 =	rddreg [dreg:$0x1];
	s0 =	stileid.u32  }
0x3: {  	s2 =	srdreg.scid;
	s6 =	smul.u32 $0x4E20, s0  }
0x4: {  	s11 =	rddreg [dreg:$0x2];
	s8 =	smul.u32 $0xB000, s0  }
0x5: {  	s3 =	rddreg [dreg:$0x3];
	s9 =	sand.u32 $0x1, s2;
	s24 =	smul.u32 $0x2C000, s0  }
0x6: {  	s4 =	simm.s32 $0x0;
	s21 =	simm.s32 $0x2;
	s7 =	smul.u32 $0x4E200, s9  }
0x7: {  	[smem:$0x7FF] =	sst s4;
	s22 =	sshrl.u32 s0, $0x3;
	s10 =	smul.u32 $0xB0000, s9  }
0x8: {  	s15 =	sshll.u32 s0, $0x7;
	s28 =	sshll.u32 s0, $0x6;
	s13 =	smul.u32 $0x4E800, s9  }
0x9: {  	_ =	strace $0x80000047;
	s23 =	smul.u32 $0x27400, s22;
	s15 =	sand.u32 $0x380, s15  }
0xa: {  	s26 =	ssub.s32 $0x2, s9;
	s29 =	sshll.u32 s9, $0xB;
	s30 =	sshll.u32 s22, $0xA  }
0xb: {  	s20 =	smul.u32 $0xFFFFEC78, s9;
	s22 =	simm.s32 $0x40;
	s14 =	sshrl.u32 s8, $0x3  }
0xc: {  	s17 =	sshrl.u32 s26, $0x1;
	s7 =	sadd.s32 s6, s7;
	s6 =	sshrl.u32 s6, $0x3  }
0xd: {  	s8 =	sadd.s32 s8, s10;
	s14 =	sadd.s32 s14, s5;
	s10 =	sadd.s32 s13, s23  }
0xe: {  	s13 =	sshrl.u32 s24, $0x2;
	s17 =	ssub.s32 s26, s17;
	v0 =	vmov s20;
	s20 =	simm.s32 $0x3  }
0xf: {  	s23 =	simm.s32 $0xBD80;
	s24 =	simm.s32 $0x0;
	s7 =	sshrl.u32 s7, $0x3  }
0x10: {  	s12 =	sadd.s32 s6, s5;
	s8 =	sshrl.u32 s8, $0x3;
	s25 =	sor.u32 s15, s10  }
0x11: {  	s19 =	sadd.s32 s13, s3;
	s6 =	sor.u32 $0x1C05, s28;
	s10 =	sor.u32 s29, s30  }
0x12: {  	s13 =	smax.u32 s17, $0x1;
	s17 =	simm.s32 $0x80;
	s7 =	sadd.s32 s7, s5  }
0x13: {  	s16 =	sadd.s32 s8, s5;
	s8 =	sshrl.u32 s25, $0x3;
	s10 =	sor.u32 s15, s10  }
.Ltmp0:
0x14: {  	s15 =	simm.s32 $0x5;
	s18 =	sadd.s32 s8, s5;
	(pc) =	sbr.rel .LBB2_1-.Ltmp0, $4  }
0x15: {  	s5 =	sadd.s32 $0x21600, s14;
	s7 =	sadd.s32 $0xDC00, s7;
	s8 =	sadd.s32 $0x3E00, s12  }
0x16: {  	v5 =	vlaneseq.u32;
	s31 =	sshrl.u32 s10, $0x3;
	s12 =	sadd.s32 $0x37600, s16;
	s14 =	sshrl.u32 s19, $0x3  }
0x17: {  	v1 =	vimm.s32 $0x0;
	v2 =	vadd.s32 $0x1388, v5;
	s16 =	simm.s32 $0x4E80;
	s19 =	simm.s32 $0x9D00;
	s9 =	sadd.s32 $0x63600, s18  }
0x18: {  	v3 =	vadd.s32 $0x1398, v5;
	v4 =	vadd.s32 $0x13A8, v5;
	v5 =	vadd.s32 $0x13B8, v5;
	s10 =	sadd.s32 $0x77000, s18;
	s11 =	sadd.s32 s11, s31;
	s18 =	simm.s32 $0x400  }
.LBB2_7:
0x19: {  	s0 =	sand.u32 $0x1, s25  }
0x1a: {  	p1 =	seq.s32 s0, $0x1  }
0x1b: {  	p1 =	por !p1, p0  }
0x1c: {  	s2 =	simm.s32 @!p1 $0x3  }
0x1d: {  	p2 =	sne.s32 @!p0 s0, $0x0;
	_ =	swait.ge @!p1 [sflag:s2], $0x2000  }
0x1e: {  	p0 =	por p2, p0;
	[sflag:s2] =	ssyncset.done @!p1 $0x0  }
0x1f: {  	s0 =	simm.s32 @!p0 $0x4;
	[sflag:s2] =	ssyncadd.s32 @!p1 $0xFFFFE000  }
0x20: {  	_ =	swait.ge @!p0 [sflag:s0], $0x2000  }
0x21: {  	s24 =	sadd.s32 $0x1, s24;
	[sflag:s0] =	ssyncset.done @!p0 $0x0  }
0x22: {  	[sflag:s0] =	ssyncadd.s32 @!p0 $0xFFFFE000;
	p0 =	sne.s32 s24, s13  }
.Ltmp1:
0x23: {  	[bflag:$0x0] =	sbarrier.arrive $0xFFFF;
	(pc) =	sbr.rel @!p0 .LBB2_8-.Ltmp1, $4  }
0x24: {  	[hbm:s12], [sflag:s6] =	dma.local [spmem:s14], $0x1600  }
0x25: {  	_ =	swait.ge [sflag:s15], $0x1600  }
0x26: {  	[sflag:s15] =	ssyncset.done $0x0  }
0x27: {  	[sflag:s15] =	ssyncadd.s32 $0xFFFFEA00  }
.LBB2_1:
0x28: {  	[spmem:s14], [sflag:s6] =	dma.local [hbm:s5], $0x1600  }
0x29: {  	_ =	swait.ge [sflag:s15], $0x1600  }
0x2a: {  	[sflag:s15] =	ssyncset.done $0x0  }
0x2b: {  	[sflag:s15] =	ssyncadd.s32 $0xFFFFEA00  }
0x2c: {  	[tilespmem:s4], [sflag:$0x5] =	stream.linear.gather [hbm4b:s7+s4], $0x4E20, $0x38;
	[tilespmem:$0x18D80] =	vst v63  }
0x2d: {  	_ =	swait.ge [sflag:s15], $0x4E20  }
0x2e: {  	[sflag:s15] =	ssyncset.done $0x0  }
0x2f: {  	[sflag:s15] =	ssyncadd.s32 $0xFFFFB1E0  }
0x30: {  	[tilespmem:s16], [sflag:$0x5] =	stream.linear.gather [hbm4b:s8+s4], $0x4E20, $0x38;
	[tilespmem:$0x18D80] =	vst v63  }
0x31: {  	_ =	swait.ge [sflag:s15], $0x4E20  }
0x32: {  	[sflag:s15] =	ssyncset.done $0x0  }
0x33: {  	s25 =	simm.s32 $0x0;
	[sflag:s15] =	ssyncadd.s32 $0xFFFFB1E0  }
0x34: {  	v6 =	vld [tilespmem:s25+$0x4E80];
	_ =	sdelay $0x2  }
0x35: {  	v7 =	vld [tilespmem:s25+$0x0];
	_ =	sdelay $0x1  }
0x36: {  	v6 =	vadd.s32 v0, v6  }
0x37: {  	vm0 =	vlt.u32 v6, $0x1388  }
0x38: {  	v8 =	vsel vm0, $0x1, v1  }
0x39: {  	v7 =	vshll.u32 v7, $0xD;
	v6 =	vnsel vm0, $0x0, v6;
	(xrf0) =	vadd.scan.msk.s32 $0xffff, v8  }
0x3a: {  	v6 =	vor.u32 v7, v6;
	v7 =	vor.u32 $0x80000000, v8  }
0x3b: {  	(xrf1) =	vsort.dscd.msk.u32 $0xffff, v7, v6;
	_ =	sdelay $0x3  }
0x3c: {  	v6, _, _ =	vpop (xrf0)  }
0x3d: {  	(v2sf) =	vpush v6, $0xF;
	_ =	sdelay $0x8  }
0x3e: {  	_, v6, _ =	vpop (xrf1)  }
0x3f: {  	v7 =	vshra.s32 v6, $0xD  }
0x40: {  	v6 =	vand.u32 $0x1FFF, v6;
	[tilespmem:s4+$0x0] =	vst v7  }
0x41: {  	s31 =	simm.s32 $0x10;
	[tilespmem:s4+$0x4E80] =	vst v6  }
0x42: {  	v7 =	vld [tilespmem:s31+$0x4E80];
	_ =	sdelay $0x1  }
0x43: {  	s26 =	simm.s32 $0x80;
	s25 =	simm.s32 $0x0;
	v6 =	vld [tilespmem:s31+$0x0];
	s28 =	spop (v2sf)  }
.LBB2_2:
0x44: {  	p0 =	sne.s32 s26, $0x13840  }
0x45: {  	s25 =	sadd.s32 s25, s28;
	s28 =	smov.u32 s26;
	s26 =	sadd.s32 $0x40, s26  }
0x46: {  	v7 =	vadd.s32 v0, v7  }
0x47: {  	vm0 =	vlt.u32 v7, $0x1388  }
0x48: {  	v8 =	vsel vm0, $0x1, v1;
	v6 =	vshll.u32 v6, $0xD;
	v7 =	vnsel vm0, $0x0, v7  }
0x49: {  	v6 =	vor.u32 v6, v7;
	v7 =	vor.u32 $0x80000000, v8;
	(xrf0) =	vadd.scan.msk.s32 $0xffff, v8  }
0x4a: {  	(xrf1) =	vsort.dscd.msk.u32 $0xffff, v7, v6;
	_ =	sdelay $0x4  }
0x4b: {  	v6, _, _ =	vpop (xrf0)  }
0x4c: {  	(v2sf) =	vpush v6, $0xF;
	_ =	sdelay $0x7  }
0x4d: {  	_, v6, _ =	vpop (xrf1)  }
0x4e: {  	v7 =	vshra.s32 v6, $0xD;
	v6 =	vand.u32 $0x1FFF, v6  }
0x4f: {  	[tilespmem:s25+$0x0] =	vst v7  }
.Ltmp2:
0x50: {  	s28 =	sshra.s32 s28, $0x2;
	[tilespmem:s25+$0x4E80] =	vst v6;
	(pc) =	sbr.rel @p0 .LBB2_2-.Ltmp2, $3  }
0x51: {  	v7 =	vld [tilespmem:s28+$0x4E80];
	_ =	sdelay $0x1  }
0x52: {  	v6 =	vld [tilespmem:s28+$0x0]  }
0x53: {  	s28 =	spop (v2sf)  }
0x54: {  	_ = 	snop  }
0x55: {  	v7 =	vadd.s32 v0, v7  }
0x56: {  	vm0 =	vlt.u32 v7, $0x1388  }
0x57: {  	v8 =	vsel vm0, $0x1, v1  }
0x58: {  	(xrf0) =	vadd.scan.msk.s32 $0xffff, v8;
	_ =	sdelay $0x1  }
0x59: {  	v6 =	vshll.u32 v6, $0xD;
	v7 =	vnsel vm0, $0x0, v7  }
0x5a: {  	v6 =	vor.u32 v6, v7;
	_ =	sdelay $0x1  }
0x5b: {  	v7 =	vor.u32 $0x80000000, v8  }
0x5c: {  	(xrf1) =	vsort.dscd.msk.u32 $0xffff, v7, v6;
	v6, _, _ =	vpop (xrf0)  }
0x5d: {  	(v2sf) =	vpush v6, $0xF;
	_ =	sdelay $0xc  }
0x5e: {  	_, v6, _ =	vpop (xrf1)  }
0x5f: {  	s25 =	sadd.s32 s25, s28;
	v7 =	vshra.s32 v6, $0xD  }
0x60: {  	v6 =	vand.u32 $0x1FFF, v6;
	[tilespmem:s25+$0x0] =	vst v7;
	s26 =	spop (v2sf)  }
0x61: {  	[tilespmem:s25+$0x4E80] =	vst v6;
	s25 =	sadd.s32 s25, s26  }
0x62: {  	[tilespmem:s25+$0x0] =	vst v1  }
0x63: {  	[tilespmem:s25+$0x4E80] =	vst v2  }
0x64: {  	[tilespmem:s25+$0x10] =	vst v1  }
0x65: {  	[tilespmem:s25+$0x4E90] =	vst v3  }
0x66: {  	[tilespmem:s25+$0x20] =	vst v1  }
0x67: {  	[tilespmem:s25+$0x4EA0] =	vst v4  }
0x68: {  	[tilespmem:s25+$0x30] =	vst v1  }
0x69: {  	[tilespmem:s25+$0x4EB0] =	vst v5;
	s26 =	sadd.s32 $0x3F, s25  }
0x6a: {  	[hbm4b:s9+s17] =	stream.strided.scatter [tilespmem:s4], [sflag:$0x5], $0x4E80, s18, s17, $0x38;
	[tilespmem:$0x18D80] =	vst v63  }
0x6b: {  	s28 =	sshra.s32 s26, $0x1F;
	_ =	swait.ge [sflag:s15], $0x4E80  }
0x6c: {  	s29 =	sand.u32 $0x3F, s26;
	p0 =	slt.s32 s26, $0x1;
	[sflag:s15] =	ssyncset.done $0x0  }
0x6d: {  	s28 =	sshrl.u32 s28, $0x1A;
	p1 =	sne.s32 s29, $0x0;
	[sflag:s15] =	ssyncadd.s32 $0xFFFFB180  }
0x6e: {  	[hbm4b:s10+s17] =	stream.strided.scatter [tilespmem:s16], [sflag:$0x5], $0x4E80, s18, s17, $0x38;
	[tilespmem:$0x18D80] =	vst v63  }
0x6f: {  	s31 =	sadd.s32 s28, s26;
	p0 =	por !p0, !p1;
	_ =	swait.ge [sflag:s15], $0x4E80  }
0x70: {  	s26 =	simm.s32 $0x1;
	p0 =	por !p0, !p0;
	[sflag:s15] =	ssyncset.done $0x0  }
0x71: {  	v6 =	vmov s25;
	s25 =	sshra.s32 s31, $0x6;
	s26 =	simm.s32 @!p0 $0x0;
	[sflag:s15] =	ssyncadd.s32 $0xFFFFB180  }
0x72: {  	s25 =	ssub.s32 s25, s26;
	[tilespmem:$0x9D00] =	vst v6  }
0x73: {  	[hbm4b:s11+s4] =	stream.linear.scatter [tilespmem:s19], [sflag:$0x5], $0x80, $0x38;
	[tilespmem:$0x18D80] =	vst v63  }
0x74: {  	p0 =	slt.s32 s25, $0x1;
	_ =	swait.ge [sflag:s15], $0x80  }
0x75: {  	s26 =	simm.s32 @!p0 $0x40;
	[sflag:s15] =	ssyncset.done $0x0  }
0x76: {  	s28 =	simm.s32 @!p0 $0x0;
	p1 =	seq.s32 @!p0 s25, $0x1;
	[sflag:s15] =	ssyncadd.s32 $0xFFFFFF80  }
0x77: {  	s29 =	simm.s32 @!p0 $0x9D80;
	p1 =	por p1, p0;
	[bflag:$0x0] =	sbarrier.arrive $0xFFFF  }
0x78: {  	[tilespmem:s29], [sflag:$0x1] =	stream.indirect.gather @!p0 [hbm4b:s1+s26], $0x80, s28, s26, $0xb8;
	[tilespmem:$0x18D80] =	vst v63  }
0x79: {  	s30 =	simm.s32 @!p1 $0xBD80;
	s28 =	simm.s32 @!p1 $0x40  }
0x7a: {  	[tilespmem:s30], [sflag:$0x2] =	stream.indirect.gather @!p1 [hbm4b:s1+s28], $0x80, s28, s28, $0xb8;
	[tilespmem:$0x18D80] =	vst v63  }
0x7b: {  	s28 =	simm.s32 @!p0 $0x1  }
.Ltmp3:
0x7c: {  	_ =	swait.ge @!p0 [sflag:s28], $0x2000;
	(pc) =	sbr.rel .LBB2_4-.Ltmp3, $4  }
0x7d: {  	[sflag:s28] =	ssyncset.done @!p0 $0x0  }
0x7e: {  	s30 =	simm.s32 $0x4EC0;
	[sflag:s28] =	ssyncadd.s32 @!p0 $0xFFFFE000;
	s28 =	simm.s32 @!p0 $0x4E80  }
0x7f: {  	[spmem:s3] =	stream.indirect.scatter.add.f32 @!p0 [tilespmem:s29], [sflag:$0x3], $0x80, s28, s26, $0xb8;
	[tilespmem:$0x18D80] =	vst v63  }
0x80: {  	s26 =	simm.s32 $0x1;
	s28 =	simm.s32 $0x80;
	s29 =	simm.s32 $0x2  }
.LBB2_6:
0x81: {  	s29 =	sadd.s32 $0x1, s29  }
0x82: {  	p1 =	sne.s32 s29, $0x13A  }
.Ltmp4:
0x83: {  	_ = 	snop;
	(pc) =	sbr.rel @!p1 .LBB2_7-.Ltmp4, $2  }
0x84: {  	_ =	sdelay $0x2  }
0x85: {  	s28 =	sadd.s32 $0x40, s28;
	s30 =	sadd.s32 $0x40, s30  }
.LBB2_4:
0x86: {  	s31 =	sadd.s32 $0xFFFFFFFF, s29  }
0x87: {  	p1 =	sge.s32 s31, s25;
	s31 =	sand.u32 $0x1, s31  }
0x88: {  	p3 =	sne.s32 @!p1 s31, $0x0  }
0x89: {  	p2 =	por p3, p1  }
0x8a: {  	s2 =	simm.s32 @!p2 $0x4;
	p4 =	sge.u32 @!p2 s29, s25  }
0x8b: {  	p6 =	seq.s32 s31, $0x1;
	_ =	swait.ge @!p2 [sflag:s2], $0x2000;
	p3 =	por @!p1 p4, p3  }
0x8c: {  	[sflag:s2] =	ssyncset.done @!p2 $0x0;
	p3 =	por p3, p1;
	p1 =	por p1, !p6  }
0x8d: {  	[sflag:s2] =	ssyncadd.s32 @!p2 $0xFFFFE000;
	s2 =	simm.s32 @!p3 $0x40;
	s0 =	simm.s32 @!p3 $0xBD80  }
0x8e: {  	[tilespmem:s0], [sflag:$0x2] =	stream.indirect.gather @!p3 [hbm4b:s1+s2], $0x80, s28, s2, $0xb8;
	[tilespmem:$0x18D80] =	vst v63  }
.Ltmp5:
0x8f: {  	s0 =	simm.s32 @!p2 $0x1;
	(pc) =	sbr.rel @p1 .LBB2_6-.Ltmp5, $4  }
0x90: {  	_ =	swait.ge @!p2 [sflag:s0], $0x2000  }
0x91: {  	s26 =	sadd.s32 $0x1, s26;
	[sflag:s0] =	ssyncset.done @!p2 $0x0  }
0x92: {  	s2 =	simm.s32 @!p2 $0x9D80;
	[sflag:s0] =	ssyncadd.s32 @!p2 $0xFFFFE000;
	s0 =	simm.s32 @!p2 $0x40  }
0x93: {  	[spmem:s3] =	stream.indirect.scatter.add.f32 @!p2 [tilespmem:s2], [sflag:$0x3], $0x80, s30, s0, $0xb8;
	[tilespmem:$0x18D80] =	vst v63  }
0x94: {  	_ =	swait.ge [sflag:s20], $0x2000  }
0x95: {  	p1 =	sge.s32 s29, s25;
	[sflag:s20] =	ssyncset.done $0x0  }
0x96: {  	s0 =	simm.s32 @!p1 $0x40;
	s2 =	simm.s32 @!p1 $0x9D80;
	[sflag:s20] =	ssyncadd.s32 $0xFFFFE000  }
0x97: {  	[tilespmem:s2], [sflag:$0x1] =	stream.indirect.gather @!p1 [hbm4b:s1+s0], $0x80, s28, s0, $0xb8;
	[tilespmem:$0x18D80] =	vst v63  }
.Ltmp6:
0x98: {  	_ = 	snop;
	(pc) =	sbr.rel .LBB2_6-.Ltmp6, $4  }
0x99: {  	_ =	swait.ge [sflag:s21], $0x2000  }
0x9a: {  	[sflag:s21] =	ssyncset.done $0x0  }
0x9b: {  	[sflag:s21] =	ssyncadd.s32 $0xFFFFE000  }
0x9c: {  	[spmem:s3] =	stream.indirect.scatter.add.f32 [tilespmem:s23], [sflag:$0x4], $0x80, s30, s22, $0xb8;
	[tilespmem:$0x18D80] =	vst v63  }
.LBB2_8:
0x9d: {  	_ =	sfence.sel $0x180000  }
0x9e: {  	[bflag:$0x0] =	sbarrier.arrive $0xFFFF  }
0x9f: {  	_ =	strace $0x90000047  }
0xa0: {  	s0 =	stileid.u32;
	[bflag:$0x2] =	sbarrier.arrive $0xFFFF  }
0xa1: {  	p0 =	sne.s32 s0, $0x0;
	s0 =	rddreg [dreg:$0x4]  }
0xa2: {  	s0 =	sadd.s32 @!p0 $0x100000, s0  }
0xa3: {  	[sflag:s0] =	ssyncadd.tile.s32 @!p0 $0x1;
	_ =	shalt  }
.Lfunc_end2:
_tile_overlayer_lowered:
.L_overlay_start_2:
0xa4: {  	(tag) =	ssettag $0x2  }
0xa5: {  	s0 =	rddreg [dreg:$0x0];
	s2 =	stileid.u32  }
0xa6: {  	s1 =	rddreg [dreg:$0x1];
	p0 =	sne.s32 s2, $0x0  }
0xa7: {  	s3 =	rddreg [dreg:$0x2];
	[bflag:$0x3] =	sbarrier.arrive $0xFFFF;
	s2 =	simm.s32 @!p0 $0x1C05  }
0xa8: {  	[timem:s3], [sflag:s2] =	dma.local @!p0 [hbm:s0], s1  }
0xa9: {  	s0 =	simm.s32 @!p0 $0x5  }
0xaa: {  	_ =	swait.ge @!p0 [sflag:s0], s1  }
0xab: {  	s1 =	ssub.s32 @!p0 $0x0, s1;
	[sflag:s0] =	ssyncset.done @!p0 $0x0  }
0xac: {  	[sflag:s0] =	ssyncadd.s32 @!p0 s1  }
0xad: {  	[bflag:$0x3] =	sbarrier.arrive $0xFFFF  }
0xae: {  	_ =	shalt  }

</sc_bundles>
